<compile_context>
chip_gen: v7x
topology: tpu7x:2x2x1
jax: 0.10.2.dev20260603
libtpu: 0.0.44.dev20260713+nightly
codegen_flags: <defaults>
</compile_context>

<pallas_src>
import functools

import jax
import jax.numpy as jnp
from jax import lax
from jax.experimental import pallas as pl
from jax.experimental.pallas import tpu as pltpu
from jax.experimental.pallas import tpu_sc as plsc

N = 10000
D = 128
N_PAD = 10240
DUMP = N
NTILES = 32
BLK = 128
ROWS_PER_TILE = N_PAD // 16
DEG_W = 128

_mesh = plsc.VectorSubcoreMesh(core_axis_name="c", subcore_axis_name="s")


def _zero_vmem(buf, nrows, width):
    z = jnp.zeros((16,), jnp.float32)

    def row(i, _):
        for j in range(width // 16):
            buf[i, pl.ds(j * 16, 16)] = z
        return 0

    lax.fori_loop(0, nrows, row, 0)


def _deg_body(dst_hbm, out_hbm, dst_v, ones_v, acc, sem):
    cid = lax.axis_index("c")
    sid = lax.axis_index("s")
    wid = cid * 16 + sid
    nblk = dst_v.shape[0]

    pltpu.sync_copy(dst_hbm.at[wid], dst_v)

    _zero_vmem(ones_v, BLK, DEG_W)
    for k in range(ROWS_PER_TILE // BLK):
        pltpu.sync_copy(ones_v, acc.at[pl.ds(sid * ROWS_PER_TILE + k * BLK, BLK)])
    plsc.subcore_barrier()

    one = jnp.ones((16,), jnp.float32)

    def row(i, _):
        for j in range(DEG_W // 16):
            ones_v[i, pl.ds(j * 16, 16)] = one
        return 0

    lax.fori_loop(0, BLK, row, 0)

    def blk(i, _):
        pltpu.sync_copy(ones_v, acc.at[dst_v.at[i]], add=True)
        return 0

    lax.fori_loop(0, nblk, blk, 0)
    plsc.subcore_barrier()

    for k in range(ROWS_PER_TILE // BLK):
        off = sid * ROWS_PER_TILE + k * BLK
        pltpu.sync_copy(acc.at[pl.ds(off, BLK)], out_hbm.at[cid, pl.ds(off, BLK)])


def _make_deg_kernel(nblk):
    return pl.kernel(
        _deg_body,
        out_type=jax.ShapeDtypeStruct((2, N_PAD, DEG_W), jnp.float32),
        mesh=_mesh,
        scratch_types=[
            pltpu.VMEM((nblk, BLK), jnp.int32),
            pltpu.VMEM((BLK, DEG_W), jnp.float32),
            pltpu.VMEM_SHARED((N_PAD, DEG_W), jnp.float32),
            pltpu.SemaphoreType.DMA,
        ],
    )


def _make_agg_kernel(nb0, nb1):
    nbmax = max(nb0, nb1)

    def body(src0, dst0, src1, dst1, xw_hbm, out_hbm, src_v, dst_v, rows_v,
             acc, sem):
        cid = lax.axis_index("c")
        sid = lax.axis_index("s")

        def run(src_hbm, dst_hbm, nb):
            pltpu.sync_copy(src_hbm.at[sid], src_v.at[pl.ds(0, nb)])
            pltpu.sync_copy(dst_hbm.at[sid], dst_v.at[pl.ds(0, nb)])

            def blk(i, _):
                pltpu.async_copy(xw_hbm.at[src_v.at[i]], rows_v, sem).wait()
                pltpu.sync_copy(rows_v, acc.at[dst_v.at[i]], add=True)
                return 0

            lax.fori_loop(0, nb, blk, 0)

        _zero_vmem(rows_v, BLK, D)
        for k in range(ROWS_PER_TILE // BLK):
            pltpu.sync_copy(rows_v, acc.at[pl.ds(sid * ROWS_PER_TILE + k * BLK, BLK)])
        plsc.subcore_barrier()

        @pl.when(cid == 0)
        def _():
            run(src0, dst0, nb0)

        @pl.when(cid == 1)
        def _():
            run(src1, dst1, nb1)

        plsc.subcore_barrier()

        for k in range(ROWS_PER_TILE // BLK):
            off = sid * ROWS_PER_TILE + k * BLK
            pltpu.sync_copy(acc.at[pl.ds(off, BLK)], out_hbm.at[cid, pl.ds(off, BLK)])

    return pl.kernel(
        body,
        out_type=jax.ShapeDtypeStruct((2, N_PAD, D), jnp.float32),
        mesh=_mesh,
        scratch_types=[
            pltpu.VMEM((nbmax, BLK), jnp.int32),
            pltpu.VMEM((nbmax, BLK), jnp.int32),
            pltpu.VMEM((BLK, D), jnp.float32),
            pltpu.VMEM_SHARED((N_PAD, D), jnp.float32),
            pltpu.SemaphoreType.DMA,
        ],
    )



_BR = 512


def _mm0_body(x_ref, w_ref, xw_ref):
    xw_ref[...] = jnp.dot(x_ref[...], w_ref[...],
                          preferred_element_type=jnp.float32)


def _scale_body(deg_ref, xw_ref, dis_ref, xws_ref):
    deg = deg_ref[0, :, 0] + deg_ref[1, :, 0] + 1.0
    dis = lax.rsqrt(deg)
    dis_ref[...] = dis[:, None]
    xws_ref[...] = xw_ref[...] * dis[:, None]


def _layer_body(agg_ref, xws_ref, dis_ref, b_ref, w_ref, out_ref):
    dis = dis_ref[...]
    pre = (agg_ref[0] + agg_ref[1] + xws_ref[...]) * dis + b_ref[...]
    h = jnp.maximum(pre, 0.0)
    out_ref[...] = jnp.dot(h, w_ref[...],
                           preferred_element_type=jnp.float32) * dis


def _final_body(agg_ref, xws_ref, dis_ref, b_ref, w_ref, bc_ref, out_ref):
    dis = dis_ref[...]
    h = (agg_ref[0] + agg_ref[1] + xws_ref[...]) * dis + b_ref[...]
    out_ref[...] = jnp.dot(h, w_ref[...],
                           preferred_element_type=jnp.float32) + bc_ref[...]


def _mm0(x_pad, W0):
    grid = (N_PAD // _BR,)
    return pl.pallas_call(
        _mm0_body,
        grid=grid,
        in_specs=[
            pl.BlockSpec((_BR, D), lambda i: (i, 0)),
            pl.BlockSpec((D, D), lambda i: (0, 0)),
        ],
        out_specs=pl.BlockSpec((_BR, D), lambda i: (i, 0)),
        out_shape=jax.ShapeDtypeStruct((N_PAD, D), jnp.float32),
    )(x_pad, W0)


def _scale(deg_parts, xw0):
    grid = (N_PAD // _BR,)
    return pl.pallas_call(
        _scale_body,
        grid=grid,
        in_specs=[
            pl.BlockSpec((2, _BR, DEG_W), lambda i: (0, i, 0)),
            pl.BlockSpec((_BR, D), lambda i: (i, 0)),
        ],
        out_specs=[
            pl.BlockSpec((_BR, 1), lambda i: (i, 0)),
            pl.BlockSpec((_BR, D), lambda i: (i, 0)),
        ],
        out_shape=[
            jax.ShapeDtypeStruct((N_PAD, 1), jnp.float32),
            jax.ShapeDtypeStruct((N_PAD, D), jnp.float32),
        ],
    )(deg_parts, xw0)


def _layer(agg, xws, dis, b, W, final, bc=None):
    grid = (N_PAD // _BR,)
    body = _final_body if final else _layer_body
    ins = [
        pl.BlockSpec((2, _BR, D), lambda i: (0, i, 0)),
        pl.BlockSpec((_BR, D), lambda i: (i, 0)),
        pl.BlockSpec((_BR, 1), lambda i: (i, 0)),
        pl.BlockSpec((1, D), lambda i: (0, 0)),
        pl.BlockSpec((D, D), lambda i: (0, 0)),
    ]
    args = [agg, xws, dis, b.reshape(1, D), W]
    if final:
        ins.append(pl.BlockSpec((1, D), lambda i: (0, 0)))
        args.append(bc.reshape(1, D))
    return pl.pallas_call(
        body,
        grid=grid,
        in_specs=ins,
        out_specs=pl.BlockSpec((_BR, D), lambda i: (i, 0)),
        out_shape=jax.ShapeDtypeStruct((N_PAD, D), jnp.float32),
    )(*args)


F0 = 0.58


@jax.jit
def kernel(x, edge_index, W0, b0, W1, b1, W2, b2, Wc, bc):
    n, d = x.shape
    E = edge_index.shape[1]
    ept = -(-E // NTILES)
    nblk = -(-ept // BLK)
    e_pad = NTILES * nblk * BLK

    src = edge_index[0]
    dst = edge_index[1]
    pad = jnp.full((e_pad - E,), DUMP, jnp.int32)
    src_p = jnp.concatenate([src, pad]).reshape(NTILES, nblk, BLK)
    dst_p = jnp.concatenate([dst, pad]).reshape(NTILES, nblk, BLK)

    nb0 = min(2 * nblk, max(1, -(-int(E * F0) // (16 * BLK))))
    e0 = 16 * nb0 * BLK
    nb1 = -(-(E - e0) // (16 * BLK))
    e1_pad = 16 * nb1 * BLK
    pad1 = jnp.full((e0 + e1_pad - E,), DUMP, jnp.int32)
    src0 = src[:e0].reshape(16, nb0, BLK)
    dst0 = dst[:e0].reshape(16, nb0, BLK)
    src1 = jnp.concatenate([src[e0:], pad1]).reshape(16, nb1, BLK)
    dst1 = jnp.concatenate([dst[e0:], pad1]).reshape(16, nb1, BLK)

    x_pad = jnp.zeros((N_PAD, D), x.dtype).at[:n].set(x)

    xw0 = _mm0(x_pad, W0)
    deg_parts = _make_deg_kernel(nblk)(dst_p)
    dis, xws = _scale(deg_parts, xw0)

    agg_k = _make_agg_kernel(nb0, nb1)

    agg0 = agg_k(src0, dst0, src1, dst1, xws)
    xws1 = _layer(agg0, xws, dis, b0, W1, final=False)
    agg1 = agg_k(src0, dst0, src1, dst1, xws1)
    xws2 = _layer(agg1, xws1, dis, b1, W2, final=False)
    agg2 = agg_k(src0, dst0, src1, dst1, xws2)

    Wc_pad = jnp.zeros((D, D), Wc.dtype).at[:, :Wc.shape[1]].set(Wc)
    bc_pad = jnp.zeros((D,), bc.dtype).at[:Wc.shape[1]].set(bc)
    logits_full = _layer(agg2, xws2, dis, b2, Wc_pad, final=True, bc=bc_pad)
    return logits_full[:n, :Wc.shape[1]]

# --- scband reference (transcript-rebuilt; emitter-appended) ---
"""Pipeline reference for scband-gcnnet-24824910970942 (READ-ONLY COPY).

The authoritative reference and input builder live on the scoring server;
editing this copy changes nothing except your own understanding.
"""

import jax, jax.numpy as jnp
import numpy as np

N = 10000
E = 320000
D = 128
H = 128
C = 40


def setup_inputs(seed: int = 0) -> dict:
    key = jax.random.key(seed)
    ks = jax.random.split(key, 12)
    x = jax.random.normal(ks[0], (N, D), dtype=jnp.float32)
    edge_index = jax.random.randint(ks[1], (2, E), 0, N, dtype=jnp.int32)
    # GCNConv layer 0: in D -> H
    W0 = jax.random.normal(ks[2], (D, H), dtype=jnp.float32) / np.sqrt(D)
    b0 = jnp.zeros((H,), dtype=jnp.float32)
    # GCNConv layers 1,2: H -> H
    W1 = jax.random.normal(ks[3], (H, H), dtype=jnp.float32) / np.sqrt(H)
    b1 = jnp.zeros((H,), dtype=jnp.float32)
    W2 = jax.random.normal(ks[4], (H, H), dtype=jnp.float32) / np.sqrt(H)
    b2 = jnp.zeros((H,), dtype=jnp.float32)
    # final classifier: H -> C
    Wc = jax.random.normal(ks[5], (H, C), dtype=jnp.float32) / np.sqrt(H)
    bc = jnp.zeros((C,), dtype=jnp.float32)
    return {"x": x, "edge_index": edge_index, "W0": W0, "b0": b0,
            "W1": W1, "b1": b1, "W2": W2, "b2": b2, "Wc": Wc, "bc": bc}


def _gcn_conv(x, src, dst, deg_inv_sqrt, W, b):
    # x' = W x  (lin with bias=False), then symmetric-normalized aggregation, then + bias
    xw = x @ W
    norm = deg_inv_sqrt[src] * deg_inv_sqrt[dst]
    msg = xw[src] * norm[:, None]
    out = jnp.zeros((x.shape[0], xw.shape[1]), dtype=xw.dtype).at[dst].add(msg)
    return out + b


def reference(x, edge_index, W0, b0, W1, b1, W2, b2, Wc, bc):
    n = x.shape[0]
    loop = jnp.arange(n, dtype=edge_index.dtype)
    src = jnp.concatenate([edge_index[0], loop])
    dst = jnp.concatenate([edge_index[1], loop])
    ones = jnp.ones(src.shape[0], dtype=x.dtype)
    deg = jnp.zeros((n,), dtype=x.dtype).at[dst].add(ones)
    deg_inv_sqrt = jnp.where(deg > 0, jax.lax.rsqrt(jnp.maximum(deg, 1e-12)), 0.0)

    h = _gcn_conv(x, src, dst, deg_inv_sqrt, W0, b0)
    h = jax.nn.relu(h)
    h = _gcn_conv(h, src, dst, deg_inv_sqrt, W1, b1)
    h = jax.nn.relu(h)
    h = _gcn_conv(h, src, dst, deg_inv_sqrt, W2, b2)
    logits = h @ Wc + bc
    return logits

if __name__ == "__main__":
    import jax
    _d = setup_inputs()
    print(jax.jit(kernel)(*tuple(_d.values())))

</pallas_src>

<mosaic_0001>
#map = affine_map<(d0, d1) -> (0, 0, 0)>
module attributes {stable_mosaic.version = 14 : i64} {
  func.func @_deg_body(%arg0: i32, %arg1: i32, %arg2: memref<32x79x128xi32, #tpu.memory_space<hbm>>, %arg3: memref<2x10240x128xf32, #tpu.memory_space<hbm>>, %arg4: memref<79x128xi32, #tpu.memory_space<vmem>>, %arg5: memref<128x128xf32, #tpu.memory_space<vmem>>, %arg6: memref<10240x128xf32, #tpu.memory_space<vmem_shared>>, %arg7: memref<!tpu.dma_semaphore, #tpu.memory_space<semaphore_mem>>) attributes {dimension_semantics = [#tpu.dimension_semantics<core_parallel>, #tpu.dimension_semantics<subcore_parallel>], iteration_bounds = array<i64: 2, 16>, scalar_prefetch = 0 : i64, scratch_operands = 4 : i64, tpu.core_type = #tpu.core_type<sc_vector_subcore>, window_params = [{transform_indices = #map}, {transform_indices = #map}]} {
    %mul3A = arith.constant 16 : i32
    %mul3A_0 = arith.muli %arg0, %mul3A : i32
    %add3A = arith.addi %mul3A_0, %arg1 : i32
    "tpu.region"() ({
      %run_scoped3A = tpu.sem_alloc : memref<!tpu.dma_semaphore, #tpu.memory_space<semaphore_mem>>
      %dma_start3A = arith.constant 0 : i32
      %dma_start3A_65 = arith.constant 0 : i32
      %dma_start3A_66 = tpu.memref_slice %arg2[%add3A, %dma_start3A, %dma_start3A_65] : memref<32x79x128xi32, #tpu.memory_space<hbm>> -> memref<1x79x128xi32, #tpu.memory_space<hbm>>
      %dma_start3A_67 = tpu.memref_squeeze %dma_start3A_66 : memref<1x79x128xi32, #tpu.memory_space<hbm>> -> memref<79x128xi32, #tpu.memory_space<hbm>>
      %dma_start3A_68 = arith.constant 0 : i32
      %dma_start3A_69 = arith.constant 0 : i32
      %dma_start3A_70 = tpu.memref_slice %arg2[%add3A, %dma_start3A_68, %dma_start3A_69] : memref<32x79x128xi32, #tpu.memory_space<hbm>> -> memref<1x79x128xi32, #tpu.memory_space<hbm>>
      %dma_start3A_71 = tpu.memref_squeeze %dma_start3A_70 : memref<1x79x128xi32, #tpu.memory_space<hbm>> -> memref<79x128xi32, #tpu.memory_space<hbm>>
      tpu.enqueue_dma source(%dma_start3A_71 : memref<79x128xi32, #tpu.memory_space<hbm>>) target(%arg4 : memref<79x128xi32, #tpu.memory_space<vmem>>) target_semaphore(%run_scoped3A : memref<!tpu.dma_semaphore, #tpu.memory_space<semaphore_mem>>)
      %dma_wait3A = arith.constant 0 : i32
      %dma_wait3A_72 = arith.constant 0 : i32
      %dma_wait3A_73 = tpu.memref_slice %arg2[%add3A, %dma_wait3A, %dma_wait3A_72] : memref<32x79x128xi32, #tpu.memory_space<hbm>> -> memref<1x79x128xi32, #tpu.memory_space<hbm>>
      %dma_wait3A_74 = tpu.memref_squeeze %dma_wait3A_73 : memref<1x79x128xi32, #tpu.memory_space<hbm>> -> memref<79x128xi32, #tpu.memory_space<hbm>>
      %dma_wait3A_75 = arith.constant 0 : i32
      %dma_wait3A_76 = arith.constant 0 : i32
      %dma_wait3A_77 = tpu.memref_slice %arg2[%add3A, %dma_wait3A_75, %dma_wait3A_76] : memref<32x79x128xi32, #tpu.memory_space<hbm>> -> memref<1x79x128xi32, #tpu.memory_space<hbm>>
      %dma_wait3A_78 = tpu.memref_squeeze %dma_wait3A_77 : memref<1x79x128xi32, #tpu.memory_space<hbm>> -> memref<79x128xi32, #tpu.memory_space<hbm>>
      tpu.wait_dma2 semaphore(%run_scoped3A : memref<!tpu.dma_semaphore, #tpu.memory_space<semaphore_mem>>) src(%dma_wait3A_78 : memref<79x128xi32, #tpu.memory_space<hbm>>) dst(%arg4 : memref<79x128xi32, #tpu.memory_space<vmem>>)
      tpu.yield
    }) : () -> ()
    %broadcast_in_dim3A = arith.constant 0.000000e+00 : f32
    %broadcast_in_dim3A_1 = vector.broadcast %broadcast_in_dim3A : f32 to vector<16xf32>
    %scan3A = arith.constant 0 : i32
    %scan3A_2 = arith.constant 0 : i32
    %scan3A_3 = arith.constant 128 : i32
    %scan3A_4 = arith.addi %scan3A_2, %scan3A_3 : i32
    %scan3A_5 = arith.constant 1 : i32
    %scan3A_6 = scf.for %scan3A_65 = %scan3A_2 to %scan3A_4 step %scan3A_5 iter_args(%scan3A_66 = %scan3A) -> (i32)  : i32 {
      %swap3A = arith.index_cast %scan3A_65 : i32 to index
      %swap3A_67 = arith.constant 0 : index
      %swap3A_68 = tpu.vector_load %arg5[%swap3A, %swap3A_67] {strides = array<i32>} : memref<128x128xf32, #tpu.memory_space<vmem>>, vector<1x16xf32>,
      %swap3A_69 = vector.shape_cast %swap3A_68 : vector<1x16xf32> to vector<16xf32>
      %swap3A_70 = vector.shape_cast %broadcast_in_dim3A_1 : vector<16xf32> to vector<1x16xf32>
      tpu.vector_store %arg5[%swap3A, %swap3A_67], %swap3A_70 {strides = array<i32>} : memref<128x128xf32, #tpu.memory_space<vmem>>, vector<1x16xf32>,
      %swap3A_71 = arith.index_cast %scan3A_65 : i32 to index
      %swap3A_72 = arith.constant 16 : index
      %swap3A_73 = tpu.vector_load %arg5[%swap3A_71, %swap3A_72] {strides = array<i32>} : memref<128x128xf32, #tpu.memory_space<vmem>>, vector<1x16xf32>,
      %swap3A_74 = vector.shape_cast %swap3A_73 : vector<1x16xf32> to vector<16xf32>
      %swap3A_75 = vector.shape_cast %broadcast_in_dim3A_1 : vector<16xf32> to vector<1x16xf32>
      tpu.vector_store %arg5[%swap3A_71, %swap3A_72], %swap3A_75 {strides = array<i32>} : memref<128x128xf32, #tpu.memory_space<vmem>>, vector<1x16xf32>,
      %swap3A_76 = arith.index_cast %scan3A_65 : i32 to index
      %swap3A_77 = arith.constant 32 : index
      %swap3A_78 = tpu.vector_load %arg5[%swap3A_76, %swap3A_77] {strides = array<i32>} : memref<128x128xf32, #tpu.memory_space<vmem>>, vector<1x16xf32>,
      %swap3A_79 = vector.shape_cast %swap3A_78 : vector<1x16xf32> to vector<16xf32>
      %swap3A_80 = vector.shape_cast %broadcast_in_dim3A_1 : vector<16xf32> to vector<1x16xf32>
      tpu.vector_store %arg5[%swap3A_76, %swap3A_77], %swap3A_80 {strides = array<i32>} : memref<128x128xf32, #tpu.memory_space<vmem>>, vector<1x16xf32>,
      %swap3A_81 = arith.index_cast %scan3A_65 : i32 to index
      %swap3A_82 = arith.constant 48 : index
      %swap3A_83 = tpu.vector_load %arg5[%swap3A_81, %swap3A_82] {strides = array<i32>} : memref<128x128xf32, #tpu.memory_space<vmem>>, vector<1x16xf32>,
      %swap3A_84 = vector.shape_cast %swap3A_83 : vector<1x16xf32> to vector<16xf32>
      %swap3A_85 = vector.shape_cast %broadcast_in_dim3A_1 : vector<16xf32> to vector<1x16xf32>
      tpu.vector_store %arg5[%swap3A_81, %swap3A_82], %swap3A_85 {strides = array<i32>} : memref<128x128xf32, #tpu.memory_space<vmem>>, vector<1x16xf32>,
      %swap3A_86 = arith.index_cast %scan3A_65 : i32 to index
      %swap3A_87 = arith.constant 64 : index
      %swap3A_88 = tpu.vector_load %arg5[%swap3A_86, %swap3A_87] {strides = array<i32>} : memref<128x128xf32, #tpu.memory_space<vmem>>, vector<1x16xf32>,
      %swap3A_89 = vector.shape_cast %swap3A_88 : vector<1x16xf32> to vector<16xf32>
      %swap3A_90 = vector.shape_cast %broadcast_in_dim3A_1 : vector<16xf32> to vector<1x16xf32>
      tpu.vector_store %arg5[%swap3A_86, %swap3A_87], %swap3A_90 {strides = array<i32>} : memref<128x128xf32, #tpu.memory_space<vmem>>, vector<1x16xf32>,
      %swap3A_91 = arith.index_cast %scan3A_65 : i32 to index
      %swap3A_92 = arith.constant 80 : index
      %swap3A_93 = tpu.vector_load %arg5[%swap3A_91, %swap3A_92] {strides = array<i32>} : memref<128x128xf32, #tpu.memory_space<vmem>>, vector<1x16xf32>,
      %swap3A_94 = vector.shape_cast %swap3A_93 : vector<1x16xf32> to vector<16xf32>
      %swap3A_95 = vector.shape_cast %broadcast_in_dim3A_1 : vector<16xf32> to vector<1x16xf32>
      tpu.vector_store %arg5[%swap3A_91, %swap3A_92], %swap3A_95 {strides = array<i32>} : memref<128x128xf32, #tpu.memory_space<vmem>>, vector<1x16xf32>,
      %swap3A_96 = arith.index_cast %scan3A_65 : i32 to index
      %swap3A_97 = arith.constant 96 : index
      %swap3A_98 = tpu.vector_load %arg5[%swap3A_96, %swap3A_97] {strides = array<i32>} : memref<128x128xf32, #tpu.memory_space<vmem>>, vector<1x16xf32>,
      %swap3A_99 = vector.shape_cast %swap3A_98 : vector<1x16xf32> to vector<16xf32>
      %swap3A_100 = vector.shape_cast %broadcast_in_dim3A_1 : vector<16xf32> to vector<1x16xf32>
      tpu.vector_store %arg5[%swap3A_96, %swap3A_97], %swap3A_100 {strides = array<i32>} : memref<128x128xf32, #tpu.memory_space<vmem>>, vector<1x16xf32>,
      %swap3A_101 = arith.index_cast %scan3A_65 : i32 to index
      %swap3A_102 = arith.constant 112 : index
      %swap3A_103 = tpu.vector_load %arg5[%swap3A_101, %swap3A_102] {strides = array<i32>} : memref<128x128xf32, #tpu.memory_space<vmem>>, vector<1x16xf32>,
      %swap3A_104 = vector.shape_cast %swap3A_103 : vector<1x16xf32> to vector<16xf32>
      %swap3A_105 = vector.shape_cast %broadcast_in_dim3A_1 : vector<16xf32> to vector<1x16xf32>
      tpu.vector_store %arg5[%swap3A_101, %swap3A_102], %swap3A_105 {strides = array<i32>} : memref<128x128xf32, #tpu.memory_space<vmem>>, vector<1x16xf32>,
      %scan3A_106 = arith.constant 0 : i32
      scf.yield %scan3A_106 : i32
    }
    %scan3A_7 = arith.constant 128 : i32
    %mul3A_8 = arith.constant 640 : i32
    %mul3A_9 = arith.muli %arg1, %mul3A_8 : i32
    %add3A_10 = arith.constant 0 : i32
    %add3A_11 = arith.addi %mul3A_9, %add3A_10 : i32
    "tpu.region"() ({
      %run_scoped3A = tpu.sem_alloc : memref<!tpu.dma_semaphore, #tpu.memory_space<semaphore_mem>>
      %dma_start3A = arith.constant 0 : i32
      %dma_start3A_65 = tpu.memref_slice %arg6[%add3A_11, %dma_start3A] : memref<10240x128xf32, #tpu.memory_space<vmem_shared>> -> memref<128x128xf32, #tpu.memory_space<vmem_shared>>
      %dma_start3A_66 = arith.constant 0 : i32
      %dma_start3A_67 = tpu.memref_slice %arg6[%add3A_11, %dma_start3A_66] : memref<10240x128xf32, #tpu.memory_space<vmem_shared>> -> memref<128x128xf32, #tpu.memory_space<vmem_shared>>
      tpu.enqueue_dma source(%arg5 : memref<128x128xf32, #tpu.memory_space<vmem>>) target(%dma_start3A_67 : memref<128x128xf32, #tpu.memory_space<vmem_shared>>) target_semaphore(%run_scoped3A : memref<!tpu.dma_semaphore, #tpu.memory_space<semaphore_mem>>)
      %dma_wait3A = arith.constant 0 : i32
      %dma_wait3A_68 = tpu.memref_slice %arg6[%add3A_11, %dma_wait3A] : memref<10240x128xf32, #tpu.memory_space<vmem_shared>> -> memref<128x128xf32, #tpu.memory_space<vmem_shared>>
      %dma_wait3A_69 = arith.constant 0 : i32
      %dma_wait3A_70 = tpu.memref_slice %arg6[%add3A_11, %dma_wait3A_69] : memref<10240x128xf32, #tpu.memory_space<vmem_shared>> -> memref<128x128xf32, #tpu.memory_space<vmem_shared>>
      tpu.wait_dma2 semaphore(%run_scoped3A : memref<!tpu.dma_semaphore, #tpu.memory_space<semaphore_mem>>) src(%arg5 : memref<128x128xf32, #tpu.memory_space<vmem>>) dst(%dma_wait3A_70 : memref<128x128xf32, #tpu.memory_space<vmem_shared>>)
      tpu.yield
    }) : () -> ()
    %mul3A_12 = arith.constant 640 : i32
    %mul3A_13 = arith.muli %arg1, %mul3A_12 : i32
    %add3A_14 = arith.constant 128 : i32
    %add3A_15 = arith.addi %mul3A_13, %add3A_14 : i32
    "tpu.region"() ({
      %run_scoped3A = tpu.sem_alloc : memref<!tpu.dma_semaphore, #tpu.memory_space<semaphore_mem>>
      %dma_start3A = arith.constant 0 : i32
      %dma_start3A_65 = tpu.memref_slice %arg6[%add3A_15, %dma_start3A] : memref<10240x128xf32, #tpu.memory_space<vmem_shared>> -> memref<128x128xf32, #tpu.memory_space<vmem_shared>>
      %dma_start3A_66 = arith.constant 0 : i32
      %dma_start3A_67 = tpu.memref_slice %arg6[%add3A_15, %dma_start3A_66] : memref<10240x128xf32, #tpu.memory_space<vmem_shared>> -> memref<128x128xf32, #tpu.memory_space<vmem_shared>>
      tpu.enqueue_dma source(%arg5 : memref<128x128xf32, #tpu.memory_space<vmem>>) target(%dma_start3A_67 : memref<128x128xf32, #tpu.memory_space<vmem_shared>>) target_semaphore(%run_scoped3A : memref<!tpu.dma_semaphore, #tpu.memory_space<semaphore_mem>>)
      %dma_wait3A = arith.constant 0 : i32
      %dma_wait3A_68 = tpu.memref_slice %arg6[%add3A_15, %dma_wait3A] : memref<10240x128xf32, #tpu.memory_space<vmem_shared>> -> memref<128x128xf32, #tpu.memory_space<vmem_shared>>
      %dma_wait3A_69 = arith.constant 0 : i32
      %dma_wait3A_70 = tpu.memref_slice %arg6[%add3A_15, %dma_wait3A_69] : memref<10240x128xf32, #tpu.memory_space<vmem_shared>> -> memref<128x128xf32, #tpu.memory_space<vmem_shared>>
      tpu.wait_dma2 semaphore(%run_scoped3A : memref<!tpu.dma_semaphore, #tpu.memory_space<semaphore_mem>>) src(%arg5 : memref<128x128xf32, #tpu.memory_space<vmem>>) dst(%dma_wait3A_70 : memref<128x128xf32, #tpu.memory_space<vmem_shared>>)
      tpu.yield
    }) : () -> ()
    %mul3A_16 = arith.constant 640 : i32
    %mul3A_17 = arith.muli %arg1, %mul3A_16 : i32
    %add3A_18 = arith.constant 256 : i32
    %add3A_19 = arith.addi %mul3A_17, %add3A_18 : i32
    "tpu.region"() ({
      %run_scoped3A = tpu.sem_alloc : memref<!tpu.dma_semaphore, #tpu.memory_space<semaphore_mem>>
      %dma_start3A = arith.constant 0 : i32
      %dma_start3A_65 = tpu.memref_slice %arg6[%add3A_19, %dma_start3A] : memref<10240x128xf32, #tpu.memory_space<vmem_shared>> -> memref<128x128xf32, #tpu.memory_space<vmem_shared>>
      %dma_start3A_66 = arith.constant 0 : i32
      %dma_start3A_67 = tpu.memref_slice %arg6[%add3A_19, %dma_start3A_66] : memref<10240x128xf32, #tpu.memory_space<vmem_shared>> -> memref<128x128xf32, #tpu.memory_space<vmem_shared>>
      tpu.enqueue_dma source(%arg5 : memref<128x128xf32, #tpu.memory_space<vmem>>) target(%dma_start3A_67 : memref<128x128xf32, #tpu.memory_space<vmem_shared>>) target_semaphore(%run_scoped3A : memref<!tpu.dma_semaphore, #tpu.memory_space<semaphore_mem>>)
      %dma_wait3A = arith.constant 0 : i32
      %dma_wait3A_68 = tpu.memref_slice %arg6[%add3A_19, %dma_wait3A] : memref<10240x128xf32, #tpu.memory_space<vmem_shared>> -> memref<128x128xf32, #tpu.memory_space<vmem_shared>>
      %dma_wait3A_69 = arith.constant 0 : i32
      %dma_wait3A_70 = tpu.memref_slice %arg6[%add3A_19, %dma_wait3A_69] : memref<10240x128xf32, #tpu.memory_space<vmem_shared>> -> memref<128x128xf32, #tpu.memory_space<vmem_shared>>
      tpu.wait_dma2 semaphore(%run_scoped3A : memref<!tpu.dma_semaphore, #tpu.memory_space<semaphore_mem>>) src(%arg5 : memref<128x128xf32, #tpu.memory_space<vmem>>) dst(%dma_wait3A_70 : memref<128x128xf32, #tpu.memory_space<vmem_shared>>)
      tpu.yield
    }) : () -> ()
    %mul3A_20 = arith.constant 640 : i32
    %mul3A_21 = arith.muli %arg1, %mul3A_20 : i32
    %add3A_22 = arith.constant 384 : i32
    %add3A_23 = arith.addi %mul3A_21, %add3A_22 : i32
    "tpu.region"() ({
      %run_scoped3A = tpu.sem_alloc : memref<!tpu.dma_semaphore, #tpu.memory_space<semaphore_mem>>
      %dma_start3A = arith.constant 0 : i32
      %dma_start3A_65 = tpu.memref_slice %arg6[%add3A_23, %dma_start3A] : memref<10240x128xf32, #tpu.memory_space<vmem_shared>> -> memref<128x128xf32, #tpu.memory_space<vmem_shared>>
      %dma_start3A_66 = arith.constant 0 : i32
      %dma_start3A_67 = tpu.memref_slice %arg6[%add3A_23, %dma_start3A_66] : memref<10240x128xf32, #tpu.memory_space<vmem_shared>> -> memref<128x128xf32, #tpu.memory_space<vmem_shared>>
      tpu.enqueue_dma source(%arg5 : memref<128x128xf32, #tpu.memory_space<vmem>>) target(%dma_start3A_67 : memref<128x128xf32, #tpu.memory_space<vmem_shared>>) target_semaphore(%run_scoped3A : memref<!tpu.dma_semaphore, #tpu.memory_space<semaphore_mem>>)
      %dma_wait3A = arith.constant 0 : i32
      %dma_wait3A_68 = tpu.memref_slice %arg6[%add3A_23, %dma_wait3A] : memref<10240x128xf32, #tpu.memory_space<vmem_shared>> -> memref<128x128xf32, #tpu.memory_space<vmem_shared>>
      %dma_wait3A_69 = arith.constant 0 : i32
      %dma_wait3A_70 = tpu.memref_slice %arg6[%add3A_23, %dma_wait3A_69] : memref<10240x128xf32, #tpu.memory_space<vmem_shared>> -> memref<128x128xf32, #tpu.memory_space<vmem_shared>>
      tpu.wait_dma2 semaphore(%run_scoped3A : memref<!tpu.dma_semaphore, #tpu.memory_space<semaphore_mem>>) src(%arg5 : memref<128x128xf32, #tpu.memory_space<vmem>>) dst(%dma_wait3A_70 : memref<128x128xf32, #tpu.memory_space<vmem_shared>>)
      tpu.yield
    }) : () -> ()
    %mul3A_24 = arith.constant 640 : i32
    %mul3A_25 = arith.muli %arg1, %mul3A_24 : i32
    %add3A_26 = arith.constant 512 : i32
    %add3A_27 = arith.addi %mul3A_25, %add3A_26 : i32
    "tpu.region"() ({
      %run_scoped3A = tpu.sem_alloc : memref<!tpu.dma_semaphore, #tpu.memory_space<semaphore_mem>>
      %dma_start3A = arith.constant 0 : i32
      %dma_start3A_65 = tpu.memref_slice %arg6[%add3A_27, %dma_start3A] : memref<10240x128xf32, #tpu.memory_space<vmem_shared>> -> memref<128x128xf32, #tpu.memory_space<vmem_shared>>
      %dma_start3A_66 = arith.constant 0 : i32
      %dma_start3A_67 = tpu.memref_slice %arg6[%add3A_27, %dma_start3A_66] : memref<10240x128xf32, #tpu.memory_space<vmem_shared>> -> memref<128x128xf32, #tpu.memory_space<vmem_shared>>
      tpu.enqueue_dma source(%arg5 : memref<128x128xf32, #tpu.memory_space<vmem>>) target(%dma_start3A_67 : memref<128x128xf32, #tpu.memory_space<vmem_shared>>) target_semaphore(%run_scoped3A : memref<!tpu.dma_semaphore, #tpu.memory_space<semaphore_mem>>)
      %dma_wait3A = arith.constant 0 : i32
      %dma_wait3A_68 = tpu.memref_slice %arg6[%add3A_27, %dma_wait3A] : memref<10240x128xf32, #tpu.memory_space<vmem_shared>> -> memref<128x128xf32, #tpu.memory_space<vmem_shared>>
      %dma_wait3A_69 = arith.constant 0 : i32
      %dma_wait3A_70 = tpu.memref_slice %arg6[%add3A_27, %dma_wait3A_69] : memref<10240x128xf32, #tpu.memory_space<vmem_shared>> -> memref<128x128xf32, #tpu.memory_space<vmem_shared>>
      tpu.wait_dma2 semaphore(%run_scoped3A : memref<!tpu.dma_semaphore, #tpu.memory_space<semaphore_mem>>) src(%arg5 : memref<128x128xf32, #tpu.memory_space<vmem>>) dst(%dma_wait3A_70 : memref<128x128xf32, #tpu.memory_space<vmem_shared>>)
      tpu.yield
    }) : () -> ()
    %barrier3A = arith.constant 0 : index
    tpu.barrier barrier_id(%barrier3A)
    %broadcast_in_dim3A_28 = arith.constant 1.000000e+00 : f32
    %broadcast_in_dim3A_29 = vector.broadcast %broadcast_in_dim3A_28 : f32 to vector<16xf32>
    %scan3A_30 = arith.constant 0 : i32
    %scan3A_31 = arith.constant 0 : i32
    %scan3A_32 = arith.constant 128 : i32
    %scan3A_33 = arith.addi %scan3A_31, %scan3A_32 : i32
    %scan3A_34 = arith.constant 1 : i32
    %scan3A_35 = scf.for %scan3A_65 = %scan3A_31 to %scan3A_33 step %scan3A_34 iter_args(%scan3A_66 = %scan3A_30) -> (i32)  : i32 {
      %swap3A = arith.index_cast %scan3A_65 : i32 to index
      %swap3A_67 = arith.constant 0 : index
      %swap3A_68 = tpu.vector_load %arg5[%swap3A, %swap3A_67] {strides = array<i32>} : memref<128x128xf32, #tpu.memory_space<vmem>>, vector<1x16xf32>,
      %swap3A_69 = vector.shape_cast %swap3A_68 : vector<1x16xf32> to vector<16xf32>
      %swap3A_70 = vector.shape_cast %broadcast_in_dim3A_29 : vector<16xf32> to vector<1x16xf32>
      tpu.vector_store %arg5[%swap3A, %swap3A_67], %swap3A_70 {strides = array<i32>} : memref<128x128xf32, #tpu.memory_space<vmem>>, vector<1x16xf32>,
      %swap3A_71 = arith.index_cast %scan3A_65 : i32 to index
      %swap3A_72 = arith.constant 16 : index
      %swap3A_73 = tpu.vector_load %arg5[%swap3A_71, %swap3A_72] {strides = array<i32>} : memref<128x128xf32, #tpu.memory_space<vmem>>, vector<1x16xf32>,
      %swap3A_74 = vector.shape_cast %swap3A_73 : vector<1x16xf32> to vector<16xf32>
      %swap3A_75 = vector.shape_cast %broadcast_in_dim3A_29 : vector<16xf32> to vector<1x16xf32>
      tpu.vector_store %arg5[%swap3A_71, %swap3A_72], %swap3A_75 {strides = array<i32>} : memref<128x128xf32, #tpu.memory_space<vmem>>, vector<1x16xf32>,
      %swap3A_76 = arith.index_cast %scan3A_65 : i32 to index
      %swap3A_77 = arith.constant 32 : index
      %swap3A_78 = tpu.vector_load %arg5[%swap3A_76, %swap3A_77] {strides = array<i32>} : memref<128x128xf32, #tpu.memory_space<vmem>>, vector<1x16xf32>,
      %swap3A_79 = vector.shape_cast %swap3A_78 : vector<1x16xf32> to vector<16xf32>
      %swap3A_80 = vector.shape_cast %broadcast_in_dim3A_29 : vector<16xf32> to vector<1x16xf32>
      tpu.vector_store %arg5[%swap3A_76, %swap3A_77], %swap3A_80 {strides = array<i32>} : memref<128x128xf32, #tpu.memory_space<vmem>>, vector<1x16xf32>,
      %swap3A_81 = arith.index_cast %scan3A_65 : i32 to index
      %swap3A_82 = arith.constant 48 : index
      %swap3A_83 = tpu.vector_load %arg5[%swap3A_81, %swap3A_82] {strides = array<i32>} : memref<128x128xf32, #tpu.memory_space<vmem>>, vector<1x16xf32>,
      %swap3A_84 = vector.shape_cast %swap3A_83 : vector<1x16xf32> to vector<16xf32>
      %swap3A_85 = vector.shape_cast %broadcast_in_dim3A_29 : vector<16xf32> to vector<1x16xf32>
      tpu.vector_store %arg5[%swap3A_81, %swap3A_82], %swap3A_85 {strides = array<i32>} : memref<128x128xf32, #tpu.memory_space<vmem>>, vector<1x16xf32>,
      %swap3A_86 = arith.index_cast %scan3A_65 : i32 to index
      %swap3A_87 = arith.constant 64 : index
      %swap3A_88 = tpu.vector_load %arg5[%swap3A_86, %swap3A_87] {strides = array<i32>} : memref<128x128xf32, #tpu.memory_space<vmem>>, vector<1x16xf32>,
      %swap3A_89 = vector.shape_cast %swap3A_88 : vector<1x16xf32> to vector<16xf32>
      %swap3A_90 = vector.shape_cast %broadcast_in_dim3A_29 : vector<16xf32> to vector<1x16xf32>
      tpu.vector_store %arg5[%swap3A_86, %swap3A_87], %swap3A_90 {strides = array<i32>} : memref<128x128xf32, #tpu.memory_space<vmem>>, vector<1x16xf32>,
      %swap3A_91 = arith.index_cast %scan3A_65 : i32 to index
      %swap3A_92 = arith.constant 80 : index
      %swap3A_93 = tpu.vector_load %arg5[%swap3A_91, %swap3A_92] {strides = array<i32>} : memref<128x128xf32, #tpu.memory_space<vmem>>, vector<1x16xf32>,
      %swap3A_94 = vector.shape_cast %swap3A_93 : vector<1x16xf32> to vector<16xf32>
      %swap3A_95 = vector.shape_cast %broadcast_in_dim3A_29 : vector<16xf32> to vector<1x16xf32>
      tpu.vector_store %arg5[%swap3A_91, %swap3A_92], %swap3A_95 {strides = array<i32>} : memref<128x128xf32, #tpu.memory_space<vmem>>, vector<1x16xf32>,
      %swap3A_96 = arith.index_cast %scan3A_65 : i32 to index
      %swap3A_97 = arith.constant 96 : index
      %swap3A_98 = tpu.vector_load %arg5[%swap3A_96, %swap3A_97] {strides = array<i32>} : memref<128x128xf32, #tpu.memory_space<vmem>>, vector<1x16xf32>,
      %swap3A_99 = vector.shape_cast %swap3A_98 : vector<1x16xf32> to vector<16xf32>
      %swap3A_100 = vector.shape_cast %broadcast_in_dim3A_29 : vector<16xf32> to vector<1x16xf32>
      tpu.vector_store %arg5[%swap3A_96, %swap3A_97], %swap3A_100 {strides = array<i32>} : memref<128x128xf32, #tpu.memory_space<vmem>>, vector<1x16xf32>,
      %swap3A_101 = arith.index_cast %scan3A_65 : i32 to index
      %swap3A_102 = arith.constant 112 : index
      %swap3A_103 = tpu.vector_load %arg5[%swap3A_101, %swap3A_102] {strides = array<i32>} : memref<128x128xf32, #tpu.memory_space<vmem>>, vector<1x16xf32>,
      %swap3A_104 = vector.shape_cast %swap3A_103 : vector<1x16xf32> to vector<16xf32>
      %swap3A_105 = vector.shape_cast %broadcast_in_dim3A_29 : vector<16xf32> to vector<1x16xf32>
      tpu.vector_store %arg5[%swap3A_101, %swap3A_102], %swap3A_105 {strides = array<i32>} : memref<128x128xf32, #tpu.memory_space<vmem>>, vector<1x16xf32>,
      %scan3A_106 = arith.constant 0 : i32
      scf.yield %scan3A_106 : i32
    }
    %scan3A_36 = arith.constant 128 : i32
    %scan3A_37 = arith.constant 0 : i32
    %scan3A_38 = arith.constant 0 : i32
    %scan3A_39 = arith.constant 79 : i32
    %scan3A_40 = arith.addi %scan3A_38, %scan3A_39 : i32
    %scan3A_41 = arith.constant 1 : i32
    %scan3A_42 = scf.for %scan3A_65 = %scan3A_38 to %scan3A_40 step %scan3A_41 iter_args(%scan3A_66 = %scan3A_37) -> (i32)  : i32 {
      "tpu.region"() ({
        %run_scoped3A = tpu.sem_alloc : memref<!tpu.dma_semaphore, #tpu.memory_space<semaphore_mem>>
        %dma_start3A = arith.constant 0 : i32
        %dma_start3A_68 = tpu.memref_slice %arg4[%scan3A_65, %dma_start3A] : memref<79x128xi32, #tpu.memory_space<vmem>> -> memref<1x128xi32, #tpu.memory_space<vmem>>
        %dma_start3A_69 = tpu.memref_squeeze %dma_start3A_68 : memref<1x128xi32, #tpu.memory_space<vmem>> -> memref<128xi32, #tpu.memory_space<vmem>>
        %dma_start3A_70 = arith.constant 0 : i32
        %dma_start3A_71 = arith.constant 0 : i32
        %dma_start3A_72 = tpu.memref_slice %arg6[%dma_start3A_70, %dma_start3A_71] : memref<10240x128xf32, #tpu.memory_space<vmem_shared>> -> memref<10240x128xf32, #tpu.memory_space<vmem_shared>>
        tpu.enqueue_indirect_dma source(%arg5 : memref<128x128xf32, #tpu.memory_space<vmem>>) target(%dma_start3A_72 : memref<10240x128xf32, #tpu.memory_space<vmem_shared>>) offsets(%dma_start3A_69 : memref<128xi32, #tpu.memory_space<vmem>>) semaphore(%run_scoped3A : memref<!tpu.dma_semaphore, #tpu.memory_space<semaphore_mem>>) {add = true}
        %dma_wait3A = arith.constant 0 : i32
        %dma_wait3A_73 = tpu.memref_slice %arg4[%scan3A_65, %dma_wait3A] : memref<79x128xi32, #tpu.memory_space<vmem>> -> memref<1x128xi32, #tpu.memory_space<vmem>>
        %dma_wait3A_74 = tpu.memref_squeeze %dma_wait3A_73 : memref<1x128xi32, #tpu.memory_space<vmem>> -> memref<128xi32, #tpu.memory_space<vmem>>
        %dma_wait3A_75 = arith.constant 0 : i32
        %dma_wait3A_76 = arith.constant 0 : i32
        %dma_wait3A_77 = tpu.memref_slice %arg6[%dma_wait3A_75, %dma_wait3A_76] : memref<10240x128xf32, #tpu.memory_space<vmem_shared>> -> memref<10240x128xf32, #tpu.memory_space<vmem_shared>>
        tpu.wait_indirect_dma semaphore(%run_scoped3A : memref<!tpu.dma_semaphore, #tpu.memory_space<semaphore_mem>>) src(%arg5 : memref<128x128xf32, #tpu.memory_space<vmem>>) dst(%dma_wait3A_77 : memref<10240x128xf32, #tpu.memory_space<vmem_shared>>)
        tpu.yield
      }) : () -> ()
      %scan3A_67 = arith.constant 0 : i32
      scf.yield %scan3A_67 : i32
    }
    %scan3A_43 = arith.constant 79 : i32
    %barrier3A_44 = arith.constant 0 : index
    tpu.barrier barrier_id(%barrier3A_44)
    %mul3A_45 = arith.constant 640 : i32
    %mul3A_46 = arith.muli %arg1, %mul3A_45 : i32
    %add3A_47 = arith.constant 0 : i32
    %add3A_48 = arith.addi %mul3A_46, %add3A_47 : i32
    "tpu.region"() ({
      %run_scoped3A = tpu.sem_alloc : memref<!tpu.dma_semaphore, #tpu.memory_space<semaphore_mem>>
      %dma_start3A = arith.constant 0 : i32
      %dma_start3A_65 = tpu.memref_slice %arg3[%arg0, %add3A_48, %dma_start3A] : memref<2x10240x128xf32, #tpu.memory_space<hbm>> -> memref<1x128x128xf32, #tpu.memory_space<hbm>>
      %dma_start3A_66 = tpu.memref_squeeze %dma_start3A_65 : memref<1x128x128xf32, #tpu.memory_space<hbm>> -> memref<128x128xf32, #tpu.memory_space<hbm>>
      %dma_start3A_67 = arith.constant 0 : i32
      %dma_start3A_68 = tpu.memref_slice %arg6[%add3A_48, %dma_start3A_67] : memref<10240x128xf32, #tpu.memory_space<vmem_shared>> -> memref<128x128xf32, #tpu.memory_space<vmem_shared>>
      tpu.enqueue_dma source(%dma_start3A_68 : memref<128x128xf32, #tpu.memory_space<vmem_shared>>) target(%dma_start3A_66 : memref<128x128xf32, #tpu.memory_space<hbm>>) target_semaphore(%run_scoped3A : memref<!tpu.dma_semaphore, #tpu.memory_space<semaphore_mem>>)
      %dma_wait3A = arith.constant 0 : i32
      %dma_wait3A_69 = tpu.memref_slice %arg3[%arg0, %add3A_48, %dma_wait3A] : memref<2x10240x128xf32, #tpu.memory_space<hbm>> -> memref<1x128x128xf32, #tpu.memory_space<hbm>>
      %dma_wait3A_70 = tpu.memref_squeeze %dma_wait3A_69 : memref<1x128x128xf32, #tpu.memory_space<hbm>> -> memref<128x128xf32, #tpu.memory_space<hbm>>
      %dma_wait3A_71 = arith.constant 0 : i32
      %dma_wait3A_72 = tpu.memref_slice %arg6[%add3A_48, %dma_wait3A_71] : memref<10240x128xf32, #tpu.memory_space<vmem_shared>> -> memref<128x128xf32, #tpu.memory_space<vmem_shared>>
      tpu.wait_dma2 semaphore(%run_scoped3A : memref<!tpu.dma_semaphore, #tpu.memory_space<semaphore_mem>>) src(%dma_wait3A_72 : memref<128x128xf32, #tpu.memory_space<vmem_shared>>) dst(%dma_wait3A_70 : memref<128x128xf32, #tpu.memory_space<hbm>>)
      tpu.yield
    }) : () -> ()
    %mul3A_49 = arith.constant 640 : i32
    %mul3A_50 = arith.muli %arg1, %mul3A_49 : i32
    %add3A_51 = arith.constant 128 : i32
    %add3A_52 = arith.addi %mul3A_50, %add3A_51 : i32
    "tpu.region"() ({
      %run_scoped3A = tpu.sem_alloc : memref<!tpu.dma_semaphore, #tpu.memory_space<semaphore_mem>>
      %dma_start3A = arith.constant 0 : i32
      %dma_start3A_65 = tpu.memref_slice %arg3[%arg0, %add3A_52, %dma_start3A] : memref<2x10240x128xf32, #tpu.memory_space<hbm>> -> memref<1x128x128xf32, #tpu.memory_space<hbm>>
      %dma_start3A_66 = tpu.memref_squeeze %dma_start3A_65 : memref<1x128x128xf32, #tpu.memory_space<hbm>> -> memref<128x128xf32, #tpu.memory_space<hbm>>
      %dma_start3A_67 = arith.constant 0 : i32
      %dma_start3A_68 = tpu.memref_slice %arg6[%add3A_52, %dma_start3A_67] : memref<10240x128xf32, #tpu.memory_space<vmem_shared>> -> memref<128x128xf32, #tpu.memory_space<vmem_shared>>
      tpu.enqueue_dma source(%dma_start3A_68 : memref<128x128xf32, #tpu.memory_space<vmem_shared>>) target(%dma_start3A_66 : memref<128x128xf32, #tpu.memory_space<hbm>>) target_semaphore(%run_scoped3A : memref<!tpu.dma_semaphore, #tpu.memory_space<semaphore_mem>>)
      %dma_wait3A = arith.constant 0 : i32
      %dma_wait3A_69 = tpu.memref_slice %arg3[%arg0, %add3A_52, %dma_wait3A] : memref<2x10240x128xf32, #tpu.memory_space<hbm>> -> memref<1x128x128xf32, #tpu.memory_space<hbm>>
      %dma_wait3A_70 = tpu.memref_squeeze %dma_wait3A_69 : memref<1x128x128xf32, #tpu.memory_space<hbm>> -> memref<128x128xf32, #tpu.memory_space<hbm>>
      %dma_wait3A_71 = arith.constant 0 : i32
      %dma_wait3A_72 = tpu.memref_slice %arg6[%add3A_52, %dma_wait3A_71] : memref<10240x128xf32, #tpu.memory_space<vmem_shared>> -> memref<128x128xf32, #tpu.memory_space<vmem_shared>>
      tpu.wait_dma2 semaphore(%run_scoped3A : memref<!tpu.dma_semaphore, #tpu.memory_space<semaphore_mem>>) src(%dma_wait3A_72 : memref<128x128xf32, #tpu.memory_space<vmem_shared>>) dst(%dma_wait3A_70 : memref<128x128xf32, #tpu.memory_space<hbm>>)
      tpu.yield
    }) : () -> ()
    %mul3A_53 = arith.constant 640 : i32
    %mul3A_54 = arith.muli %arg1, %mul3A_53 : i32
    %add3A_55 = arith.constant 256 : i32
    %add3A_56 = arith.addi %mul3A_54, %add3A_55 : i32
    "tpu.region"() ({
      %run_scoped3A = tpu.sem_alloc : memref<!tpu.dma_semaphore, #tpu.memory_space<semaphore_mem>>
      %dma_start3A = arith.constant 0 : i32
      %dma_start3A_65 = tpu.memref_slice %arg3[%arg0, %add3A_56, %dma_start3A] : memref<2x10240x128xf32, #tpu.memory_space<hbm>> -> memref<1x128x128xf32, #tpu.memory_space<hbm>>
      %dma_start3A_66 = tpu.memref_squeeze %dma_start3A_65 : memref<1x128x128xf32, #tpu.memory_space<hbm>> -> memref<128x128xf32, #tpu.memory_space<hbm>>
      %dma_start3A_67 = arith.constant 0 : i32
      %dma_start3A_68 = tpu.memref_slice %arg6[%add3A_56, %dma_start3A_67] : memref<10240x128xf32, #tpu.memory_space<vmem_shared>> -> memref<128x128xf32, #tpu.memory_space<vmem_shared>>
      tpu.enqueue_dma source(%dma_start3A_68 : memref<128x128xf32, #tpu.memory_space<vmem_shared>>) target(%dma_start3A_66 : memref<128x128xf32, #tpu.memory_space<hbm>>) target_semaphore(%run_scoped3A : memref<!tpu.dma_semaphore, #tpu.memory_space<semaphore_mem>>)
      %dma_wait3A = arith.constant 0 : i32
      %dma_wait3A_69 = tpu.memref_slice %arg3[%arg0, %add3A_56, %dma_wait3A] : memref<2x10240x128xf32, #tpu.memory_space<hbm>> -> memref<1x128x128xf32, #tpu.memory_space<hbm>>
      %dma_wait3A_70 = tpu.memref_squeeze %dma_wait3A_69 : memref<1x128x128xf32, #tpu.memory_space<hbm>> -> memref<128x128xf32, #tpu.memory_space<hbm>>
      %dma_wait3A_71 = arith.constant 0 : i32
      %dma_wait3A_72 = tpu.memref_slice %arg6[%add3A_56, %dma_wait3A_71] : memref<10240x128xf32, #tpu.memory_space<vmem_shared>> -> memref<128x128xf32, #tpu.memory_space<vmem_shared>>
      tpu.wait_dma2 semaphore(%run_scoped3A : memref<!tpu.dma_semaphore, #tpu.memory_space<semaphore_mem>>) src(%dma_wait3A_72 : memref<128x128xf32, #tpu.memory_space<vmem_shared>>) dst(%dma_wait3A_70 : memref<128x128xf32, #tpu.memory_space<hbm>>)
      tpu.yield
    }) : () -> ()
    %mul3A_57 = arith.constant 640 : i32
    %mul3A_58 = arith.muli %arg1, %mul3A_57 : i32
    %add3A_59 = arith.constant 384 : i32
    %add3A_60 = arith.addi %mul3A_58, %add3A_59 : i32
    "tpu.region"() ({
      %run_scoped3A = tpu.sem_alloc : memref<!tpu.dma_semaphore, #tpu.memory_space<semaphore_mem>>
      %dma_start3A = arith.constant 0 : i32
      %dma_start3A_65 = tpu.memref_slice %arg3[%arg0, %add3A_60, %dma_start3A] : memref<2x10240x128xf32, #tpu.memory_space<hbm>> -> memref<1x128x128xf32, #tpu.memory_space<hbm>>
      %dma_start3A_66 = tpu.memref_squeeze %dma_start3A_65 : memref<1x128x128xf32, #tpu.memory_space<hbm>> -> memref<128x128xf32, #tpu.memory_space<hbm>>
      %dma_start3A_67 = arith.constant 0 : i32
      %dma_start3A_68 = tpu.memref_slice %arg6[%add3A_60, %dma_start3A_67] : memref<10240x128xf32, #tpu.memory_space<vmem_shared>> -> memref<128x128xf32, #tpu.memory_space<vmem_shared>>
      tpu.enqueue_dma source(%dma_start3A_68 : memref<128x128xf32, #tpu.memory_space<vmem_shared>>) target(%dma_start3A_66 : memref<128x128xf32, #tpu.memory_space<hbm>>) target_semaphore(%run_scoped3A : memref<!tpu.dma_semaphore, #tpu.memory_space<semaphore_mem>>)
      %dma_wait3A = arith.constant 0 : i32
      %dma_wait3A_69 = tpu.memref_slice %arg3[%arg0, %add3A_60, %dma_wait3A] : memref<2x10240x128xf32, #tpu.memory_space<hbm>> -> memref<1x128x128xf32, #tpu.memory_space<hbm>>
      %dma_wait3A_70 = tpu.memref_squeeze %dma_wait3A_69 : memref<1x128x128xf32, #tpu.memory_space<hbm>> -> memref<128x128xf32, #tpu.memory_space<hbm>>
      %dma_wait3A_71 = arith.constant 0 : i32
      %dma_wait3A_72 = tpu.memref_slice %arg6[%add3A_60, %dma_wait3A_71] : memref<10240x128xf32, #tpu.memory_space<vmem_shared>> -> memref<128x128xf32, #tpu.memory_space<vmem_shared>>
      tpu.wait_dma2 semaphore(%run_scoped3A : memref<!tpu.dma_semaphore, #tpu.memory_space<semaphore_mem>>) src(%dma_wait3A_72 : memref<128x128xf32, #tpu.memory_space<vmem_shared>>) dst(%dma_wait3A_70 : memref<128x128xf32, #tpu.memory_space<hbm>>)
      tpu.yield
    }) : () -> ()
    %mul3A_61 = arith.constant 640 : i32
    %mul3A_62 = arith.muli %arg1, %mul3A_61 : i32
    %add3A_63 = arith.constant 512 : i32
    %add3A_64 = arith.addi %mul3A_62, %add3A_63 : i32
    "tpu.region"() ({
      %run_scoped3A = tpu.sem_alloc : memref<!tpu.dma_semaphore, #tpu.memory_space<semaphore_mem>>
      %dma_start3A = arith.constant 0 : i32
      %dma_start3A_65 = tpu.memref_slice %arg3[%arg0, %add3A_64, %dma_start3A] : memref<2x10240x128xf32, #tpu.memory_space<hbm>> -> memref<1x128x128xf32, #tpu.memory_space<hbm>>
      %dma_start3A_66 = tpu.memref_squeeze %dma_start3A_65 : memref<1x128x128xf32, #tpu.memory_space<hbm>> -> memref<128x128xf32, #tpu.memory_space<hbm>>
      %dma_start3A_67 = arith.constant 0 : i32
      %dma_start3A_68 = tpu.memref_slice %arg6[%add3A_64, %dma_start3A_67] : memref<10240x128xf32, #tpu.memory_space<vmem_shared>> -> memref<128x128xf32, #tpu.memory_space<vmem_shared>>
      tpu.enqueue_dma source(%dma_start3A_68 : memref<128x128xf32, #tpu.memory_space<vmem_shared>>) target(%dma_start3A_66 : memref<128x128xf32, #tpu.memory_space<hbm>>) target_semaphore(%run_scoped3A : memref<!tpu.dma_semaphore, #tpu.memory_space<semaphore_mem>>)
      %dma_wait3A = arith.constant 0 : i32
      %dma_wait3A_69 = tpu.memref_slice %arg3[%arg0, %add3A_64, %dma_wait3A] : memref<2x10240x128xf32, #tpu.memory_space<hbm>> -> memref<1x128x128xf32, #tpu.memory_space<hbm>>
      %dma_wait3A_70 = tpu.memref_squeeze %dma_wait3A_69 : memref<1x128x128xf32, #tpu.memory_space<hbm>> -> memref<128x128xf32, #tpu.memory_space<hbm>>
      %dma_wait3A_71 = arith.constant 0 : i32
      %dma_wait3A_72 = tpu.memref_slice %arg6[%add3A_64, %dma_wait3A_71] : memref<10240x128xf32, #tpu.memory_space<vmem_shared>> -> memref<128x128xf32, #tpu.memory_space<vmem_shared>>
      tpu.wait_dma2 semaphore(%run_scoped3A : memref<!tpu.dma_semaphore, #tpu.memory_space<semaphore_mem>>) src(%dma_wait3A_72 : memref<128x128xf32, #tpu.memory_space<vmem_shared>>) dst(%dma_wait3A_70 : memref<128x128xf32, #tpu.memory_space<hbm>>)
      tpu.yield
    }) : () -> ()
    return
  }
}

#map = affine_map<(d0, d1) -> (0, 0, 0)>
#map1 = affine_map<(d0, d1) -> (0, 0)>
module attributes {stable_mosaic.version = 14 : i64} {
  func.func @body(%arg0: i32, %arg1: i32, %arg2: memref<16x91x128xi32, #tpu.memory_space<hbm>>, %arg3: memref<16x91x128xi32, #tpu.memory_space<hbm>>, %arg4: memref<16x66x128xi32, #tpu.memory_space<hbm>>, %arg5: memref<16x66x128xi32, #tpu.memory_space<hbm>>, %arg6: memref<10240x128xf32, #tpu.memory_space<hbm>>, %arg7: memref<2x10240x128xf32, #tpu.memory_space<hbm>>, %arg8: memref<91x128xi32, #tpu.memory_space<vmem>>, %arg9: memref<91x128xi32, #tpu.memory_space<vmem>>, %arg10: memref<128x128xf32, #tpu.memory_space<vmem>>, %arg11: memref<10240x128xf32, #tpu.memory_space<vmem_shared>>, %arg12: memref<!tpu.dma_semaphore, #tpu.memory_space<semaphore_mem>>) attributes {dimension_semantics = [#tpu.dimension_semantics<core_parallel>, #tpu.dimension_semantics<subcore_parallel>], iteration_bounds = array<i64: 2, 16>, scalar_prefetch = 0 : i64, scratch_operands = 5 : i64, tpu.core_type = #tpu.core_type<sc_vector_subcore>, window_params = [{transform_indices = #map}, {transform_indices = #map}, {transform_indices = #map}, {transform_indices = #map}, {transform_indices = #map1}, {transform_indices = #map}]} {
    %broadcast_in_dim3A = arith.constant 0.000000e+00 : f32
    %broadcast_in_dim3A_0 = vector.broadcast %broadcast_in_dim3A : f32 to vector<16xf32>
    %scan3A = arith.constant 0 : i32
    %scan3A_1 = arith.constant 0 : i32
    %scan3A_2 = arith.constant 128 : i32
    %scan3A_3 = arith.addi %scan3A_1, %scan3A_2 : i32
    %scan3A_4 = arith.constant 1 : i32
    %scan3A_5 = scf.for %scan3A_53 = %scan3A_1 to %scan3A_3 step %scan3A_4 iter_args(%scan3A_54 = %scan3A) -> (i32)  : i32 {
      %swap3A = arith.index_cast %scan3A_53 : i32 to index
      %swap3A_55 = arith.constant 0 : index
      %swap3A_56 = tpu.vector_load %arg10[%swap3A, %swap3A_55] {strides = array<i32>} : memref<128x128xf32, #tpu.memory_space<vmem>>, vector<1x16xf32>,
      %swap3A_57 = vector.shape_cast %swap3A_56 : vector<1x16xf32> to vector<16xf32>
      %swap3A_58 = vector.shape_cast %broadcast_in_dim3A_0 : vector<16xf32> to vector<1x16xf32>
      tpu.vector_store %arg10[%swap3A, %swap3A_55], %swap3A_58 {strides = array<i32>} : memref<128x128xf32, #tpu.memory_space<vmem>>, vector<1x16xf32>,
      %swap3A_59 = arith.index_cast %scan3A_53 : i32 to index
      %swap3A_60 = arith.constant 16 : index
      %swap3A_61 = tpu.vector_load %arg10[%swap3A_59, %swap3A_60] {strides = array<i32>} : memref<128x128xf32, #tpu.memory_space<vmem>>, vector<1x16xf32>,
      %swap3A_62 = vector.shape_cast %swap3A_61 : vector<1x16xf32> to vector<16xf32>
      %swap3A_63 = vector.shape_cast %broadcast_in_dim3A_0 : vector<16xf32> to vector<1x16xf32>
      tpu.vector_store %arg10[%swap3A_59, %swap3A_60], %swap3A_63 {strides = array<i32>} : memref<128x128xf32, #tpu.memory_space<vmem>>, vector<1x16xf32>,
      %swap3A_64 = arith.index_cast %scan3A_53 : i32 to index
      %swap3A_65 = arith.constant 32 : index
      %swap3A_66 = tpu.vector_load %arg10[%swap3A_64, %swap3A_65] {strides = array<i32>} : memref<128x128xf32, #tpu.memory_space<vmem>>, vector<1x16xf32>,
      %swap3A_67 = vector.shape_cast %swap3A_66 : vector<1x16xf32> to vector<16xf32>
      %swap3A_68 = vector.shape_cast %broadcast_in_dim3A_0 : vector<16xf32> to vector<1x16xf32>
      tpu.vector_store %arg10[%swap3A_64, %swap3A_65], %swap3A_68 {strides = array<i32>} : memref<128x128xf32, #tpu.memory_space<vmem>>, vector<1x16xf32>,
      %swap3A_69 = arith.index_cast %scan3A_53 : i32 to index
      %swap3A_70 = arith.constant 48 : index
      %swap3A_71 = tpu.vector_load %arg10[%swap3A_69, %swap3A_70] {strides = array<i32>} : memref<128x128xf32, #tpu.memory_space<vmem>>, vector<1x16xf32>,
      %swap3A_72 = vector.shape_cast %swap3A_71 : vector<1x16xf32> to vector<16xf32>
      %swap3A_73 = vector.shape_cast %broadcast_in_dim3A_0 : vector<16xf32> to vector<1x16xf32>
      tpu.vector_store %arg10[%swap3A_69, %swap3A_70], %swap3A_73 {strides = array<i32>} : memref<128x128xf32, #tpu.memory_space<vmem>>, vector<1x16xf32>,
      %swap3A_74 = arith.index_cast %scan3A_53 : i32 to index
      %swap3A_75 = arith.constant 64 : index
      %swap3A_76 = tpu.vector_load %arg10[%swap3A_74, %swap3A_75] {strides = array<i32>} : memref<128x128xf32, #tpu.memory_space<vmem>>, vector<1x16xf32>,
      %swap3A_77 = vector.shape_cast %swap3A_76 : vector<1x16xf32> to vector<16xf32>
      %swap3A_78 = vector.shape_cast %broadcast_in_dim3A_0 : vector<16xf32> to vector<1x16xf32>
      tpu.vector_store %arg10[%swap3A_74, %swap3A_75], %swap3A_78 {strides = array<i32>} : memref<128x128xf32, #tpu.memory_space<vmem>>, vector<1x16xf32>,
      %swap3A_79 = arith.index_cast %scan3A_53 : i32 to index
      %swap3A_80 = arith.constant 80 : index
      %swap3A_81 = tpu.vector_load %arg10[%swap3A_79, %swap3A_80] {strides = array<i32>} : memref<128x128xf32, #tpu.memory_space<vmem>>, vector<1x16xf32>,
      %swap3A_82 = vector.shape_cast %swap3A_81 : vector<1x16xf32> to vector<16xf32>
      %swap3A_83 = vector.shape_cast %broadcast_in_dim3A_0 : vector<16xf32> to vector<1x16xf32>
      tpu.vector_store %arg10[%swap3A_79, %swap3A_80], %swap3A_83 {strides = array<i32>} : memref<128x128xf32, #tpu.memory_space<vmem>>, vector<1x16xf32>,
      %swap3A_84 = arith.index_cast %scan3A_53 : i32 to index
      %swap3A_85 = arith.constant 96 : index
      %swap3A_86 = tpu.vector_load %arg10[%swap3A_84, %swap3A_85] {strides = array<i32>} : memref<128x128xf32, #tpu.memory_space<vmem>>, vector<1x16xf32>,
      %swap3A_87 = vector.shape_cast %swap3A_86 : vector<1x16xf32> to vector<16xf32>
      %swap3A_88 = vector.shape_cast %broadcast_in_dim3A_0 : vector<16xf32> to vector<1x16xf32>
      tpu.vector_store %arg10[%swap3A_84, %swap3A_85], %swap3A_88 {strides = array<i32>} : memref<128x128xf32, #tpu.memory_space<vmem>>, vector<1x16xf32>,
      %swap3A_89 = arith.index_cast %scan3A_53 : i32 to index
      %swap3A_90 = arith.constant 112 : index
      %swap3A_91 = tpu.vector_load %arg10[%swap3A_89, %swap3A_90] {strides = array<i32>} : memref<128x128xf32, #tpu.memory_space<vmem>>, vector<1x16xf32>,
      %swap3A_92 = vector.shape_cast %swap3A_91 : vector<1x16xf32> to vector<16xf32>
      %swap3A_93 = vector.shape_cast %broadcast_in_dim3A_0 : vector<16xf32> to vector<1x16xf32>
      tpu.vector_store %arg10[%swap3A_89, %swap3A_90], %swap3A_93 {strides = array<i32>} : memref<128x128xf32, #tpu.memory_space<vmem>>, vector<1x16xf32>,
      %scan3A_94 = arith.constant 0 : i32
      scf.yield %scan3A_94 : i32
    }
    %scan3A_6 = arith.constant 128 : i32
    %mul3A = arith.constant 640 : i32
    %mul3A_7 = arith.muli %arg1, %mul3A : i32
    %add3A = arith.constant 0 : i32
    %add3A_8 = arith.addi %mul3A_7, %add3A : i32
    "tpu.region"() ({
      %run_scoped3A = tpu.sem_alloc : memref<!tpu.dma_semaphore, #tpu.memory_space<semaphore_mem>>
      %dma_start3A = arith.constant 0 : i32
      %dma_start3A_53 = tpu.memref_slice %arg11[%add3A_8, %dma_start3A] : memref<10240x128xf32, #tpu.memory_space<vmem_shared>> -> memref<128x128xf32, #tpu.memory_space<vmem_shared>>
      %dma_start3A_54 = arith.constant 0 : i32
      %dma_start3A_55 = tpu.memref_slice %arg11[%add3A_8, %dma_start3A_54] : memref<10240x128xf32, #tpu.memory_space<vmem_shared>> -> memref<128x128xf32, #tpu.memory_space<vmem_shared>>
      tpu.enqueue_dma source(%arg10 : memref<128x128xf32, #tpu.memory_space<vmem>>) target(%dma_start3A_55 : memref<128x128xf32, #tpu.memory_space<vmem_shared>>) target_semaphore(%run_scoped3A : memref<!tpu.dma_semaphore, #tpu.memory_space<semaphore_mem>>)
      %dma_wait3A = arith.constant 0 : i32
      %dma_wait3A_56 = tpu.memref_slice %arg11[%add3A_8, %dma_wait3A] : memref<10240x128xf32, #tpu.memory_space<vmem_shared>> -> memref<128x128xf32, #tpu.memory_space<vmem_shared>>
      %dma_wait3A_57 = arith.constant 0 : i32
      %dma_wait3A_58 = tpu.memref_slice %arg11[%add3A_8, %dma_wait3A_57] : memref<10240x128xf32, #tpu.memory_space<vmem_shared>> -> memref<128x128xf32, #tpu.memory_space<vmem_shared>>
      tpu.wait_dma2 semaphore(%run_scoped3A : memref<!tpu.dma_semaphore, #tpu.memory_space<semaphore_mem>>) src(%arg10 : memref<128x128xf32, #tpu.memory_space<vmem>>) dst(%dma_wait3A_58 : memref<128x128xf32, #tpu.memory_space<vmem_shared>>)
      tpu.yield
    }) : () -> ()
    %mul3A_9 = arith.constant 640 : i32
    %mul3A_10 = arith.muli %arg1, %mul3A_9 : i32
    %add3A_11 = arith.constant 128 : i32
    %add3A_12 = arith.addi %mul3A_10, %add3A_11 : i32
    "tpu.region"() ({
      %run_scoped3A = tpu.sem_alloc : memref<!tpu.dma_semaphore, #tpu.memory_space<semaphore_mem>>
      %dma_start3A = arith.constant 0 : i32
      %dma_start3A_53 = tpu.memref_slice %arg11[%add3A_12, %dma_start3A] : memref<10240x128xf32, #tpu.memory_space<vmem_shared>> -> memref<128x128xf32, #tpu.memory_space<vmem_shared>>
      %dma_start3A_54 = arith.constant 0 : i32
      %dma_start3A_55 = tpu.memref_slice %arg11[%add3A_12, %dma_start3A_54] : memref<10240x128xf32, #tpu.memory_space<vmem_shared>> -> memref<128x128xf32, #tpu.memory_space<vmem_shared>>
      tpu.enqueue_dma source(%arg10 : memref<128x128xf32, #tpu.memory_space<vmem>>) target(%dma_start3A_55 : memref<128x128xf32, #tpu.memory_space<vmem_shared>>) target_semaphore(%run_scoped3A : memref<!tpu.dma_semaphore, #tpu.memory_space<semaphore_mem>>)
      %dma_wait3A = arith.constant 0 : i32
      %dma_wait3A_56 = tpu.memref_slice %arg11[%add3A_12, %dma_wait3A] : memref<10240x128xf32, #tpu.memory_space<vmem_shared>> -> memref<128x128xf32, #tpu.memory_space<vmem_shared>>
      %dma_wait3A_57 = arith.constant 0 : i32
      %dma_wait3A_58 = tpu.memref_slice %arg11[%add3A_12, %dma_wait3A_57] : memref<10240x128xf32, #tpu.memory_space<vmem_shared>> -> memref<128x128xf32, #tpu.memory_space<vmem_shared>>
      tpu.wait_dma2 semaphore(%run_scoped3A : memref<!tpu.dma_semaphore, #tpu.memory_space<semaphore_mem>>) src(%arg10 : memref<128x128xf32, #tpu.memory_space<vmem>>) dst(%dma_wait3A_58 : memref<128x128xf32, #tpu.memory_space<vmem_shared>>)
      tpu.yield
    }) : () -> ()
    %mul3A_13 = arith.constant 640 : i32
    %mul3A_14 = arith.muli %arg1, %mul3A_13 : i32
    %add3A_15 = arith.constant 256 : i32
    %add3A_16 = arith.addi %mul3A_14, %add3A_15 : i32
    "tpu.region"() ({
      %run_scoped3A = tpu.sem_alloc : memref<!tpu.dma_semaphore, #tpu.memory_space<semaphore_mem>>
      %dma_start3A = arith.constant 0 : i32
      %dma_start3A_53 = tpu.memref_slice %arg11[%add3A_16, %dma_start3A] : memref<10240x128xf32, #tpu.memory_space<vmem_shared>> -> memref<128x128xf32, #tpu.memory_space<vmem_shared>>
      %dma_start3A_54 = arith.constant 0 : i32
      %dma_start3A_55 = tpu.memref_slice %arg11[%add3A_16, %dma_start3A_54] : memref<10240x128xf32, #tpu.memory_space<vmem_shared>> -> memref<128x128xf32, #tpu.memory_space<vmem_shared>>
      tpu.enqueue_dma source(%arg10 : memref<128x128xf32, #tpu.memory_space<vmem>>) target(%dma_start3A_55 : memref<128x128xf32, #tpu.memory_space<vmem_shared>>) target_semaphore(%run_scoped3A : memref<!tpu.dma_semaphore, #tpu.memory_space<semaphore_mem>>)
      %dma_wait3A = arith.constant 0 : i32
      %dma_wait3A_56 = tpu.memref_slice %arg11[%add3A_16, %dma_wait3A] : memref<10240x128xf32, #tpu.memory_space<vmem_shared>> -> memref<128x128xf32, #tpu.memory_space<vmem_shared>>
      %dma_wait3A_57 = arith.constant 0 : i32
      %dma_wait3A_58 = tpu.memref_slice %arg11[%add3A_16, %dma_wait3A_57] : memref<10240x128xf32, #tpu.memory_space<vmem_shared>> -> memref<128x128xf32, #tpu.memory_space<vmem_shared>>
      tpu.wait_dma2 semaphore(%run_scoped3A : memref<!tpu.dma_semaphore, #tpu.memory_space<semaphore_mem>>) src(%arg10 : memref<128x128xf32, #tpu.memory_space<vmem>>) dst(%dma_wait3A_58 : memref<128x128xf32, #tpu.memory_space<vmem_shared>>)
      tpu.yield
    }) : () -> ()
    %mul3A_17 = arith.constant 640 : i32
    %mul3A_18 = arith.muli %arg1, %mul3A_17 : i32
    %add3A_19 = arith.constant 384 : i32
    %add3A_20 = arith.addi %mul3A_18, %add3A_19 : i32
    "tpu.region"() ({
      %run_scoped3A = tpu.sem_alloc : memref<!tpu.dma_semaphore, #tpu.memory_space<semaphore_mem>>
      %dma_start3A = arith.constant 0 : i32
      %dma_start3A_53 = tpu.memref_slice %arg11[%add3A_20, %dma_start3A] : memref<10240x128xf32, #tpu.memory_space<vmem_shared>> -> memref<128x128xf32, #tpu.memory_space<vmem_shared>>
      %dma_start3A_54 = arith.constant 0 : i32
      %dma_start3A_55 = tpu.memref_slice %arg11[%add3A_20, %dma_start3A_54] : memref<10240x128xf32, #tpu.memory_space<vmem_shared>> -> memref<128x128xf32, #tpu.memory_space<vmem_shared>>
      tpu.enqueue_dma source(%arg10 : memref<128x128xf32, #tpu.memory_space<vmem>>) target(%dma_start3A_55 : memref<128x128xf32, #tpu.memory_space<vmem_shared>>) target_semaphore(%run_scoped3A : memref<!tpu.dma_semaphore, #tpu.memory_space<semaphore_mem>>)
      %dma_wait3A = arith.constant 0 : i32
      %dma_wait3A_56 = tpu.memref_slice %arg11[%add3A_20, %dma_wait3A] : memref<10240x128xf32, #tpu.memory_space<vmem_shared>> -> memref<128x128xf32, #tpu.memory_space<vmem_shared>>
      %dma_wait3A_57 = arith.constant 0 : i32
      %dma_wait3A_58 = tpu.memref_slice %arg11[%add3A_20, %dma_wait3A_57] : memref<10240x128xf32, #tpu.memory_space<vmem_shared>> -> memref<128x128xf32, #tpu.memory_space<vmem_shared>>
      tpu.wait_dma2 semaphore(%run_scoped3A : memref<!tpu.dma_semaphore, #tpu.memory_space<semaphore_mem>>) src(%arg10 : memref<128x128xf32, #tpu.memory_space<vmem>>) dst(%dma_wait3A_58 : memref<128x128xf32, #tpu.memory_space<vmem_shared>>)
      tpu.yield
    }) : () -> ()
    %mul3A_21 = arith.constant 640 : i32
    %mul3A_22 = arith.muli %arg1, %mul3A_21 : i32
    %add3A_23 = arith.constant 512 : i32
    %add3A_24 = arith.addi %mul3A_22, %add3A_23 : i32
    "tpu.region"() ({
      %run_scoped3A = tpu.sem_alloc : memref<!tpu.dma_semaphore, #tpu.memory_space<semaphore_mem>>
      %dma_start3A = arith.constant 0 : i32
      %dma_start3A_53 = tpu.memref_slice %arg11[%add3A_24, %dma_start3A] : memref<10240x128xf32, #tpu.memory_space<vmem_shared>> -> memref<128x128xf32, #tpu.memory_space<vmem_shared>>
      %dma_start3A_54 = arith.constant 0 : i32
      %dma_start3A_55 = tpu.memref_slice %arg11[%add3A_24, %dma_start3A_54] : memref<10240x128xf32, #tpu.memory_space<vmem_shared>> -> memref<128x128xf32, #tpu.memory_space<vmem_shared>>
      tpu.enqueue_dma source(%arg10 : memref<128x128xf32, #tpu.memory_space<vmem>>) target(%dma_start3A_55 : memref<128x128xf32, #tpu.memory_space<vmem_shared>>) target_semaphore(%run_scoped3A : memref<!tpu.dma_semaphore, #tpu.memory_space<semaphore_mem>>)
      %dma_wait3A = arith.constant 0 : i32
      %dma_wait3A_56 = tpu.memref_slice %arg11[%add3A_24, %dma_wait3A] : memref<10240x128xf32, #tpu.memory_space<vmem_shared>> -> memref<128x128xf32, #tpu.memory_space<vmem_shared>>
      %dma_wait3A_57 = arith.constant 0 : i32
      %dma_wait3A_58 = tpu.memref_slice %arg11[%add3A_24, %dma_wait3A_57] : memref<10240x128xf32, #tpu.memory_space<vmem_shared>> -> memref<128x128xf32, #tpu.memory_space<vmem_shared>>
      tpu.wait_dma2 semaphore(%run_scoped3A : memref<!tpu.dma_semaphore, #tpu.memory_space<semaphore_mem>>) src(%arg10 : memref<128x128xf32, #tpu.memory_space<vmem>>) dst(%dma_wait3A_58 : memref<128x128xf32, #tpu.memory_space<vmem_shared>>)
      tpu.yield
    }) : () -> ()
    %barrier3A = arith.constant 0 : index
    tpu.barrier barrier_id(%barrier3A)
    %eq3A = arith.constant 0 : i32
    %eq3A_25 = arith.cmpi eq, %arg0, %eq3A : i32
    %convert_element_type3A = arith.extui %eq3A_25 : i1 to i32
    %cond3A = arith.constant 0 : i32
    %cond3A_26 = arith.cmpi ne, %convert_element_type3A, %cond3A : i32
    scf.if %cond3A_26 {
      "tpu.region"() ({
        %run_scoped3A = tpu.sem_alloc : memref<!tpu.dma_semaphore, #tpu.memory_space<semaphore_mem>>
        %dma_start3A = arith.constant 0 : i32
        %dma_start3A_60 = arith.constant 0 : i32
        %dma_start3A_61 = tpu.memref_slice %arg8[%dma_start3A, %dma_start3A_60] : memref<91x128xi32, #tpu.memory_space<vmem>> -> memref<91x128xi32, #tpu.memory_space<vmem>>
        %dma_start3A_62 = arith.constant 0 : i32
        %dma_start3A_63 = arith.constant 0 : i32
        %dma_start3A_64 = tpu.memref_slice %arg2[%arg1, %dma_start3A_62, %dma_start3A_63] : memref<16x91x128xi32, #tpu.memory_space<hbm>> -> memref<1x91x128xi32, #tpu.memory_space<hbm>>
        %dma_start3A_65 = tpu.memref_squeeze %dma_start3A_64 : memref<1x91x128xi32, #tpu.memory_space<hbm>> -> memref<91x128xi32, #tpu.memory_space<hbm>>
        %dma_start3A_66 = arith.constant 0 : i32
        %dma_start3A_67 = arith.constant 0 : i32
        %dma_start3A_68 = tpu.memref_slice %arg8[%dma_start3A_66, %dma_start3A_67] : memref<91x128xi32, #tpu.memory_space<vmem>> -> memref<91x128xi32, #tpu.memory_space<vmem>>
        %dma_start3A_69 = arith.constant 0 : i32
        %dma_start3A_70 = arith.constant 0 : i32
        %dma_start3A_71 = tpu.memref_slice %arg2[%arg1, %dma_start3A_69, %dma_start3A_70] : memref<16x91x128xi32, #tpu.memory_space<hbm>> -> memref<1x91x128xi32, #tpu.memory_space<hbm>>
        %dma_start3A_72 = tpu.memref_squeeze %dma_start3A_71 : memref<1x91x128xi32, #tpu.memory_space<hbm>> -> memref<91x128xi32, #tpu.memory_space<hbm>>
        tpu.enqueue_dma source(%dma_start3A_72 : memref<91x128xi32, #tpu.memory_space<hbm>>) target(%dma_start3A_68 : memref<91x128xi32, #tpu.memory_space<vmem>>) target_semaphore(%run_scoped3A : memref<!tpu.dma_semaphore, #tpu.memory_space<semaphore_mem>>)
        %dma_wait3A = arith.constant 0 : i32
        %dma_wait3A_73 = arith.constant 0 : i32
        %dma_wait3A_74 = tpu.memref_slice %arg8[%dma_wait3A, %dma_wait3A_73] : memref<91x128xi32, #tpu.memory_space<vmem>> -> memref<91x128xi32, #tpu.memory_space<vmem>>
        %dma_wait3A_75 = arith.constant 0 : i32
        %dma_wait3A_76 = arith.constant 0 : i32
        %dma_wait3A_77 = tpu.memref_slice %arg2[%arg1, %dma_wait3A_75, %dma_wait3A_76] : memref<16x91x128xi32, #tpu.memory_space<hbm>> -> memref<1x91x128xi32, #tpu.memory_space<hbm>>
        %dma_wait3A_78 = tpu.memref_squeeze %dma_wait3A_77 : memref<1x91x128xi32, #tpu.memory_space<hbm>> -> memref<91x128xi32, #tpu.memory_space<hbm>>
        %dma_wait3A_79 = arith.constant 0 : i32
        %dma_wait3A_80 = arith.constant 0 : i32
        %dma_wait3A_81 = tpu.memref_slice %arg8[%dma_wait3A_79, %dma_wait3A_80] : memref<91x128xi32, #tpu.memory_space<vmem>> -> memref<91x128xi32, #tpu.memory_space<vmem>>
        %dma_wait3A_82 = arith.constant 0 : i32
        %dma_wait3A_83 = arith.constant 0 : i32
        %dma_wait3A_84 = tpu.memref_slice %arg2[%arg1, %dma_wait3A_82, %dma_wait3A_83] : memref<16x91x128xi32, #tpu.memory_space<hbm>> -> memref<1x91x128xi32, #tpu.memory_space<hbm>>
        %dma_wait3A_85 = tpu.memref_squeeze %dma_wait3A_84 : memref<1x91x128xi32, #tpu.memory_space<hbm>> -> memref<91x128xi32, #tpu.memory_space<hbm>>
        tpu.wait_dma2 semaphore(%run_scoped3A : memref<!tpu.dma_semaphore, #tpu.memory_space<semaphore_mem>>) src(%dma_wait3A_85 : memref<91x128xi32, #tpu.memory_space<hbm>>) dst(%dma_wait3A_81 : memref<91x128xi32, #tpu.memory_space<vmem>>)
        tpu.yield
      }) : () -> ()
      "tpu.region"() ({
        %run_scoped3A = tpu.sem_alloc : memref<!tpu.dma_semaphore, #tpu.memory_space<semaphore_mem>>
        %dma_start3A = arith.constant 0 : i32
        %dma_start3A_60 = arith.constant 0 : i32
        %dma_start3A_61 = tpu.memref_slice %arg9[%dma_start3A, %dma_start3A_60] : memref<91x128xi32, #tpu.memory_space<vmem>> -> memref<91x128xi32, #tpu.memory_space<vmem>>
        %dma_start3A_62 = arith.constant 0 : i32
        %dma_start3A_63 = arith.constant 0 : i32
        %dma_start3A_64 = tpu.memref_slice %arg3[%arg1, %dma_start3A_62, %dma_start3A_63] : memref<16x91x128xi32, #tpu.memory_space<hbm>> -> memref<1x91x128xi32, #tpu.memory_space<hbm>>
        %dma_start3A_65 = tpu.memref_squeeze %dma_start3A_64 : memref<1x91x128xi32, #tpu.memory_space<hbm>> -> memref<91x128xi32, #tpu.memory_space<hbm>>
        %dma_start3A_66 = arith.constant 0 : i32
        %dma_start3A_67 = arith.constant 0 : i32
        %dma_start3A_68 = tpu.memref_slice %arg9[%dma_start3A_66, %dma_start3A_67] : memref<91x128xi32, #tpu.memory_space<vmem>> -> memref<91x128xi32, #tpu.memory_space<vmem>>
        %dma_start3A_69 = arith.constant 0 : i32
        %dma_start3A_70 = arith.constant 0 : i32
        %dma_start3A_71 = tpu.memref_slice %arg3[%arg1, %dma_start3A_69, %dma_start3A_70] : memref<16x91x128xi32, #tpu.memory_space<hbm>> -> memref<1x91x128xi32, #tpu.memory_space<hbm>>
        %dma_start3A_72 = tpu.memref_squeeze %dma_start3A_71 : memref<1x91x128xi32, #tpu.memory_space<hbm>> -> memref<91x128xi32, #tpu.memory_space<hbm>>
        tpu.enqueue_dma source(%dma_start3A_72 : memref<91x128xi32, #tpu.memory_space<hbm>>) target(%dma_start3A_68 : memref<91x128xi32, #tpu.memory_space<vmem>>) target_semaphore(%run_scoped3A : memref<!tpu.dma_semaphore, #tpu.memory_space<semaphore_mem>>)
        %dma_wait3A = arith.constant 0 : i32
        %dma_wait3A_73 = arith.constant 0 : i32
        %dma_wait3A_74 = tpu.memref_slice %arg9[%dma_wait3A, %dma_wait3A_73] : memref<91x128xi32, #tpu.memory_space<vmem>> -> memref<91x128xi32, #tpu.memory_space<vmem>>
        %dma_wait3A_75 = arith.constant 0 : i32
        %dma_wait3A_76 = arith.constant 0 : i32
        %dma_wait3A_77 = tpu.memref_slice %arg3[%arg1, %dma_wait3A_75, %dma_wait3A_76] : memref<16x91x128xi32, #tpu.memory_space<hbm>> -> memref<1x91x128xi32, #tpu.memory_space<hbm>>
        %dma_wait3A_78 = tpu.memref_squeeze %dma_wait3A_77 : memref<1x91x128xi32, #tpu.memory_space<hbm>> -> memref<91x128xi32, #tpu.memory_space<hbm>>
        %dma_wait3A_79 = arith.constant 0 : i32
        %dma_wait3A_80 = arith.constant 0 : i32
        %dma_wait3A_81 = tpu.memref_slice %arg9[%dma_wait3A_79, %dma_wait3A_80] : memref<91x128xi32, #tpu.memory_space<vmem>> -> memref<91x128xi32, #tpu.memory_space<vmem>>
        %dma_wait3A_82 = arith.constant 0 : i32
        %dma_wait3A_83 = arith.constant 0 : i32
        %dma_wait3A_84 = tpu.memref_slice %arg3[%arg1, %dma_wait3A_82, %dma_wait3A_83] : memref<16x91x128xi32, #tpu.memory_space<hbm>> -> memref<1x91x128xi32, #tpu.memory_space<hbm>>
        %dma_wait3A_85 = tpu.memref_squeeze %dma_wait3A_84 : memref<1x91x128xi32, #tpu.memory_space<hbm>> -> memref<91x128xi32, #tpu.memory_space<hbm>>
        tpu.wait_dma2 semaphore(%run_scoped3A : memref<!tpu.dma_semaphore, #tpu.memory_space<semaphore_mem>>) src(%dma_wait3A_85 : memref<91x128xi32, #tpu.memory_space<hbm>>) dst(%dma_wait3A_81 : memref<91x128xi32, #tpu.memory_space<vmem>>)
        tpu.yield
      }) : () -> ()
      %scan3A_53 = arith.constant 0 : i32
      %scan3A_54 = arith.constant 0 : i32
      %scan3A_55 = arith.constant 91 : i32
      %scan3A_56 = arith.addi %scan3A_54, %scan3A_55 : i32
      %scan3A_57 = arith.constant 1 : i32
      %scan3A_58 = scf.for %scan3A_60 = %scan3A_54 to %scan3A_56 step %scan3A_57 iter_args(%scan3A_61 = %scan3A_53) -> (i32)  : i32 {
        %dma_start3A = arith.constant 0 : i32
        %dma_start3A_62 = tpu.memref_slice %arg8[%scan3A_60, %dma_start3A] : memref<91x128xi32, #tpu.memory_space<vmem>> -> memref<1x128xi32, #tpu.memory_space<vmem>>
        %dma_start3A_63 = tpu.memref_squeeze %dma_start3A_62 : memref<1x128xi32, #tpu.memory_space<vmem>> -> memref<128xi32, #tpu.memory_space<vmem>>
        %dma_start3A_64 = arith.constant 0 : i32
        %dma_start3A_65 = arith.constant 0 : i32
        %dma_start3A_66 = tpu.memref_slice %arg6[%dma_start3A_64, %dma_start3A_65] : memref<10240x128xf32, #tpu.memory_space<hbm>> -> memref<10240x128xf32, #tpu.memory_space<hbm>>
        tpu.enqueue_indirect_dma source(%dma_start3A_66 : memref<10240x128xf32, #tpu.memory_space<hbm>>) target(%arg10 : memref<128x128xf32, #tpu.memory_space<vmem>>) offsets(%dma_start3A_63 : memref<128xi32, #tpu.memory_space<vmem>>) semaphore(%arg12 : memref<!tpu.dma_semaphore, #tpu.memory_space<semaphore_mem>>)
        %dma_wait3A = arith.constant 0 : i32
        %dma_wait3A_67 = tpu.memref_slice %arg8[%scan3A_60, %dma_wait3A] : memref<91x128xi32, #tpu.memory_space<vmem>> -> memref<1x128xi32, #tpu.memory_space<vmem>>
        %dma_wait3A_68 = tpu.memref_squeeze %dma_wait3A_67 : memref<1x128xi32, #tpu.memory_space<vmem>> -> memref<128xi32, #tpu.memory_space<vmem>>
        %dma_wait3A_69 = arith.constant 0 : i32
        %dma_wait3A_70 = arith.constant 0 : i32
        %dma_wait3A_71 = tpu.memref_slice %arg6[%dma_wait3A_69, %dma_wait3A_70] : memref<10240x128xf32, #tpu.memory_space<hbm>> -> memref<10240x128xf32, #tpu.memory_space<hbm>>
        tpu.wait_indirect_dma semaphore(%arg12 : memref<!tpu.dma_semaphore, #tpu.memory_space<semaphore_mem>>) src(%dma_wait3A_71 : memref<10240x128xf32, #tpu.memory_space<hbm>>) dst(%arg10 : memref<128x128xf32, #tpu.memory_space<vmem>>)
        "tpu.region"() ({
          %run_scoped3A = tpu.sem_alloc : memref<!tpu.dma_semaphore, #tpu.memory_space<semaphore_mem>>
          %dma_start3A_73 = arith.constant 0 : i32
          %dma_start3A_74 = tpu.memref_slice %arg9[%scan3A_60, %dma_start3A_73] : memref<91x128xi32, #tpu.memory_space<vmem>> -> memref<1x128xi32, #tpu.memory_space<vmem>>
          %dma_start3A_75 = tpu.memref_squeeze %dma_start3A_74 : memref<1x128xi32, #tpu.memory_space<vmem>> -> memref<128xi32, #tpu.memory_space<vmem>>
          %dma_start3A_76 = arith.constant 0 : i32
          %dma_start3A_77 = arith.constant 0 : i32
          %dma_start3A_78 = tpu.memref_slice %arg11[%dma_start3A_76, %dma_start3A_77] : memref<10240x128xf32, #tpu.memory_space<vmem_shared>> -> memref<10240x128xf32, #tpu.memory_space<vmem_shared>>
          tpu.enqueue_indirect_dma source(%arg10 : memref<128x128xf32, #tpu.memory_space<vmem>>) target(%dma_start3A_78 : memref<10240x128xf32, #tpu.memory_space<vmem_shared>>) offsets(%dma_start3A_75 : memref<128xi32, #tpu.memory_space<vmem>>) semaphore(%run_scoped3A : memref<!tpu.dma_semaphore, #tpu.memory_space<semaphore_mem>>) {add = true}
          %dma_wait3A_79 = arith.constant 0 : i32
          %dma_wait3A_80 = tpu.memref_slice %arg9[%scan3A_60, %dma_wait3A_79] : memref<91x128xi32, #tpu.memory_space<vmem>> -> memref<1x128xi32, #tpu.memory_space<vmem>>
          %dma_wait3A_81 = tpu.memref_squeeze %dma_wait3A_80 : memref<1x128xi32, #tpu.memory_space<vmem>> -> memref<128xi32, #tpu.memory_space<vmem>>
          %dma_wait3A_82 = arith.constant 0 : i32
          %dma_wait3A_83 = arith.constant 0 : i32
          %dma_wait3A_84 = tpu.memref_slice %arg11[%dma_wait3A_82, %dma_wait3A_83] : memref<10240x128xf32, #tpu.memory_space<vmem_shared>> -> memref<10240x128xf32, #tpu.memory_space<vmem_shared>>
          tpu.wait_indirect_dma semaphore(%run_scoped3A : memref<!tpu.dma_semaphore, #tpu.memory_space<semaphore_mem>>) src(%arg10 : memref<128x128xf32, #tpu.memory_space<vmem>>) dst(%dma_wait3A_84 : memref<10240x128xf32, #tpu.memory_space<vmem_shared>>)
          tpu.yield
        }) : () -> ()
        %scan3A_72 = arith.constant 0 : i32
        scf.yield %scan3A_72 : i32
      }
      %scan3A_59 = arith.constant 91 : i32
    } else {
    }
    %eq3A_27 = arith.constant 1 : i32
    %eq3A_28 = arith.cmpi eq, %arg0, %eq3A_27 : i32
    %convert_element_type3A_29 = arith.extui %eq3A_28 : i1 to i32
    %cond3A_30 = arith.constant 0 : i32
    %cond3A_31 = arith.cmpi ne, %convert_element_type3A_29, %cond3A_30 : i32
    scf.if %cond3A_31 {
      "tpu.region"() ({
        %run_scoped3A = tpu.sem_alloc : memref<!tpu.dma_semaphore, #tpu.memory_space<semaphore_mem>>
        %dma_start3A = arith.constant 0 : i32
        %dma_start3A_60 = arith.constant 0 : i32
        %dma_start3A_61 = tpu.memref_slice %arg8[%dma_start3A, %dma_start3A_60] : memref<91x128xi32, #tpu.memory_space<vmem>> -> memref<66x128xi32, #tpu.memory_space<vmem>>
        %dma_start3A_62 = arith.constant 0 : i32
        %dma_start3A_63 = arith.constant 0 : i32
        %dma_start3A_64 = tpu.memref_slice %arg4[%arg1, %dma_start3A_62, %dma_start3A_63] : memref<16x66x128xi32, #tpu.memory_space<hbm>> -> memref<1x66x128xi32, #tpu.memory_space<hbm>>
        %dma_start3A_65 = tpu.memref_squeeze %dma_start3A_64 : memref<1x66x128xi32, #tpu.memory_space<hbm>> -> memref<66x128xi32, #tpu.memory_space<hbm>>
        %dma_start3A_66 = arith.constant 0 : i32
        %dma_start3A_67 = arith.constant 0 : i32
        %dma_start3A_68 = tpu.memref_slice %arg8[%dma_start3A_66, %dma_start3A_67] : memref<91x128xi32, #tpu.memory_space<vmem>> -> memref<66x128xi32, #tpu.memory_space<vmem>>
        %dma_start3A_69 = arith.constant 0 : i32
        %dma_start3A_70 = arith.constant 0 : i32
        %dma_start3A_71 = tpu.memref_slice %arg4[%arg1, %dma_start3A_69, %dma_start3A_70] : memref<16x66x128xi32, #tpu.memory_space<hbm>> -> memref<1x66x128xi32, #tpu.memory_space<hbm>>
        %dma_start3A_72 = tpu.memref_squeeze %dma_start3A_71 : memref<1x66x128xi32, #tpu.memory_space<hbm>> -> memref<66x128xi32, #tpu.memory_space<hbm>>
        tpu.enqueue_dma source(%dma_start3A_72 : memref<66x128xi32, #tpu.memory_space<hbm>>) target(%dma_start3A_68 : memref<66x128xi32, #tpu.memory_space<vmem>>) target_semaphore(%run_scoped3A : memref<!tpu.dma_semaphore, #tpu.memory_space<semaphore_mem>>)
        %dma_wait3A = arith.constant 0 : i32
        %dma_wait3A_73 = arith.constant 0 : i32
        %dma_wait3A_74 = tpu.memref_slice %arg8[%dma_wait3A, %dma_wait3A_73] : memref<91x128xi32, #tpu.memory_space<vmem>> -> memref<66x128xi32, #tpu.memory_space<vmem>>
        %dma_wait3A_75 = arith.constant 0 : i32
        %dma_wait3A_76 = arith.constant 0 : i32
        %dma_wait3A_77 = tpu.memref_slice %arg4[%arg1, %dma_wait3A_75, %dma_wait3A_76] : memref<16x66x128xi32, #tpu.memory_space<hbm>> -> memref<1x66x128xi32, #tpu.memory_space<hbm>>
        %dma_wait3A_78 = tpu.memref_squeeze %dma_wait3A_77 : memref<1x66x128xi32, #tpu.memory_space<hbm>> -> memref<66x128xi32, #tpu.memory_space<hbm>>
        %dma_wait3A_79 = arith.constant 0 : i32
        %dma_wait3A_80 = arith.constant 0 : i32
        %dma_wait3A_81 = tpu.memref_slice %arg8[%dma_wait3A_79, %dma_wait3A_80] : memref<91x128xi32, #tpu.memory_space<vmem>> -> memref<66x128xi32, #tpu.memory_space<vmem>>
        %dma_wait3A_82 = arith.constant 0 : i32
        %dma_wait3A_83 = arith.constant 0 : i32
        %dma_wait3A_84 = tpu.memref_slice %arg4[%arg1, %dma_wait3A_82, %dma_wait3A_83] : memref<16x66x128xi32, #tpu.memory_space<hbm>> -> memref<1x66x128xi32, #tpu.memory_space<hbm>>
        %dma_wait3A_85 = tpu.memref_squeeze %dma_wait3A_84 : memref<1x66x128xi32, #tpu.memory_space<hbm>> -> memref<66x128xi32, #tpu.memory_space<hbm>>
        tpu.wait_dma2 semaphore(%run_scoped3A : memref<!tpu.dma_semaphore, #tpu.memory_space<semaphore_mem>>) src(%dma_wait3A_85 : memref<66x128xi32, #tpu.memory_space<hbm>>) dst(%dma_wait3A_81 : memref<66x128xi32, #tpu.memory_space<vmem>>)
        tpu.yield
      }) : () -> ()
      "tpu.region"() ({
        %run_scoped3A = tpu.sem_alloc : memref<!tpu.dma_semaphore, #tpu.memory_space<semaphore_mem>>
        %dma_start3A = arith.constant 0 : i32
        %dma_start3A_60 = arith.constant 0 : i32
        %dma_start3A_61 = tpu.memref_slice %arg9[%dma_start3A, %dma_start3A_60] : memref<91x128xi32, #tpu.memory_space<vmem>> -> memref<66x128xi32, #tpu.memory_space<vmem>>
        %dma_start3A_62 = arith.constant 0 : i32
        %dma_start3A_63 = arith.constant 0 : i32
        %dma_start3A_64 = tpu.memref_slice %arg5[%arg1, %dma_start3A_62, %dma_start3A_63] : memref<16x66x128xi32, #tpu.memory_space<hbm>> -> memref<1x66x128xi32, #tpu.memory_space<hbm>>
        %dma_start3A_65 = tpu.memref_squeeze %dma_start3A_64 : memref<1x66x128xi32, #tpu.memory_space<hbm>> -> memref<66x128xi32, #tpu.memory_space<hbm>>
        %dma_start3A_66 = arith.constant 0 : i32
        %dma_start3A_67 = arith.constant 0 : i32
        %dma_start3A_68 = tpu.memref_slice %arg9[%dma_start3A_66, %dma_start3A_67] : memref<91x128xi32, #tpu.memory_space<vmem>> -> memref<66x128xi32, #tpu.memory_space<vmem>>
        %dma_start3A_69 = arith.constant 0 : i32
        %dma_start3A_70 = arith.constant 0 : i32
        %dma_start3A_71 = tpu.memref_slice %arg5[%arg1, %dma_start3A_69, %dma_start3A_70] : memref<16x66x128xi32, #tpu.memory_space<hbm>> -> memref<1x66x128xi32, #tpu.memory_space<hbm>>
        %dma_start3A_72 = tpu.memref_squeeze %dma_start3A_71 : memref<1x66x128xi32, #tpu.memory_space<hbm>> -> memref<66x128xi32, #tpu.memory_space<hbm>>
        tpu.enqueue_dma source(%dma_start3A_72 : memref<66x128xi32, #tpu.memory_space<hbm>>) target(%dma_start3A_68 : memref<66x128xi32, #tpu.memory_space<vmem>>) target_semaphore(%run_scoped3A : memref<!tpu.dma_semaphore, #tpu.memory_space<semaphore_mem>>)
        %dma_wait3A = arith.constant 0 : i32
        %dma_wait3A_73 = arith.constant 0 : i32
        %dma_wait3A_74 = tpu.memref_slice %arg9[%dma_wait3A, %dma_wait3A_73] : memref<91x128xi32, #tpu.memory_space<vmem>> -> memref<66x128xi32, #tpu.memory_space<vmem>>
        %dma_wait3A_75 = arith.constant 0 : i32
        %dma_wait3A_76 = arith.constant 0 : i32
        %dma_wait3A_77 = tpu.memref_slice %arg5[%arg1, %dma_wait3A_75, %dma_wait3A_76] : memref<16x66x128xi32, #tpu.memory_space<hbm>> -> memref<1x66x128xi32, #tpu.memory_space<hbm>>
        %dma_wait3A_78 = tpu.memref_squeeze %dma_wait3A_77 : memref<1x66x128xi32, #tpu.memory_space<hbm>> -> memref<66x128xi32, #tpu.memory_space<hbm>>
        %dma_wait3A_79 = arith.constant 0 : i32
        %dma_wait3A_80 = arith.constant 0 : i32
        %dma_wait3A_81 = tpu.memref_slice %arg9[%dma_wait3A_79, %dma_wait3A_80] : memref<91x128xi32, #tpu.memory_space<vmem>> -> memref<66x128xi32, #tpu.memory_space<vmem>>
        %dma_wait3A_82 = arith.constant 0 : i32
        %dma_wait3A_83 = arith.constant 0 : i32
        %dma_wait3A_84 = tpu.memref_slice %arg5[%arg1, %dma_wait3A_82, %dma_wait3A_83] : memref<16x66x128xi32, #tpu.memory_space<hbm>> -> memref<1x66x128xi32, #tpu.memory_space<hbm>>
        %dma_wait3A_85 = tpu.memref_squeeze %dma_wait3A_84 : memref<1x66x128xi32, #tpu.memory_space<hbm>> -> memref<66x128xi32, #tpu.memory_space<hbm>>
        tpu.wait_dma2 semaphore(%run_scoped3A : memref<!tpu.dma_semaphore, #tpu.memory_space<semaphore_mem>>) src(%dma_wait3A_85 : memref<66x128xi32, #tpu.memory_space<hbm>>) dst(%dma_wait3A_81 : memref<66x128xi32, #tpu.memory_space<vmem>>)
        tpu.yield
      }) : () -> ()
      %scan3A_53 = arith.constant 0 : i32
      %scan3A_54 = arith.constant 0 : i32
      %scan3A_55 = arith.constant 66 : i32
      %scan3A_56 = arith.addi %scan3A_54, %scan3A_55 : i32
      %scan3A_57 = arith.constant 1 : i32
      %scan3A_58 = scf.for %scan3A_60 = %scan3A_54 to %scan3A_56 step %scan3A_57 iter_args(%scan3A_61 = %scan3A_53) -> (i32)  : i32 {
        %dma_start3A = arith.constant 0 : i32
        %dma_start3A_62 = tpu.memref_slice %arg8[%scan3A_60, %dma_start3A] : memref<91x128xi32, #tpu.memory_space<vmem>> -> memref<1x128xi32, #tpu.memory_space<vmem>>
        %dma_start3A_63 = tpu.memref_squeeze %dma_start3A_62 : memref<1x128xi32, #tpu.memory_space<vmem>> -> memref<128xi32, #tpu.memory_space<vmem>>
        %dma_start3A_64 = arith.constant 0 : i32
        %dma_start3A_65 = arith.constant 0 : i32
        %dma_start3A_66 = tpu.memref_slice %arg6[%dma_start3A_64, %dma_start3A_65] : memref<10240x128xf32, #tpu.memory_space<hbm>> -> memref<10240x128xf32, #tpu.memory_space<hbm>>
        tpu.enqueue_indirect_dma source(%dma_start3A_66 : memref<10240x128xf32, #tpu.memory_space<hbm>>) target(%arg10 : memref<128x128xf32, #tpu.memory_space<vmem>>) offsets(%dma_start3A_63 : memref<128xi32, #tpu.memory_space<vmem>>) semaphore(%arg12 : memref<!tpu.dma_semaphore, #tpu.memory_space<semaphore_mem>>)
        %dma_wait3A = arith.constant 0 : i32
        %dma_wait3A_67 = tpu.memref_slice %arg8[%scan3A_60, %dma_wait3A] : memref<91x128xi32, #tpu.memory_space<vmem>> -> memref<1x128xi32, #tpu.memory_space<vmem>>
        %dma_wait3A_68 = tpu.memref_squeeze %dma_wait3A_67 : memref<1x128xi32, #tpu.memory_space<vmem>> -> memref<128xi32, #tpu.memory_space<vmem>>
        %dma_wait3A_69 = arith.constant 0 : i32
        %dma_wait3A_70 = arith.constant 0 : i32
        %dma_wait3A_71 = tpu.memref_slice %arg6[%dma_wait3A_69, %dma_wait3A_70] : memref<10240x128xf32, #tpu.memory_space<hbm>> -> memref<10240x128xf32, #tpu.memory_space<hbm>>
        tpu.wait_indirect_dma semaphore(%arg12 : memref<!tpu.dma_semaphore, #tpu.memory_space<semaphore_mem>>) src(%dma_wait3A_71 : memref<10240x128xf32, #tpu.memory_space<hbm>>) dst(%arg10 : memref<128x128xf32, #tpu.memory_space<vmem>>)
        "tpu.region"() ({
          %run_scoped3A = tpu.sem_alloc : memref<!tpu.dma_semaphore, #tpu.memory_space<semaphore_mem>>
          %dma_start3A_73 = arith.constant 0 : i32
          %dma_start3A_74 = tpu.memref_slice %arg9[%scan3A_60, %dma_start3A_73] : memref<91x128xi32, #tpu.memory_space<vmem>> -> memref<1x128xi32, #tpu.memory_space<vmem>>
          %dma_start3A_75 = tpu.memref_squeeze %dma_start3A_74 : memref<1x128xi32, #tpu.memory_space<vmem>> -> memref<128xi32, #tpu.memory_space<vmem>>
          %dma_start3A_76 = arith.constant 0 : i32
          %dma_start3A_77 = arith.constant 0 : i32
          %dma_start3A_78 = tpu.memref_slice %arg11[%dma_start3A_76, %dma_start3A_77] : memref<10240x128xf32, #tpu.memory_space<vmem_shared>> -> memref<10240x128xf32, #tpu.memory_space<vmem_shared>>
          tpu.enqueue_indirect_dma source(%arg10 : memref<128x128xf32, #tpu.memory_space<vmem>>) target(%dma_start3A_78 : memref<10240x128xf32, #tpu.memory_space<vmem_shared>>) offsets(%dma_start3A_75 : memref<128xi32, #tpu.memory_space<vmem>>) semaphore(%run_scoped3A : memref<!tpu.dma_semaphore, #tpu.memory_space<semaphore_mem>>) {add = true}
          %dma_wait3A_79 = arith.constant 0 : i32
          %dma_wait3A_80 = tpu.memref_slice %arg9[%scan3A_60, %dma_wait3A_79] : memref<91x128xi32, #tpu.memory_space<vmem>> -> memref<1x128xi32, #tpu.memory_space<vmem>>
          %dma_wait3A_81 = tpu.memref_squeeze %dma_wait3A_80 : memref<1x128xi32, #tpu.memory_space<vmem>> -> memref<128xi32, #tpu.memory_space<vmem>>
          %dma_wait3A_82 = arith.constant 0 : i32
          %dma_wait3A_83 = arith.constant 0 : i32
          %dma_wait3A_84 = tpu.memref_slice %arg11[%dma_wait3A_82, %dma_wait3A_83] : memref<10240x128xf32, #tpu.memory_space<vmem_shared>> -> memref<10240x128xf32, #tpu.memory_space<vmem_shared>>
          tpu.wait_indirect_dma semaphore(%run_scoped3A : memref<!tpu.dma_semaphore, #tpu.memory_space<semaphore_mem>>) src(%arg10 : memref<128x128xf32, #tpu.memory_space<vmem>>) dst(%dma_wait3A_84 : memref<10240x128xf32, #tpu.memory_space<vmem_shared>>)
          tpu.yield
        }) : () -> ()
        %scan3A_72 = arith.constant 0 : i32
        scf.yield %scan3A_72 : i32
      }
      %scan3A_59 = arith.constant 66 : i32
    } else {
    }
    %barrier3A_32 = arith.constant 0 : index
    tpu.barrier barrier_id(%barrier3A_32)
    %mul3A_33 = arith.constant 640 : i32
    %mul3A_34 = arith.muli %arg1, %mul3A_33 : i32
    %add3A_35 = arith.constant 0 : i32
    %add3A_36 = arith.addi %mul3A_34, %add3A_35 : i32
    "tpu.region"() ({
      %run_scoped3A = tpu.sem_alloc : memref<!tpu.dma_semaphore, #tpu.memory_space<semaphore_mem>>
      %dma_start3A = arith.constant 0 : i32
      %dma_start3A_53 = tpu.memref_slice %arg7[%arg0, %add3A_36, %dma_start3A] : memref<2x10240x128xf32, #tpu.memory_space<hbm>> -> memref<1x128x128xf32, #tpu.memory_space<hbm>>
      %dma_start3A_54 = tpu.memref_squeeze %dma_start3A_53 : memref<1x128x128xf32, #tpu.memory_space<hbm>> -> memref<128x128xf32, #tpu.memory_space<hbm>>
      %dma_start3A_55 = arith.constant 0 : i32
      %dma_start3A_56 = tpu.memref_slice %arg11[%add3A_36, %dma_start3A_55] : memref<10240x128xf32, #tpu.memory_space<vmem_shared>> -> memref<128x128xf32, #tpu.memory_space<vmem_shared>>
      tpu.enqueue_dma source(%dma_start3A_56 : memref<128x128xf32, #tpu.memory_space<vmem_shared>>) target(%dma_start3A_54 : memref<128x128xf32, #tpu.memory_space<hbm>>) target_semaphore(%run_scoped3A : memref<!tpu.dma_semaphore, #tpu.memory_space<semaphore_mem>>)
      %dma_wait3A = arith.constant 0 : i32
      %dma_wait3A_57 = tpu.memref_slice %arg7[%arg0, %add3A_36, %dma_wait3A] : memref<2x10240x128xf32, #tpu.memory_space<hbm>> -> memref<1x128x128xf32, #tpu.memory_space<hbm>>
      %dma_wait3A_58 = tpu.memref_squeeze %dma_wait3A_57 : memref<1x128x128xf32, #tpu.memory_space<hbm>> -> memref<128x128xf32, #tpu.memory_space<hbm>>
      %dma_wait3A_59 = arith.constant 0 : i32
      %dma_wait3A_60 = tpu.memref_slice %arg11[%add3A_36, %dma_wait3A_59] : memref<10240x128xf32, #tpu.memory_space<vmem_shared>> -> memref<128x128xf32, #tpu.memory_space<vmem_shared>>
      tpu.wait_dma2 semaphore(%run_scoped3A : memref<!tpu.dma_semaphore, #tpu.memory_space<semaphore_mem>>) src(%dma_wait3A_60 : memref<128x128xf32, #tpu.memory_space<vmem_shared>>) dst(%dma_wait3A_58 : memref<128x128xf32, #tpu.memory_space<hbm>>)
      tpu.yield
    }) : () -> ()
    %mul3A_37 = arith.constant 640 : i32
    %mul3A_38 = arith.muli %arg1, %mul3A_37 : i32
    %add3A_39 = arith.constant 128 : i32
    %add3A_40 = arith.addi %mul3A_38, %add3A_39 : i32
    "tpu.region"() ({
      %run_scoped3A = tpu.sem_alloc : memref<!tpu.dma_semaphore, #tpu.memory_space<semaphore_mem>>
      %dma_start3A = arith.constant 0 : i32
      %dma_start3A_53 = tpu.memref_slice %arg7[%arg0, %add3A_40, %dma_start3A] : memref<2x10240x128xf32, #tpu.memory_space<hbm>> -> memref<1x128x128xf32, #tpu.memory_space<hbm>>
      %dma_start3A_54 = tpu.memref_squeeze %dma_start3A_53 : memref<1x128x128xf32, #tpu.memory_space<hbm>> -> memref<128x128xf32, #tpu.memory_space<hbm>>
      %dma_start3A_55 = arith.constant 0 : i32
      %dma_start3A_56 = tpu.memref_slice %arg11[%add3A_40, %dma_start3A_55] : memref<10240x128xf32, #tpu.memory_space<vmem_shared>> -> memref<128x128xf32, #tpu.memory_space<vmem_shared>>
      tpu.enqueue_dma source(%dma_start3A_56 : memref<128x128xf32, #tpu.memory_space<vmem_shared>>) target(%dma_start3A_54 : memref<128x128xf32, #tpu.memory_space<hbm>>) target_semaphore(%run_scoped3A : memref<!tpu.dma_semaphore, #tpu.memory_space<semaphore_mem>>)
      %dma_wait3A = arith.constant 0 : i32
      %dma_wait3A_57 = tpu.memref_slice %arg7[%arg0, %add3A_40, %dma_wait3A] : memref<2x10240x128xf32, #tpu.memory_space<hbm>> -> memref<1x128x128xf32, #tpu.memory_space<hbm>>
      %dma_wait3A_58 = tpu.memref_squeeze %dma_wait3A_57 : memref<1x128x128xf32, #tpu.memory_space<hbm>> -> memref<128x128xf32, #tpu.memory_space<hbm>>
      %dma_wait3A_59 = arith.constant 0 : i32
      %dma_wait3A_60 = tpu.memref_slice %arg11[%add3A_40, %dma_wait3A_59] : memref<10240x128xf32, #tpu.memory_space<vmem_shared>> -> memref<128x128xf32, #tpu.memory_space<vmem_shared>>
      tpu.wait_dma2 semaphore(%run_scoped3A : memref<!tpu.dma_semaphore, #tpu.memory_space<semaphore_mem>>) src(%dma_wait3A_60 : memref<128x128xf32, #tpu.memory_space<vmem_shared>>) dst(%dma_wait3A_58 : memref<128x128xf32, #tpu.memory_space<hbm>>)
      tpu.yield
    }) : () -> ()
    %mul3A_41 = arith.constant 640 : i32
    %mul3A_42 = arith.muli %arg1, %mul3A_41 : i32
    %add3A_43 = arith.constant 256 : i32
    %add3A_44 = arith.addi %mul3A_42, %add3A_43 : i32
    "tpu.region"() ({
      %run_scoped3A = tpu.sem_alloc : memref<!tpu.dma_semaphore, #tpu.memory_space<semaphore_mem>>
      %dma_start3A = arith.constant 0 : i32
      %dma_start3A_53 = tpu.memref_slice %arg7[%arg0, %add3A_44, %dma_start3A] : memref<2x10240x128xf32, #tpu.memory_space<hbm>> -> memref<1x128x128xf32, #tpu.memory_space<hbm>>
      %dma_start3A_54 = tpu.memref_squeeze %dma_start3A_53 : memref<1x128x128xf32, #tpu.memory_space<hbm>> -> memref<128x128xf32, #tpu.memory_space<hbm>>
      %dma_start3A_55 = arith.constant 0 : i32
      %dma_start3A_56 = tpu.memref_slice %arg11[%add3A_44, %dma_start3A_55] : memref<10240x128xf32, #tpu.memory_space<vmem_shared>> -> memref<128x128xf32, #tpu.memory_space<vmem_shared>>
      tpu.enqueue_dma source(%dma_start3A_56 : memref<128x128xf32, #tpu.memory_space<vmem_shared>>) target(%dma_start3A_54 : memref<128x128xf32, #tpu.memory_space<hbm>>) target_semaphore(%run_scoped3A : memref<!tpu.dma_semaphore, #tpu.memory_space<semaphore_mem>>)
      %dma_wait3A = arith.constant 0 : i32
      %dma_wait3A_57 = tpu.memref_slice %arg7[%arg0, %add3A_44, %dma_wait3A] : memref<2x10240x128xf32, #tpu.memory_space<hbm>> -> memref<1x128x128xf32, #tpu.memory_space<hbm>>
      %dma_wait3A_58 = tpu.memref_squeeze %dma_wait3A_57 : memref<1x128x128xf32, #tpu.memory_space<hbm>> -> memref<128x128xf32, #tpu.memory_space<hbm>>
      %dma_wait3A_59 = arith.constant 0 : i32
      %dma_wait3A_60 = tpu.memref_slice %arg11[%add3A_44, %dma_wait3A_59] : memref<10240x128xf32, #tpu.memory_space<vmem_shared>> -> memref<128x128xf32, #tpu.memory_space<vmem_shared>>
      tpu.wait_dma2 semaphore(%run_scoped3A : memref<!tpu.dma_semaphore, #tpu.memory_space<semaphore_mem>>) src(%dma_wait3A_60 : memref<128x128xf32, #tpu.memory_space<vmem_shared>>) dst(%dma_wait3A_58 : memref<128x128xf32, #tpu.memory_space<hbm>>)
      tpu.yield
    }) : () -> ()
    %mul3A_45 = arith.constant 640 : i32
    %mul3A_46 = arith.muli %arg1, %mul3A_45 : i32
    %add3A_47 = arith.constant 384 : i32
    %add3A_48 = arith.addi %mul3A_46, %add3A_47 : i32
    "tpu.region"() ({
      %run_scoped3A = tpu.sem_alloc : memref<!tpu.dma_semaphore, #tpu.memory_space<semaphore_mem>>
      %dma_start3A = arith.constant 0 : i32
      %dma_start3A_53 = tpu.memref_slice %arg7[%arg0, %add3A_48, %dma_start3A] : memref<2x10240x128xf32, #tpu.memory_space<hbm>> -> memref<1x128x128xf32, #tpu.memory_space<hbm>>
      %dma_start3A_54 = tpu.memref_squeeze %dma_start3A_53 : memref<1x128x128xf32, #tpu.memory_space<hbm>> -> memref<128x128xf32, #tpu.memory_space<hbm>>
      %dma_start3A_55 = arith.constant 0 : i32
      %dma_start3A_56 = tpu.memref_slice %arg11[%add3A_48, %dma_start3A_55] : memref<10240x128xf32, #tpu.memory_space<vmem_shared>> -> memref<128x128xf32, #tpu.memory_space<vmem_shared>>
      tpu.enqueue_dma source(%dma_start3A_56 : memref<128x128xf32, #tpu.memory_space<vmem_shared>>) target(%dma_start3A_54 : memref<128x128xf32, #tpu.memory_space<hbm>>) target_semaphore(%run_scoped3A : memref<!tpu.dma_semaphore, #tpu.memory_space<semaphore_mem>>)
      %dma_wait3A = arith.constant 0 : i32
      %dma_wait3A_57 = tpu.memref_slice %arg7[%arg0, %add3A_48, %dma_wait3A] : memref<2x10240x128xf32, #tpu.memory_space<hbm>> -> memref<1x128x128xf32, #tpu.memory_space<hbm>>
      %dma_wait3A_58 = tpu.memref_squeeze %dma_wait3A_57 : memref<1x128x128xf32, #tpu.memory_space<hbm>> -> memref<128x128xf32, #tpu.memory_space<hbm>>
      %dma_wait3A_59 = arith.constant 0 : i32
      %dma_wait3A_60 = tpu.memref_slice %arg11[%add3A_48, %dma_wait3A_59] : memref<10240x128xf32, #tpu.memory_space<vmem_shared>> -> memref<128x128xf32, #tpu.memory_space<vmem_shared>>
      tpu.wait_dma2 semaphore(%run_scoped3A : memref<!tpu.dma_semaphore, #tpu.memory_space<semaphore_mem>>) src(%dma_wait3A_60 : memref<128x128xf32, #tpu.memory_space<vmem_shared>>) dst(%dma_wait3A_58 : memref<128x128xf32, #tpu.memory_space<hbm>>)
      tpu.yield
    }) : () -> ()
    %mul3A_49 = arith.constant 640 : i32
    %mul3A_50 = arith.muli %arg1, %mul3A_49 : i32
    %add3A_51 = arith.constant 512 : i32
    %add3A_52 = arith.addi %mul3A_50, %add3A_51 : i32
    "tpu.region"() ({
      %run_scoped3A = tpu.sem_alloc : memref<!tpu.dma_semaphore, #tpu.memory_space<semaphore_mem>>
      %dma_start3A = arith.constant 0 : i32
      %dma_start3A_53 = tpu.memref_slice %arg7[%arg0, %add3A_52, %dma_start3A] : memref<2x10240x128xf32, #tpu.memory_space<hbm>> -> memref<1x128x128xf32, #tpu.memory_space<hbm>>
      %dma_start3A_54 = tpu.memref_squeeze %dma_start3A_53 : memref<1x128x128xf32, #tpu.memory_space<hbm>> -> memref<128x128xf32, #tpu.memory_space<hbm>>
      %dma_start3A_55 = arith.constant 0 : i32
      %dma_start3A_56 = tpu.memref_slice %arg11[%add3A_52, %dma_start3A_55] : memref<10240x128xf32, #tpu.memory_space<vmem_shared>> -> memref<128x128xf32, #tpu.memory_space<vmem_shared>>
      tpu.enqueue_dma source(%dma_start3A_56 : memref<128x128xf32, #tpu.memory_space<vmem_shared>>) target(%dma_start3A_54 : memref<128x128xf32, #tpu.memory_space<hbm>>) target_semaphore(%run_scoped3A : memref<!tpu.dma_semaphore, #tpu.memory_space<semaphore_mem>>)
      %dma_wait3A = arith.constant 0 : i32
      %dma_wait3A_57 = tpu.memref_slice %arg7[%arg0, %add3A_52, %dma_wait3A] : memref<2x10240x128xf32, #tpu.memory_space<hbm>> -> memref<1x128x128xf32, #tpu.memory_space<hbm>>
      %dma_wait3A_58 = tpu.memref_squeeze %dma_wait3A_57 : memref<1x128x128xf32, #tpu.memory_space<hbm>> -> memref<128x128xf32, #tpu.memory_space<hbm>>
      %dma_wait3A_59 = arith.constant 0 : i32
      %dma_wait3A_60 = tpu.memref_slice %arg11[%add3A_52, %dma_wait3A_59] : memref<10240x128xf32, #tpu.memory_space<vmem_shared>> -> memref<128x128xf32, #tpu.memory_space<vmem_shared>>
      tpu.wait_dma2 semaphore(%run_scoped3A : memref<!tpu.dma_semaphore, #tpu.memory_space<semaphore_mem>>) src(%dma_wait3A_60 : memref<128x128xf32, #tpu.memory_space<vmem_shared>>) dst(%dma_wait3A_58 : memref<128x128xf32, #tpu.memory_space<hbm>>)
      tpu.yield
    }) : () -> ()
    return
  }
}

#map = affine_map<(d0, d1) -> (0, 0, 0)>
#map1 = affine_map<(d0, d1) -> (0, 0)>
module attributes {stable_mosaic.version = 14 : i64} {
  func.func @body(%arg0: i32, %arg1: i32, %arg2: memref<16x91x128xi32, #tpu.memory_space<hbm>>, %arg3: memref<16x91x128xi32, #tpu.memory_space<hbm>>, %arg4: memref<16x66x128xi32, #tpu.memory_space<hbm>>, %arg5: memref<16x66x128xi32, #tpu.memory_space<hbm>>, %arg6: memref<10240x128xf32, #tpu.memory_space<hbm>>, %arg7: memref<2x10240x128xf32, #tpu.memory_space<hbm>>, %arg8: memref<91x128xi32, #tpu.memory_space<vmem>>, %arg9: memref<91x128xi32, #tpu.memory_space<vmem>>, %arg10: memref<128x128xf32, #tpu.memory_space<vmem>>, %arg11: memref<10240x128xf32, #tpu.memory_space<vmem_shared>>, %arg12: memref<!tpu.dma_semaphore, #tpu.memory_space<semaphore_mem>>) attributes {dimension_semantics = [#tpu.dimension_semantics<core_parallel>, #tpu.dimension_semantics<subcore_parallel>], iteration_bounds = array<i64: 2, 16>, scalar_prefetch = 0 : i64, scratch_operands = 5 : i64, tpu.core_type = #tpu.core_type<sc_vector_subcore>, window_params = [{transform_indices = #map}, {transform_indices = #map}, {transform_indices = #map}, {transform_indices = #map}, {transform_indices = #map1}, {transform_indices = #map}]} {
    %broadcast_in_dim3A = arith.constant 0.000000e+00 : f32
    %broadcast_in_dim3A_0 = vector.broadcast %broadcast_in_dim3A : f32 to vector<16xf32>
    %scan3A = arith.constant 0 : i32
    %scan3A_1 = arith.constant 0 : i32
    %scan3A_2 = arith.constant 128 : i32
    %scan3A_3 = arith.addi %scan3A_1, %scan3A_2 : i32
    %scan3A_4 = arith.constant 1 : i32
    %scan3A_5 = scf.for %scan3A_53 = %scan3A_1 to %scan3A_3 step %scan3A_4 iter_args(%scan3A_54 = %scan3A) -> (i32)  : i32 {
      %swap3A = arith.index_cast %scan3A_53 : i32 to index
      %swap3A_55 = arith.constant 0 : index
      %swap3A_56 = tpu.vector_load %arg10[%swap3A, %swap3A_55] {strides = array<i32>} : memref<128x128xf32, #tpu.memory_space<vmem>>, vector<1x16xf32>,
      %swap3A_57 = vector.shape_cast %swap3A_56 : vector<1x16xf32> to vector<16xf32>
      %swap3A_58 = vector.shape_cast %broadcast_in_dim3A_0 : vector<16xf32> to vector<1x16xf32>
      tpu.vector_store %arg10[%swap3A, %swap3A_55], %swap3A_58 {strides = array<i32>} : memref<128x128xf32, #tpu.memory_space<vmem>>, vector<1x16xf32>,
      %swap3A_59 = arith.index_cast %scan3A_53 : i32 to index
      %swap3A_60 = arith.constant 16 : index
      %swap3A_61 = tpu.vector_load %arg10[%swap3A_59, %swap3A_60] {strides = array<i32>} : memref<128x128xf32, #tpu.memory_space<vmem>>, vector<1x16xf32>,
      %swap3A_62 = vector.shape_cast %swap3A_61 : vector<1x16xf32> to vector<16xf32>
      %swap3A_63 = vector.shape_cast %broadcast_in_dim3A_0 : vector<16xf32> to vector<1x16xf32>
      tpu.vector_store %arg10[%swap3A_59, %swap3A_60], %swap3A_63 {strides = array<i32>} : memref<128x128xf32, #tpu.memory_space<vmem>>, vector<1x16xf32>,
      %swap3A_64 = arith.index_cast %scan3A_53 : i32 to index
      %swap3A_65 = arith.constant 32 : index
      %swap3A_66 = tpu.vector_load %arg10[%swap3A_64, %swap3A_65] {strides = array<i32>} : memref<128x128xf32, #tpu.memory_space<vmem>>, vector<1x16xf32>,
      %swap3A_67 = vector.shape_cast %swap3A_66 : vector<1x16xf32> to vector<16xf32>
      %swap3A_68 = vector.shape_cast %broadcast_in_dim3A_0 : vector<16xf32> to vector<1x16xf32>
      tpu.vector_store %arg10[%swap3A_64, %swap3A_65], %swap3A_68 {strides = array<i32>} : memref<128x128xf32, #tpu.memory_space<vmem>>, vector<1x16xf32>,
      %swap3A_69 = arith.index_cast %scan3A_53 : i32 to index
      %swap3A_70 = arith.constant 48 : index
      %swap3A_71 = tpu.vector_load %arg10[%swap3A_69, %swap3A_70] {strides = array<i32>} : memref<128x128xf32, #tpu.memory_space<vmem>>, vector<1x16xf32>,
      %swap3A_72 = vector.shape_cast %swap3A_71 : vector<1x16xf32> to vector<16xf32>
      %swap3A_73 = vector.shape_cast %broadcast_in_dim3A_0 : vector<16xf32> to vector<1x16xf32>
      tpu.vector_store %arg10[%swap3A_69, %swap3A_70], %swap3A_73 {strides = array<i32>} : memref<128x128xf32, #tpu.memory_space<vmem>>, vector<1x16xf32>,
      %swap3A_74 = arith.index_cast %scan3A_53 : i32 to index
      %swap3A_75 = arith.constant 64 : index
      %swap3A_76 = tpu.vector_load %arg10[%swap3A_74, %swap3A_75] {strides = array<i32>} : memref<128x128xf32, #tpu.memory_space<vmem>>, vector<1x16xf32>,
      %swap3A_77 = vector.shape_cast %swap3A_76 : vector<1x16xf32> to vector<16xf32>
      %swap3A_78 = vector.shape_cast %broadcast_in_dim3A_0 : vector<16xf32> to vector<1x16xf32>
      tpu.vector_store %arg10[%swap3A_74, %swap3A_75], %swap3A_78 {strides = array<i32>} : memref<128x128xf32, #tpu.memory_space<vmem>>, vector<1x16xf32>,
      %swap3A_79 = arith.index_cast %scan3A_53 : i32 to index
      %swap3A_80 = arith.constant 80 : index
      %swap3A_81 = tpu.vector_load %arg10[%swap3A_79, %swap3A_80] {strides = array<i32>} : memref<128x128xf32, #tpu.memory_space<vmem>>, vector<1x16xf32>,
      %swap3A_82 = vector.shape_cast %swap3A_81 : vector<1x16xf32> to vector<16xf32>
      %swap3A_83 = vector.shape_cast %broadcast_in_dim3A_0 : vector<16xf32> to vector<1x16xf32>
      tpu.vector_store %arg10[%swap3A_79, %swap3A_80], %swap3A_83 {strides = array<i32>} : memref<128x128xf32, #tpu.memory_space<vmem>>, vector<1x16xf32>,
      %swap3A_84 = arith.index_cast %scan3A_53 : i32 to index
      %swap3A_85 = arith.constant 96 : index
      %swap3A_86 = tpu.vector_load %arg10[%swap3A_84, %swap3A_85] {strides = array<i32>} : memref<128x128xf32, #tpu.memory_space<vmem>>, vector<1x16xf32>,
      %swap3A_87 = vector.shape_cast %swap3A_86 : vector<1x16xf32> to vector<16xf32>
      %swap3A_88 = vector.shape_cast %broadcast_in_dim3A_0 : vector<16xf32> to vector<1x16xf32>
      tpu.vector_store %arg10[%swap3A_84, %swap3A_85], %swap3A_88 {strides = array<i32>} : memref<128x128xf32, #tpu.memory_space<vmem>>, vector<1x16xf32>,
      %swap3A_89 = arith.index_cast %scan3A_53 : i32 to index
      %swap3A_90 = arith.constant 112 : index
      %swap3A_91 = tpu.vector_load %arg10[%swap3A_89, %swap3A_90] {strides = array<i32>} : memref<128x128xf32, #tpu.memory_space<vmem>>, vector<1x16xf32>,
      %swap3A_92 = vector.shape_cast %swap3A_91 : vector<1x16xf32> to vector<16xf32>
      %swap3A_93 = vector.shape_cast %broadcast_in_dim3A_0 : vector<16xf32> to vector<1x16xf32>
      tpu.vector_store %arg10[%swap3A_89, %swap3A_90], %swap3A_93 {strides = array<i32>} : memref<128x128xf32, #tpu.memory_space<vmem>>, vector<1x16xf32>,
      %scan3A_94 = arith.constant 0 : i32
      scf.yield %scan3A_94 : i32
    }
    %scan3A_6 = arith.constant 128 : i32
    %mul3A = arith.constant 640 : i32
    %mul3A_7 = arith.muli %arg1, %mul3A : i32
    %add3A = arith.constant 0 : i32
    %add3A_8 = arith.addi %mul3A_7, %add3A : i32
    "tpu.region"() ({
      %run_scoped3A = tpu.sem_alloc : memref<!tpu.dma_semaphore, #tpu.memory_space<semaphore_mem>>
      %dma_start3A = arith.constant 0 : i32
      %dma_start3A_53 = tpu.memref_slice %arg11[%add3A_8, %dma_start3A] : memref<10240x128xf32, #tpu.memory_space<vmem_shared>> -> memref<128x128xf32, #tpu.memory_space<vmem_shared>>
      %dma_start3A_54 = arith.constant 0 : i32
      %dma_start3A_55 = tpu.memref_slice %arg11[%add3A_8, %dma_start3A_54] : memref<10240x128xf32, #tpu.memory_space<vmem_shared>> -> memref<128x128xf32, #tpu.memory_space<vmem_shared>>
      tpu.enqueue_dma source(%arg10 : memref<128x128xf32, #tpu.memory_space<vmem>>) target(%dma_start3A_55 : memref<128x128xf32, #tpu.memory_space<vmem_shared>>) target_semaphore(%run_scoped3A : memref<!tpu.dma_semaphore, #tpu.memory_space<semaphore_mem>>)
      %dma_wait3A = arith.constant 0 : i32
      %dma_wait3A_56 = tpu.memref_slice %arg11[%add3A_8, %dma_wait3A] : memref<10240x128xf32, #tpu.memory_space<vmem_shared>> -> memref<128x128xf32, #tpu.memory_space<vmem_shared>>
      %dma_wait3A_57 = arith.constant 0 : i32
      %dma_wait3A_58 = tpu.memref_slice %arg11[%add3A_8, %dma_wait3A_57] : memref<10240x128xf32, #tpu.memory_space<vmem_shared>> -> memref<128x128xf32, #tpu.memory_space<vmem_shared>>
      tpu.wait_dma2 semaphore(%run_scoped3A : memref<!tpu.dma_semaphore, #tpu.memory_space<semaphore_mem>>) src(%arg10 : memref<128x128xf32, #tpu.memory_space<vmem>>) dst(%dma_wait3A_58 : memref<128x128xf32, #tpu.memory_space<vmem_shared>>)
      tpu.yield
    }) : () -> ()
    %mul3A_9 = arith.constant 640 : i32
    %mul3A_10 = arith.muli %arg1, %mul3A_9 : i32
    %add3A_11 = arith.constant 128 : i32
    %add3A_12 = arith.addi %mul3A_10, %add3A_11 : i32
    "tpu.region"() ({
      %run_scoped3A = tpu.sem_alloc : memref<!tpu.dma_semaphore, #tpu.memory_space<semaphore_mem>>
      %dma_start3A = arith.constant 0 : i32
      %dma_start3A_53 = tpu.memref_slice %arg11[%add3A_12, %dma_start3A] : memref<10240x128xf32, #tpu.memory_space<vmem_shared>> -> memref<128x128xf32, #tpu.memory_space<vmem_shared>>
      %dma_start3A_54 = arith.constant 0 : i32
      %dma_start3A_55 = tpu.memref_slice %arg11[%add3A_12, %dma_start3A_54] : memref<10240x128xf32, #tpu.memory_space<vmem_shared>> -> memref<128x128xf32, #tpu.memory_space<vmem_shared>>
      tpu.enqueue_dma source(%arg10 : memref<128x128xf32, #tpu.memory_space<vmem>>) target(%dma_start3A_55 : memref<128x128xf32, #tpu.memory_space<vmem_shared>>) target_semaphore(%run_scoped3A : memref<!tpu.dma_semaphore, #tpu.memory_space<semaphore_mem>>)
      %dma_wait3A = arith.constant 0 : i32
      %dma_wait3A_56 = tpu.memref_slice %arg11[%add3A_12, %dma_wait3A] : memref<10240x128xf32, #tpu.memory_space<vmem_shared>> -> memref<128x128xf32, #tpu.memory_space<vmem_shared>>
      %dma_wait3A_57 = arith.constant 0 : i32
      %dma_wait3A_58 = tpu.memref_slice %arg11[%add3A_12, %dma_wait3A_57] : memref<10240x128xf32, #tpu.memory_space<vmem_shared>> -> memref<128x128xf32, #tpu.memory_space<vmem_shared>>
      tpu.wait_dma2 semaphore(%run_scoped3A : memref<!tpu.dma_semaphore, #tpu.memory_space<semaphore_mem>>) src(%arg10 : memref<128x128xf32, #tpu.memory_space<vmem>>) dst(%dma_wait3A_58 : memref<128x128xf32, #tpu.memory_space<vmem_shared>>)
      tpu.yield
    }) : () -> ()
    %mul3A_13 = arith.constant 640 : i32
    %mul3A_14 = arith.muli %arg1, %mul3A_13 : i32
    %add3A_15 = arith.constant 256 : i32
    %add3A_16 = arith.addi %mul3A_14, %add3A_15 : i32
    "tpu.region"() ({
      %run_scoped3A = tpu.sem_alloc : memref<!tpu.dma_semaphore, #tpu.memory_space<semaphore_mem>>
      %dma_start3A = arith.constant 0 : i32
      %dma_start3A_53 = tpu.memref_slice %arg11[%add3A_16, %dma_start3A] : memref<10240x128xf32, #tpu.memory_space<vmem_shared>> -> memref<128x128xf32, #tpu.memory_space<vmem_shared>>
      %dma_start3A_54 = arith.constant 0 : i32
      %dma_start3A_55 = tpu.memref_slice %arg11[%add3A_16, %dma_start3A_54] : memref<10240x128xf32, #tpu.memory_space<vmem_shared>> -> memref<128x128xf32, #tpu.memory_space<vmem_shared>>
      tpu.enqueue_dma source(%arg10 : memref<128x128xf32, #tpu.memory_space<vmem>>) target(%dma_start3A_55 : memref<128x128xf32, #tpu.memory_space<vmem_shared>>) target_semaphore(%run_scoped3A : memref<!tpu.dma_semaphore, #tpu.memory_space<semaphore_mem>>)
      %dma_wait3A = arith.constant 0 : i32
      %dma_wait3A_56 = tpu.memref_slice %arg11[%add3A_16, %dma_wait3A] : memref<10240x128xf32, #tpu.memory_space<vmem_shared>> -> memref<128x128xf32, #tpu.memory_space<vmem_shared>>
      %dma_wait3A_57 = arith.constant 0 : i32
      %dma_wait3A_58 = tpu.memref_slice %arg11[%add3A_16, %dma_wait3A_57] : memref<10240x128xf32, #tpu.memory_space<vmem_shared>> -> memref<128x128xf32, #tpu.memory_space<vmem_shared>>
      tpu.wait_dma2 semaphore(%run_scoped3A : memref<!tpu.dma_semaphore, #tpu.memory_space<semaphore_mem>>) src(%arg10 : memref<128x128xf32, #tpu.memory_space<vmem>>) dst(%dma_wait3A_58 : memref<128x128xf32, #tpu.memory_space<vmem_shared>>)
      tpu.yield
    }) : () -> ()
    %mul3A_17 = arith.constant 640 : i32
    %mul3A_18 = arith.muli %arg1, %mul3A_17 : i32
    %add3A_19 = arith.constant 384 : i32
    %add3A_20 = arith.addi %mul3A_18, %add3A_19 : i32
    "tpu.region"() ({
      %run_scoped3A = tpu.sem_alloc : memref<!tpu.dma_semaphore, #tpu.memory_space<semaphore_mem>>
      %dma_start3A = arith.constant 0 : i32
      %dma_start3A_53 = tpu.memref_slice %arg11[%add3A_20, %dma_start3A] : memref<10240x128xf32, #tpu.memory_space<vmem_shared>> -> memref<128x128xf32, #tpu.memory_space<vmem_shared>>
      %dma_start3A_54 = arith.constant 0 : i32
      %dma_start3A_55 = tpu.memref_slice %arg11[%add3A_20, %dma_start3A_54] : memref<10240x128xf32, #tpu.memory_space<vmem_shared>> -> memref<128x128xf32, #tpu.memory_space<vmem_shared>>
      tpu.enqueue_dma source(%arg10 : memref<128x128xf32, #tpu.memory_space<vmem>>) target(%dma_start3A_55 : memref<128x128xf32, #tpu.memory_space<vmem_shared>>) target_semaphore(%run_scoped3A : memref<!tpu.dma_semaphore, #tpu.memory_space<semaphore_mem>>)
      %dma_wait3A = arith.constant 0 : i32
      %dma_wait3A_56 = tpu.memref_slice %arg11[%add3A_20, %dma_wait3A] : memref<10240x128xf32, #tpu.memory_space<vmem_shared>> -> memref<128x128xf32, #tpu.memory_space<vmem_shared>>
      %dma_wait3A_57 = arith.constant 0 : i32
      %dma_wait3A_58 = tpu.memref_slice %arg11[%add3A_20, %dma_wait3A_57] : memref<10240x128xf32, #tpu.memory_space<vmem_shared>> -> memref<128x128xf32, #tpu.memory_space<vmem_shared>>
      tpu.wait_dma2 semaphore(%run_scoped3A : memref<!tpu.dma_semaphore, #tpu.memory_space<semaphore_mem>>) src(%arg10 : memref<128x128xf32, #tpu.memory_space<vmem>>) dst(%dma_wait3A_58 : memref<128x128xf32, #tpu.memory_space<vmem_shared>>)
      tpu.yield
    }) : () -> ()
    %mul3A_21 = arith.constant 640 : i32
    %mul3A_22 = arith.muli %arg1, %mul3A_21 : i32
    %add3A_23 = arith.constant 512 : i32
    %add3A_24 = arith.addi %mul3A_22, %add3A_23 : i32
    "tpu.region"() ({
      %run_scoped3A = tpu.sem_alloc : memref<!tpu.dma_semaphore, #tpu.memory_space<semaphore_mem>>
      %dma_start3A = arith.constant 0 : i32
      %dma_start3A_53 = tpu.memref_slice %arg11[%add3A_24, %dma_start3A] : memref<10240x128xf32, #tpu.memory_space<vmem_shared>> -> memref<128x128xf32, #tpu.memory_space<vmem_shared>>
      %dma_start3A_54 = arith.constant 0 : i32
      %dma_start3A_55 = tpu.memref_slice %arg11[%add3A_24, %dma_start3A_54] : memref<10240x128xf32, #tpu.memory_space<vmem_shared>> -> memref<128x128xf32, #tpu.memory_space<vmem_shared>>
      tpu.enqueue_dma source(%arg10 : memref<128x128xf32, #tpu.memory_space<vmem>>) target(%dma_start3A_55 : memref<128x128xf32, #tpu.memory_space<vmem_shared>>) target_semaphore(%run_scoped3A : memref<!tpu.dma_semaphore, #tpu.memory_space<semaphore_mem>>)
      %dma_wait3A = arith.constant 0 : i32
      %dma_wait3A_56 = tpu.memref_slice %arg11[%add3A_24, %dma_wait3A] : memref<10240x128xf32, #tpu.memory_space<vmem_shared>> -> memref<128x128xf32, #tpu.memory_space<vmem_shared>>
      %dma_wait3A_57 = arith.constant 0 : i32
      %dma_wait3A_58 = tpu.memref_slice %arg11[%add3A_24, %dma_wait3A_57] : memref<10240x128xf32, #tpu.memory_space<vmem_shared>> -> memref<128x128xf32, #tpu.memory_space<vmem_shared>>
      tpu.wait_dma2 semaphore(%run_scoped3A : memref<!tpu.dma_semaphore, #tpu.memory_space<semaphore_mem>>) src(%arg10 : memref<128x128xf32, #tpu.memory_space<vmem>>) dst(%dma_wait3A_58 : memref<128x128xf32, #tpu.memory_space<vmem_shared>>)
      tpu.yield
    }) : () -> ()
    %barrier3A = arith.constant 0 : index
    tpu.barrier barrier_id(%barrier3A)
    %eq3A = arith.constant 0 : i32
    %eq3A_25 = arith.cmpi eq, %arg0, %eq3A : i32
    %convert_element_type3A = arith.extui %eq3A_25 : i1 to i32
    %cond3A = arith.constant 0 : i32
    %cond3A_26 = arith.cmpi ne, %convert_element_type3A, %cond3A : i32
    scf.if %cond3A_26 {
      "tpu.region"() ({
        %run_scoped3A = tpu.sem_alloc : memref<!tpu.dma_semaphore, #tpu.memory_space<semaphore_mem>>
        %dma_start3A = arith.constant 0 : i32
        %dma_start3A_60 = arith.constant 0 : i32
        %dma_start3A_61 = tpu.memref_slice %arg8[%dma_start3A, %dma_start3A_60] : memref<91x128xi32, #tpu.memory_space<vmem>> -> memref<91x128xi32, #tpu.memory_space<vmem>>
        %dma_start3A_62 = arith.constant 0 : i32
        %dma_start3A_63 = arith.constant 0 : i32
        %dma_start3A_64 = tpu.memref_slice %arg2[%arg1, %dma_start3A_62, %dma_start3A_63] : memref<16x91x128xi32, #tpu.memory_space<hbm>> -> memref<1x91x128xi32, #tpu.memory_space<hbm>>
        %dma_start3A_65 = tpu.memref_squeeze %dma_start3A_64 : memref<1x91x128xi32, #tpu.memory_space<hbm>> -> memref<91x128xi32, #tpu.memory_space<hbm>>
        %dma_start3A_66 = arith.constant 0 : i32
        %dma_start3A_67 = arith.constant 0 : i32
        %dma_start3A_68 = tpu.memref_slice %arg8[%dma_start3A_66, %dma_start3A_67] : memref<91x128xi32, #tpu.memory_space<vmem>> -> memref<91x128xi32, #tpu.memory_space<vmem>>
        %dma_start3A_69 = arith.constant 0 : i32
        %dma_start3A_70 = arith.constant 0 : i32
        %dma_start3A_71 = tpu.memref_slice %arg2[%arg1, %dma_start3A_69, %dma_start3A_70] : memref<16x91x128xi32, #tpu.memory_space<hbm>> -> memref<1x91x128xi32, #tpu.memory_space<hbm>>
        %dma_start3A_72 = tpu.memref_squeeze %dma_start3A_71 : memref<1x91x128xi32, #tpu.memory_space<hbm>> -> memref<91x128xi32, #tpu.memory_space<hbm>>
        tpu.enqueue_dma source(%dma_start3A_72 : memref<91x128xi32, #tpu.memory_space<hbm>>) target(%dma_start3A_68 : memref<91x128xi32, #tpu.memory_space<vmem>>) target_semaphore(%run_scoped3A : memref<!tpu.dma_semaphore, #tpu.memory_space<semaphore_mem>>)
        %dma_wait3A = arith.constant 0 : i32
        %dma_wait3A_73 = arith.constant 0 : i32
        %dma_wait3A_74 = tpu.memref_slice %arg8[%dma_wait3A, %dma_wait3A_73] : memref<91x128xi32, #tpu.memory_space<vmem>> -> memref<91x128xi32, #tpu.memory_space<vmem>>
        %dma_wait3A_75 = arith.constant 0 : i32
        %dma_wait3A_76 = arith.constant 0 : i32
        %dma_wait3A_77 = tpu.memref_slice %arg2[%arg1, %dma_wait3A_75, %dma_wait3A_76] : memref<16x91x128xi32, #tpu.memory_space<hbm>> -> memref<1x91x128xi32, #tpu.memory_space<hbm>>
        %dma_wait3A_78 = tpu.memref_squeeze %dma_wait3A_77 : memref<1x91x128xi32, #tpu.memory_space<hbm>> -> memref<91x128xi32, #tpu.memory_space<hbm>>
        %dma_wait3A_79 = arith.constant 0 : i32
        %dma_wait3A_80 = arith.constant 0 : i32
        %dma_wait3A_81 = tpu.memref_slice %arg8[%dma_wait3A_79, %dma_wait3A_80] : memref<91x128xi32, #tpu.memory_space<vmem>> -> memref<91x128xi32, #tpu.memory_space<vmem>>
        %dma_wait3A_82 = arith.constant 0 : i32
        %dma_wait3A_83 = arith.constant 0 : i32
        %dma_wait3A_84 = tpu.memref_slice %arg2[%arg1, %dma_wait3A_82, %dma_wait3A_83] : memref<16x91x128xi32, #tpu.memory_space<hbm>> -> memref<1x91x128xi32, #tpu.memory_space<hbm>>
        %dma_wait3A_85 = tpu.memref_squeeze %dma_wait3A_84 : memref<1x91x128xi32, #tpu.memory_space<hbm>> -> memref<91x128xi32, #tpu.memory_space<hbm>>
        tpu.wait_dma2 semaphore(%run_scoped3A : memref<!tpu.dma_semaphore, #tpu.memory_space<semaphore_mem>>) src(%dma_wait3A_85 : memref<91x128xi32, #tpu.memory_space<hbm>>) dst(%dma_wait3A_81 : memref<91x128xi32, #tpu.memory_space<vmem>>)
        tpu.yield
      }) : () -> ()
      "tpu.region"() ({
        %run_scoped3A = tpu.sem_alloc : memref<!tpu.dma_semaphore, #tpu.memory_space<semaphore_mem>>
        %dma_start3A = arith.constant 0 : i32
        %dma_start3A_60 = arith.constant 0 : i32
        %dma_start3A_61 = tpu.memref_slice %arg9[%dma_start3A, %dma_start3A_60] : memref<91x128xi32, #tpu.memory_space<vmem>> -> memref<91x128xi32, #tpu.memory_space<vmem>>
        %dma_start3A_62 = arith.constant 0 : i32
        %dma_start3A_63 = arith.constant 0 : i32
        %dma_start3A_64 = tpu.memref_slice %arg3[%arg1, %dma_start3A_62, %dma_start3A_63] : memref<16x91x128xi32, #tpu.memory_space<hbm>> -> memref<1x91x128xi32, #tpu.memory_space<hbm>>
        %dma_start3A_65 = tpu.memref_squeeze %dma_start3A_64 : memref<1x91x128xi32, #tpu.memory_space<hbm>> -> memref<91x128xi32, #tpu.memory_space<hbm>>
        %dma_start3A_66 = arith.constant 0 : i32
        %dma_start3A_67 = arith.constant 0 : i32
        %dma_start3A_68 = tpu.memref_slice %arg9[%dma_start3A_66, %dma_start3A_67] : memref<91x128xi32, #tpu.memory_space<vmem>> -> memref<91x128xi32, #tpu.memory_space<vmem>>
        %dma_start3A_69 = arith.constant 0 : i32
        %dma_start3A_70 = arith.constant 0 : i32
        %dma_start3A_71 = tpu.memref_slice %arg3[%arg1, %dma_start3A_69, %dma_start3A_70] : memref<16x91x128xi32, #tpu.memory_space<hbm>> -> memref<1x91x128xi32, #tpu.memory_space<hbm>>
        %dma_start3A_72 = tpu.memref_squeeze %dma_start3A_71 : memref<1x91x128xi32, #tpu.memory_space<hbm>> -> memref<91x128xi32, #tpu.memory_space<hbm>>
        tpu.enqueue_dma source(%dma_start3A_72 : memref<91x128xi32, #tpu.memory_space<hbm>>) target(%dma_start3A_68 : memref<91x128xi32, #tpu.memory_space<vmem>>) target_semaphore(%run_scoped3A : memref<!tpu.dma_semaphore, #tpu.memory_space<semaphore_mem>>)
        %dma_wait3A = arith.constant 0 : i32
        %dma_wait3A_73 = arith.constant 0 : i32
        %dma_wait3A_74 = tpu.memref_slice %arg9[%dma_wait3A, %dma_wait3A_73] : memref<91x128xi32, #tpu.memory_space<vmem>> -> memref<91x128xi32, #tpu.memory_space<vmem>>
        %dma_wait3A_75 = arith.constant 0 : i32
        %dma_wait3A_76 = arith.constant 0 : i32
        %dma_wait3A_77 = tpu.memref_slice %arg3[%arg1, %dma_wait3A_75, %dma_wait3A_76] : memref<16x91x128xi32, #tpu.memory_space<hbm>> -> memref<1x91x128xi32, #tpu.memory_space<hbm>>
        %dma_wait3A_78 = tpu.memref_squeeze %dma_wait3A_77 : memref<1x91x128xi32, #tpu.memory_space<hbm>> -> memref<91x128xi32, #tpu.memory_space<hbm>>
        %dma_wait3A_79 = arith.constant 0 : i32
        %dma_wait3A_80 = arith.constant 0 : i32
        %dma_wait3A_81 = tpu.memref_slice %arg9[%dma_wait3A_79, %dma_wait3A_80] : memref<91x128xi32, #tpu.memory_space<vmem>> -> memref<91x128xi32, #tpu.memory_space<vmem>>
        %dma_wait3A_82 = arith.constant 0 : i32
        %dma_wait3A_83 = arith.constant 0 : i32
        %dma_wait3A_84 = tpu.memref_slice %arg3[%arg1, %dma_wait3A_82, %dma_wait3A_83] : memref<16x91x128xi32, #tpu.memory_space<hbm>> -> memref<1x91x128xi32, #tpu.memory_space<hbm>>
        %dma_wait3A_85 = tpu.memref_squeeze %dma_wait3A_84 : memref<1x91x128xi32, #tpu.memory_space<hbm>> -> memref<91x128xi32, #tpu.memory_space<hbm>>
        tpu.wait_dma2 semaphore(%run_scoped3A : memref<!tpu.dma_semaphore, #tpu.memory_space<semaphore_mem>>) src(%dma_wait3A_85 : memref<91x128xi32, #tpu.memory_space<hbm>>) dst(%dma_wait3A_81 : memref<91x128xi32, #tpu.memory_space<vmem>>)
        tpu.yield
      }) : () -> ()
      %scan3A_53 = arith.constant 0 : i32
      %scan3A_54 = arith.constant 0 : i32
      %scan3A_55 = arith.constant 91 : i32
      %scan3A_56 = arith.addi %scan3A_54, %scan3A_55 : i32
      %scan3A_57 = arith.constant 1 : i32
      %scan3A_58 = scf.for %scan3A_60 = %scan3A_54 to %scan3A_56 step %scan3A_57 iter_args(%scan3A_61 = %scan3A_53) -> (i32)  : i32 {
        %dma_start3A = arith.constant 0 : i32
        %dma_start3A_62 = tpu.memref_slice %arg8[%scan3A_60, %dma_start3A] : memref<91x128xi32, #tpu.memory_space<vmem>> -> memref<1x128xi32, #tpu.memory_space<vmem>>
        %dma_start3A_63 = tpu.memref_squeeze %dma_start3A_62 : memref<1x128xi32, #tpu.memory_space<vmem>> -> memref<128xi32, #tpu.memory_space<vmem>>
        %dma_start3A_64 = arith.constant 0 : i32
        %dma_start3A_65 = arith.constant 0 : i32
        %dma_start3A_66 = tpu.memref_slice %arg6[%dma_start3A_64, %dma_start3A_65] : memref<10240x128xf32, #tpu.memory_space<hbm>> -> memref<10240x128xf32, #tpu.memory_space<hbm>>
        tpu.enqueue_indirect_dma source(%dma_start3A_66 : memref<10240x128xf32, #tpu.memory_space<hbm>>) target(%arg10 : memref<128x128xf32, #tpu.memory_space<vmem>>) offsets(%dma_start3A_63 : memref<128xi32, #tpu.memory_space<vmem>>) semaphore(%arg12 : memref<!tpu.dma_semaphore, #tpu.memory_space<semaphore_mem>>)
        %dma_wait3A = arith.constant 0 : i32
        %dma_wait3A_67 = tpu.memref_slice %arg8[%scan3A_60, %dma_wait3A] : memref<91x128xi32, #tpu.memory_space<vmem>> -> memref<1x128xi32, #tpu.memory_space<vmem>>
        %dma_wait3A_68 = tpu.memref_squeeze %dma_wait3A_67 : memref<1x128xi32, #tpu.memory_space<vmem>> -> memref<128xi32, #tpu.memory_space<vmem>>
        %dma_wait3A_69 = arith.constant 0 : i32
        %dma_wait3A_70 = arith.constant 0 : i32
        %dma_wait3A_71 = tpu.memref_slice %arg6[%dma_wait3A_69, %dma_wait3A_70] : memref<10240x128xf32, #tpu.memory_space<hbm>> -> memref<10240x128xf32, #tpu.memory_space<hbm>>
        tpu.wait_indirect_dma semaphore(%arg12 : memref<!tpu.dma_semaphore, #tpu.memory_space<semaphore_mem>>) src(%dma_wait3A_71 : memref<10240x128xf32, #tpu.memory_space<hbm>>) dst(%arg10 : memref<128x128xf32, #tpu.memory_space<vmem>>)
        "tpu.region"() ({
          %run_scoped3A = tpu.sem_alloc : memref<!tpu.dma_semaphore, #tpu.memory_space<semaphore_mem>>
          %dma_start3A_73 = arith.constant 0 : i32
          %dma_start3A_74 = tpu.memref_slice %arg9[%scan3A_60, %dma_start3A_73] : memref<91x128xi32, #tpu.memory_space<vmem>> -> memref<1x128xi32, #tpu.memory_space<vmem>>
          %dma_start3A_75 = tpu.memref_squeeze %dma_start3A_74 : memref<1x128xi32, #tpu.memory_space<vmem>> -> memref<128xi32, #tpu.memory_space<vmem>>
          %dma_start3A_76 = arith.constant 0 : i32
          %dma_start3A_77 = arith.constant 0 : i32
          %dma_start3A_78 = tpu.memref_slice %arg11[%dma_start3A_76, %dma_start3A_77] : memref<10240x128xf32, #tpu.memory_space<vmem_shared>> -> memref<10240x128xf32, #tpu.memory_space<vmem_shared>>
          tpu.enqueue_indirect_dma source(%arg10 : memref<128x128xf32, #tpu.memory_space<vmem>>) target(%dma_start3A_78 : memref<10240x128xf32, #tpu.memory_space<vmem_shared>>) offsets(%dma_start3A_75 : memref<128xi32, #tpu.memory_space<vmem>>) semaphore(%run_scoped3A : memref<!tpu.dma_semaphore, #tpu.memory_space<semaphore_mem>>) {add = true}
          %dma_wait3A_79 = arith.constant 0 : i32
          %dma_wait3A_80 = tpu.memref_slice %arg9[%scan3A_60, %dma_wait3A_79] : memref<91x128xi32, #tpu.memory_space<vmem>> -> memref<1x128xi32, #tpu.memory_space<vmem>>
          %dma_wait3A_81 = tpu.memref_squeeze %dma_wait3A_80 : memref<1x128xi32, #tpu.memory_space<vmem>> -> memref<128xi32, #tpu.memory_space<vmem>>
          %dma_wait3A_82 = arith.constant 0 : i32
          %dma_wait3A_83 = arith.constant 0 : i32
          %dma_wait3A_84 = tpu.memref_slice %arg11[%dma_wait3A_82, %dma_wait3A_83] : memref<10240x128xf32, #tpu.memory_space<vmem_shared>> -> memref<10240x128xf32, #tpu.memory_space<vmem_shared>>
          tpu.wait_indirect_dma semaphore(%run_scoped3A : memref<!tpu.dma_semaphore, #tpu.memory_space<semaphore_mem>>) src(%arg10 : memref<128x128xf32, #tpu.memory_space<vmem>>) dst(%dma_wait3A_84 : memref<10240x128xf32, #tpu.memory_space<vmem_shared>>)
          tpu.yield
        }) : () -> ()
        %scan3A_72 = arith.constant 0 : i32
        scf.yield %scan3A_72 : i32
      }
      %scan3A_59 = arith.constant 91 : i32
    } else {
    }
    %eq3A_27 = arith.constant 1 : i32
    %eq3A_28 = arith.cmpi eq, %arg0, %eq3A_27 : i32
    %convert_element_type3A_29 = arith.extui %eq3A_28 : i1 to i32
    %cond3A_30 = arith.constant 0 : i32
    %cond3A_31 = arith.cmpi ne, %convert_element_type3A_29, %cond3A_30 : i32
    scf.if %cond3A_31 {
      "tpu.region"() ({
        %run_scoped3A = tpu.sem_alloc : memref<!tpu.dma_semaphore, #tpu.memory_space<semaphore_mem>>
        %dma_start3A = arith.constant 0 : i32
        %dma_start3A_60 = arith.constant 0 : i32
        %dma_start3A_61 = tpu.memref_slice %arg8[%dma_start3A, %dma_start3A_60] : memref<91x128xi32, #tpu.memory_space<vmem>> -> memref<66x128xi32, #tpu.memory_space<vmem>>
        %dma_start3A_62 = arith.constant 0 : i32
        %dma_start3A_63 = arith.constant 0 : i32
        %dma_start3A_64 = tpu.memref_slice %arg4[%arg1, %dma_start3A_62, %dma_start3A_63] : memref<16x66x128xi32, #tpu.memory_space<hbm>> -> memref<1x66x128xi32, #tpu.memory_space<hbm>>
        %dma_start3A_65 = tpu.memref_squeeze %dma_start3A_64 : memref<1x66x128xi32, #tpu.memory_space<hbm>> -> memref<66x128xi32, #tpu.memory_space<hbm>>
        %dma_start3A_66 = arith.constant 0 : i32
        %dma_start3A_67 = arith.constant 0 : i32
        %dma_start3A_68 = tpu.memref_slice %arg8[%dma_start3A_66, %dma_start3A_67] : memref<91x128xi32, #tpu.memory_space<vmem>> -> memref<66x128xi32, #tpu.memory_space<vmem>>
        %dma_start3A_69 = arith.constant 0 : i32
        %dma_start3A_70 = arith.constant 0 : i32
        %dma_start3A_71 = tpu.memref_slice %arg4[%arg1, %dma_start3A_69, %dma_start3A_70] : memref<16x66x128xi32, #tpu.memory_space<hbm>> -> memref<1x66x128xi32, #tpu.memory_space<hbm>>
        %dma_start3A_72 = tpu.memref_squeeze %dma_start3A_71 : memref<1x66x128xi32, #tpu.memory_space<hbm>> -> memref<66x128xi32, #tpu.memory_space<hbm>>
        tpu.enqueue_dma source(%dma_start3A_72 : memref<66x128xi32, #tpu.memory_space<hbm>>) target(%dma_start3A_68 : memref<66x128xi32, #tpu.memory_space<vmem>>) target_semaphore(%run_scoped3A : memref<!tpu.dma_semaphore, #tpu.memory_space<semaphore_mem>>)
        %dma_wait3A = arith.constant 0 : i32
        %dma_wait3A_73 = arith.constant 0 : i32
        %dma_wait3A_74 = tpu.memref_slice %arg8[%dma_wait3A, %dma_wait3A_73] : memref<91x128xi32, #tpu.memory_space<vmem>> -> memref<66x128xi32, #tpu.memory_space<vmem>>
        %dma_wait3A_75 = arith.constant 0 : i32
        %dma_wait3A_76 = arith.constant 0 : i32
        %dma_wait3A_77 = tpu.memref_slice %arg4[%arg1, %dma_wait3A_75, %dma_wait3A_76] : memref<16x66x128xi32, #tpu.memory_space<hbm>> -> memref<1x66x128xi32, #tpu.memory_space<hbm>>
        %dma_wait3A_78 = tpu.memref_squeeze %dma_wait3A_77 : memref<1x66x128xi32, #tpu.memory_space<hbm>> -> memref<66x128xi32, #tpu.memory_space<hbm>>
        %dma_wait3A_79 = arith.constant 0 : i32
        %dma_wait3A_80 = arith.constant 0 : i32
        %dma_wait3A_81 = tpu.memref_slice %arg8[%dma_wait3A_79, %dma_wait3A_80] : memref<91x128xi32, #tpu.memory_space<vmem>> -> memref<66x128xi32, #tpu.memory_space<vmem>>
        %dma_wait3A_82 = arith.constant 0 : i32
        %dma_wait3A_83 = arith.constant 0 : i32
        %dma_wait3A_84 = tpu.memref_slice %arg4[%arg1, %dma_wait3A_82, %dma_wait3A_83] : memref<16x66x128xi32, #tpu.memory_space<hbm>> -> memref<1x66x128xi32, #tpu.memory_space<hbm>>
        %dma_wait3A_85 = tpu.memref_squeeze %dma_wait3A_84 : memref<1x66x128xi32, #tpu.memory_space<hbm>> -> memref<66x128xi32, #tpu.memory_space<hbm>>
        tpu.wait_dma2 semaphore(%run_scoped3A : memref<!tpu.dma_semaphore, #tpu.memory_space<semaphore_mem>>) src(%dma_wait3A_85 : memref<66x128xi32, #tpu.memory_space<hbm>>) dst(%dma_wait3A_81 : memref<66x128xi32, #tpu.memory_space<vmem>>)
        tpu.yield
      }) : () -> ()
      "tpu.region"() ({
        %run_scoped3A = tpu.sem_alloc : memref<!tpu.dma_semaphore, #tpu.memory_space<semaphore_mem>>
        %dma_start3A = arith.constant 0 : i32
        %dma_start3A_60 = arith.constant 0 : i32
        %dma_start3A_61 = tpu.memref_slice %arg9[%dma_start3A, %dma_start3A_60] : memref<91x128xi32, #tpu.memory_space<vmem>> -> memref<66x128xi32, #tpu.memory_space<vmem>>
        %dma_start3A_62 = arith.constant 0 : i32
        %dma_start3A_63 = arith.constant 0 : i32
        %dma_start3A_64 = tpu.memref_slice %arg5[%arg1, %dma_start3A_62, %dma_start3A_63] : memref<16x66x128xi32, #tpu.memory_space<hbm>> -> memref<1x66x128xi32, #tpu.memory_space<hbm>>
        %dma_start3A_65 = tpu.memref_squeeze %dma_start3A_64 : memref<1x66x128xi32, #tpu.memory_space<hbm>> -> memref<66x128xi32, #tpu.memory_space<hbm>>
        %dma_start3A_66 = arith.constant 0 : i32
        %dma_start3A_67 = arith.constant 0 : i32
        %dma_start3A_68 = tpu.memref_slice %arg9[%dma_start3A_66, %dma_start3A_67] : memref<91x128xi32, #tpu.memory_space<vmem>> -> memref<66x128xi32, #tpu.memory_space<vmem>>
        %dma_start3A_69 = arith.constant 0 : i32
        %dma_start3A_70 = arith.constant 0 : i32
        %dma_start3A_71 = tpu.memref_slice %arg5[%arg1, %dma_start3A_69, %dma_start3A_70] : memref<16x66x128xi32, #tpu.memory_space<hbm>> -> memref<1x66x128xi32, #tpu.memory_space<hbm>>
        %dma_start3A_72 = tpu.memref_squeeze %dma_start3A_71 : memref<1x66x128xi32, #tpu.memory_space<hbm>> -> memref<66x128xi32, #tpu.memory_space<hbm>>
        tpu.enqueue_dma source(%dma_start3A_72 : memref<66x128xi32, #tpu.memory_space<hbm>>) target(%dma_start3A_68 : memref<66x128xi32, #tpu.memory_space<vmem>>) target_semaphore(%run_scoped3A : memref<!tpu.dma_semaphore, #tpu.memory_space<semaphore_mem>>)
        %dma_wait3A = arith.constant 0 : i32
        %dma_wait3A_73 = arith.constant 0 : i32
        %dma_wait3A_74 = tpu.memref_slice %arg9[%dma_wait3A, %dma_wait3A_73] : memref<91x128xi32, #tpu.memory_space<vmem>> -> memref<66x128xi32, #tpu.memory_space<vmem>>
        %dma_wait3A_75 = arith.constant 0 : i32
        %dma_wait3A_76 = arith.constant 0 : i32
        %dma_wait3A_77 = tpu.memref_slice %arg5[%arg1, %dma_wait3A_75, %dma_wait3A_76] : memref<16x66x128xi32, #tpu.memory_space<hbm>> -> memref<1x66x128xi32, #tpu.memory_space<hbm>>
        %dma_wait3A_78 = tpu.memref_squeeze %dma_wait3A_77 : memref<1x66x128xi32, #tpu.memory_space<hbm>> -> memref<66x128xi32, #tpu.memory_space<hbm>>
        %dma_wait3A_79 = arith.constant 0 : i32
        %dma_wait3A_80 = arith.constant 0 : i32
        %dma_wait3A_81 = tpu.memref_slice %arg9[%dma_wait3A_79, %dma_wait3A_80] : memref<91x128xi32, #tpu.memory_space<vmem>> -> memref<66x128xi32, #tpu.memory_space<vmem>>
        %dma_wait3A_82 = arith.constant 0 : i32
        %dma_wait3A_83 = arith.constant 0 : i32
        %dma_wait3A_84 = tpu.memref_slice %arg5[%arg1, %dma_wait3A_82, %dma_wait3A_83] : memref<16x66x128xi32, #tpu.memory_space<hbm>> -> memref<1x66x128xi32, #tpu.memory_space<hbm>>
        %dma_wait3A_85 = tpu.memref_squeeze %dma_wait3A_84 : memref<1x66x128xi32, #tpu.memory_space<hbm>> -> memref<66x128xi32, #tpu.memory_space<hbm>>
        tpu.wait_dma2 semaphore(%run_scoped3A : memref<!tpu.dma_semaphore, #tpu.memory_space<semaphore_mem>>) src(%dma_wait3A_85 : memref<66x128xi32, #tpu.memory_space<hbm>>) dst(%dma_wait3A_81 : memref<66x128xi32, #tpu.memory_space<vmem>>)
        tpu.yield
      }) : () -> ()
      %scan3A_53 = arith.constant 0 : i32
      %scan3A_54 = arith.constant 0 : i32
      %scan3A_55 = arith.constant 66 : i32
      %scan3A_56 = arith.addi %scan3A_54, %scan3A_55 : i32
      %scan3A_57 = arith.constant 1 : i32
      %scan3A_58 = scf.for %scan3A_60 = %scan3A_54 to %scan3A_56 step %scan3A_57 iter_args(%scan3A_61 = %scan3A_53) -> (i32)  : i32 {
        %dma_start3A = arith.constant 0 : i32
        %dma_start3A_62 = tpu.memref_slice %arg8[%scan3A_60, %dma_start3A] : memref<91x128xi32, #tpu.memory_space<vmem>> -> memref<1x128xi32, #tpu.memory_space<vmem>>
        %dma_start3A_63 = tpu.memref_squeeze %dma_start3A_62 : memref<1x128xi32, #tpu.memory_space<vmem>> -> memref<128xi32, #tpu.memory_space<vmem>>
        %dma_start3A_64 = arith.constant 0 : i32
        %dma_start3A_65 = arith.constant 0 : i32
        %dma_start3A_66 = tpu.memref_slice %arg6[%dma_start3A_64, %dma_start3A_65] : memref<10240x128xf32, #tpu.memory_space<hbm>> -> memref<10240x128xf32, #tpu.memory_space<hbm>>
        tpu.enqueue_indirect_dma source(%dma_start3A_66 : memref<10240x128xf32, #tpu.memory_space<hbm>>) target(%arg10 : memref<128x128xf32, #tpu.memory_space<vmem>>) offsets(%dma_start3A_63 : memref<128xi32, #tpu.memory_space<vmem>>) semaphore(%arg12 : memref<!tpu.dma_semaphore, #tpu.memory_space<semaphore_mem>>)
        %dma_wait3A = arith.constant 0 : i32
        %dma_wait3A_67 = tpu.memref_slice %arg8[%scan3A_60, %dma_wait3A] : memref<91x128xi32, #tpu.memory_space<vmem>> -> memref<1x128xi32, #tpu.memory_space<vmem>>
        %dma_wait3A_68 = tpu.memref_squeeze %dma_wait3A_67 : memref<1x128xi32, #tpu.memory_space<vmem>> -> memref<128xi32, #tpu.memory_space<vmem>>
        %dma_wait3A_69 = arith.constant 0 : i32
        %dma_wait3A_70 = arith.constant 0 : i32
        %dma_wait3A_71 = tpu.memref_slice %arg6[%dma_wait3A_69, %dma_wait3A_70] : memref<10240x128xf32, #tpu.memory_space<hbm>> -> memref<10240x128xf32, #tpu.memory_space<hbm>>
        tpu.wait_indirect_dma semaphore(%arg12 : memref<!tpu.dma_semaphore, #tpu.memory_space<semaphore_mem>>) src(%dma_wait3A_71 : memref<10240x128xf32, #tpu.memory_space<hbm>>) dst(%arg10 : memref<128x128xf32, #tpu.memory_space<vmem>>)
        "tpu.region"() ({
          %run_scoped3A = tpu.sem_alloc : memref<!tpu.dma_semaphore, #tpu.memory_space<semaphore_mem>>
          %dma_start3A_73 = arith.constant 0 : i32
          %dma_start3A_74 = tpu.memref_slice %arg9[%scan3A_60, %dma_start3A_73] : memref<91x128xi32, #tpu.memory_space<vmem>> -> memref<1x128xi32, #tpu.memory_space<vmem>>
          %dma_start3A_75 = tpu.memref_squeeze %dma_start3A_74 : memref<1x128xi32, #tpu.memory_space<vmem>> -> memref<128xi32, #tpu.memory_space<vmem>>
          %dma_start3A_76 = arith.constant 0 : i32
          %dma_start3A_77 = arith.constant 0 : i32
          %dma_start3A_78 = tpu.memref_slice %arg11[%dma_start3A_76, %dma_start3A_77] : memref<10240x128xf32, #tpu.memory_space<vmem_shared>> -> memref<10240x128xf32, #tpu.memory_space<vmem_shared>>
          tpu.enqueue_indirect_dma source(%arg10 : memref<128x128xf32, #tpu.memory_space<vmem>>) target(%dma_start3A_78 : memref<10240x128xf32, #tpu.memory_space<vmem_shared>>) offsets(%dma_start3A_75 : memref<128xi32, #tpu.memory_space<vmem>>) semaphore(%run_scoped3A : memref<!tpu.dma_semaphore, #tpu.memory_space<semaphore_mem>>) {add = true}
          %dma_wait3A_79 = arith.constant 0 : i32
          %dma_wait3A_80 = tpu.memref_slice %arg9[%scan3A_60, %dma_wait3A_79] : memref<91x128xi32, #tpu.memory_space<vmem>> -> memref<1x128xi32, #tpu.memory_space<vmem>>
          %dma_wait3A_81 = tpu.memref_squeeze %dma_wait3A_80 : memref<1x128xi32, #tpu.memory_space<vmem>> -> memref<128xi32, #tpu.memory_space<vmem>>
          %dma_wait3A_82 = arith.constant 0 : i32
          %dma_wait3A_83 = arith.constant 0 : i32
          %dma_wait3A_84 = tpu.memref_slice %arg11[%dma_wait3A_82, %dma_wait3A_83] : memref<10240x128xf32, #tpu.memory_space<vmem_shared>> -> memref<10240x128xf32, #tpu.memory_space<vmem_shared>>
          tpu.wait_indirect_dma semaphore(%run_scoped3A : memref<!tpu.dma_semaphore, #tpu.memory_space<semaphore_mem>>) src(%arg10 : memref<128x128xf32, #tpu.memory_space<vmem>>) dst(%dma_wait3A_84 : memref<10240x128xf32, #tpu.memory_space<vmem_shared>>)
          tpu.yield
        }) : () -> ()
        %scan3A_72 = arith.constant 0 : i32
        scf.yield %scan3A_72 : i32
      }
      %scan3A_59 = arith.constant 66 : i32
    } else {
    }
    %barrier3A_32 = arith.constant 0 : index
    tpu.barrier barrier_id(%barrier3A_32)
    %mul3A_33 = arith.constant 640 : i32
    %mul3A_34 = arith.muli %arg1, %mul3A_33 : i32
    %add3A_35 = arith.constant 0 : i32
    %add3A_36 = arith.addi %mul3A_34, %add3A_35 : i32
    "tpu.region"() ({
      %run_scoped3A = tpu.sem_alloc : memref<!tpu.dma_semaphore, #tpu.memory_space<semaphore_mem>>
      %dma_start3A = arith.constant 0 : i32
      %dma_start3A_53 = tpu.memref_slice %arg7[%arg0, %add3A_36, %dma_start3A] : memref<2x10240x128xf32, #tpu.memory_space<hbm>> -> memref<1x128x128xf32, #tpu.memory_space<hbm>>
      %dma_start3A_54 = tpu.memref_squeeze %dma_start3A_53 : memref<1x128x128xf32, #tpu.memory_space<hbm>> -> memref<128x128xf32, #tpu.memory_space<hbm>>
      %dma_start3A_55 = arith.constant 0 : i32
      %dma_start3A_56 = tpu.memref_slice %arg11[%add3A_36, %dma_start3A_55] : memref<10240x128xf32, #tpu.memory_space<vmem_shared>> -> memref<128x128xf32, #tpu.memory_space<vmem_shared>>
      tpu.enqueue_dma source(%dma_start3A_56 : memref<128x128xf32, #tpu.memory_space<vmem_shared>>) target(%dma_start3A_54 : memref<128x128xf32, #tpu.memory_space<hbm>>) target_semaphore(%run_scoped3A : memref<!tpu.dma_semaphore, #tpu.memory_space<semaphore_mem>>)
      %dma_wait3A = arith.constant 0 : i32
      %dma_wait3A_57 = tpu.memref_slice %arg7[%arg0, %add3A_36, %dma_wait3A] : memref<2x10240x128xf32, #tpu.memory_space<hbm>> -> memref<1x128x128xf32, #tpu.memory_space<hbm>>
      %dma_wait3A_58 = tpu.memref_squeeze %dma_wait3A_57 : memref<1x128x128xf32, #tpu.memory_space<hbm>> -> memref<128x128xf32, #tpu.memory_space<hbm>>
      %dma_wait3A_59 = arith.constant 0 : i32
      %dma_wait3A_60 = tpu.memref_slice %arg11[%add3A_36, %dma_wait3A_59] : memref<10240x128xf32, #tpu.memory_space<vmem_shared>> -> memref<128x128xf32, #tpu.memory_space<vmem_shared>>
      tpu.wait_dma2 semaphore(%run_scoped3A : memref<!tpu.dma_semaphore, #tpu.memory_space<semaphore_mem>>) src(%dma_wait3A_60 : memref<128x128xf32, #tpu.memory_space<vmem_shared>>) dst(%dma_wait3A_58 : memref<128x128xf32, #tpu.memory_space<hbm>>)
      tpu.yield
    }) : () -> ()
    %mul3A_37 = arith.constant 640 : i32
    %mul3A_38 = arith.muli %arg1, %mul3A_37 : i32
    %add3A_39 = arith.constant 128 : i32
    %add3A_40 = arith.addi %mul3A_38, %add3A_39 : i32
    "tpu.region"() ({
      %run_scoped3A = tpu.sem_alloc : memref<!tpu.dma_semaphore, #tpu.memory_space<semaphore_mem>>
      %dma_start3A = arith.constant 0 : i32
      %dma_start3A_53 = tpu.memref_slice %arg7[%arg0, %add3A_40, %dma_start3A] : memref<2x10240x128xf32, #tpu.memory_space<hbm>> -> memref<1x128x128xf32, #tpu.memory_space<hbm>>
      %dma_start3A_54 = tpu.memref_squeeze %dma_start3A_53 : memref<1x128x128xf32, #tpu.memory_space<hbm>> -> memref<128x128xf32, #tpu.memory_space<hbm>>
      %dma_start3A_55 = arith.constant 0 : i32
      %dma_start3A_56 = tpu.memref_slice %arg11[%add3A_40, %dma_start3A_55] : memref<10240x128xf32, #tpu.memory_space<vmem_shared>> -> memref<128x128xf32, #tpu.memory_space<vmem_shared>>
      tpu.enqueue_dma source(%dma_start3A_56 : memref<128x128xf32, #tpu.memory_space<vmem_shared>>) target(%dma_start3A_54 : memref<128x128xf32, #tpu.memory_space<hbm>>) target_semaphore(%run_scoped3A : memref<!tpu.dma_semaphore, #tpu.memory_space<semaphore_mem>>)
      %dma_wait3A = arith.constant 0 : i32
      %dma_wait3A_57 = tpu.memref_slice %arg7[%arg0, %add3A_40, %dma_wait3A] : memref<2x10240x128xf32, #tpu.memory_space<hbm>> -> memref<1x128x128xf32, #tpu.memory_space<hbm>>
      %dma_wait3A_58 = tpu.memref_squeeze %dma_wait3A_57 : memref<1x128x128xf32, #tpu.memory_space<hbm>> -> memref<128x128xf32, #tpu.memory_space<hbm>>
      %dma_wait3A_59 = arith.constant 0 : i32
      %dma_wait3A_60 = tpu.memref_slice %arg11[%add3A_40, %dma_wait3A_59] : memref<10240x128xf32, #tpu.memory_space<vmem_shared>> -> memref<128x128xf32, #tpu.memory_space<vmem_shared>>
      tpu.wait_dma2 semaphore(%run_scoped3A : memref<!tpu.dma_semaphore, #tpu.memory_space<semaphore_mem>>) src(%dma_wait3A_60 : memref<128x128xf32, #tpu.memory_space<vmem_shared>>) dst(%dma_wait3A_58 : memref<128x128xf32, #tpu.memory_space<hbm>>)
      tpu.yield
    }) : () -> ()
    %mul3A_41 = arith.constant 640 : i32
    %mul3A_42 = arith.muli %arg1, %mul3A_41 : i32
    %add3A_43 = arith.constant 256 : i32
    %add3A_44 = arith.addi %mul3A_42, %add3A_43 : i32
    "tpu.region"() ({
      %run_scoped3A = tpu.sem_alloc : memref<!tpu.dma_semaphore, #tpu.memory_space<semaphore_mem>>
      %dma_start3A = arith.constant 0 : i32
      %dma_start3A_53 = tpu.memref_slice %arg7[%arg0, %add3A_44, %dma_start3A] : memref<2x10240x128xf32, #tpu.memory_space<hbm>> -> memref<1x128x128xf32, #tpu.memory_space<hbm>>
      %dma_start3A_54 = tpu.memref_squeeze %dma_start3A_53 : memref<1x128x128xf32, #tpu.memory_space<hbm>> -> memref<128x128xf32, #tpu.memory_space<hbm>>
      %dma_start3A_55 = arith.constant 0 : i32
      %dma_start3A_56 = tpu.memref_slice %arg11[%add3A_44, %dma_start3A_55] : memref<10240x128xf32, #tpu.memory_space<vmem_shared>> -> memref<128x128xf32, #tpu.memory_space<vmem_shared>>
      tpu.enqueue_dma source(%dma_start3A_56 : memref<128x128xf32, #tpu.memory_space<vmem_shared>>) target(%dma_start3A_54 : memref<128x128xf32, #tpu.memory_space<hbm>>) target_semaphore(%run_scoped3A : memref<!tpu.dma_semaphore, #tpu.memory_space<semaphore_mem>>)
      %dma_wait3A = arith.constant 0 : i32
      %dma_wait3A_57 = tpu.memref_slice %arg7[%arg0, %add3A_44, %dma_wait3A] : memref<2x10240x128xf32, #tpu.memory_space<hbm>> -> memref<1x128x128xf32, #tpu.memory_space<hbm>>
      %dma_wait3A_58 = tpu.memref_squeeze %dma_wait3A_57 : memref<1x128x128xf32, #tpu.memory_space<hbm>> -> memref<128x128xf32, #tpu.memory_space<hbm>>
      %dma_wait3A_59 = arith.constant 0 : i32
      %dma_wait3A_60 = tpu.memref_slice %arg11[%add3A_44, %dma_wait3A_59] : memref<10240x128xf32, #tpu.memory_space<vmem_shared>> -> memref<128x128xf32, #tpu.memory_space<vmem_shared>>
      tpu.wait_dma2 semaphore(%run_scoped3A : memref<!tpu.dma_semaphore, #tpu.memory_space<semaphore_mem>>) src(%dma_wait3A_60 : memref<128x128xf32, #tpu.memory_space<vmem_shared>>) dst(%dma_wait3A_58 : memref<128x128xf32, #tpu.memory_space<hbm>>)
      tpu.yield
    }) : () -> ()
    %mul3A_45 = arith.constant 640 : i32
    %mul3A_46 = arith.muli %arg1, %mul3A_45 : i32
    %add3A_47 = arith.constant 384 : i32
    %add3A_48 = arith.addi %mul3A_46, %add3A_47 : i32
    "tpu.region"() ({
      %run_scoped3A = tpu.sem_alloc : memref<!tpu.dma_semaphore, #tpu.memory_space<semaphore_mem>>
      %dma_start3A = arith.constant 0 : i32
      %dma_start3A_53 = tpu.memref_slice %arg7[%arg0, %add3A_48, %dma_start3A] : memref<2x10240x128xf32, #tpu.memory_space<hbm>> -> memref<1x128x128xf32, #tpu.memory_space<hbm>>
      %dma_start3A_54 = tpu.memref_squeeze %dma_start3A_53 : memref<1x128x128xf32, #tpu.memory_space<hbm>> -> memref<128x128xf32, #tpu.memory_space<hbm>>
      %dma_start3A_55 = arith.constant 0 : i32
      %dma_start3A_56 = tpu.memref_slice %arg11[%add3A_48, %dma_start3A_55] : memref<10240x128xf32, #tpu.memory_space<vmem_shared>> -> memref<128x128xf32, #tpu.memory_space<vmem_shared>>
      tpu.enqueue_dma source(%dma_start3A_56 : memref<128x128xf32, #tpu.memory_space<vmem_shared>>) target(%dma_start3A_54 : memref<128x128xf32, #tpu.memory_space<hbm>>) target_semaphore(%run_scoped3A : memref<!tpu.dma_semaphore, #tpu.memory_space<semaphore_mem>>)
      %dma_wait3A = arith.constant 0 : i32
      %dma_wait3A_57 = tpu.memref_slice %arg7[%arg0, %add3A_48, %dma_wait3A] : memref<2x10240x128xf32, #tpu.memory_space<hbm>> -> memref<1x128x128xf32, #tpu.memory_space<hbm>>
      %dma_wait3A_58 = tpu.memref_squeeze %dma_wait3A_57 : memref<1x128x128xf32, #tpu.memory_space<hbm>> -> memref<128x128xf32, #tpu.memory_space<hbm>>
      %dma_wait3A_59 = arith.constant 0 : i32
      %dma_wait3A_60 = tpu.memref_slice %arg11[%add3A_48, %dma_wait3A_59] : memref<10240x128xf32, #tpu.memory_space<vmem_shared>> -> memref<128x128xf32, #tpu.memory_space<vmem_shared>>
      tpu.wait_dma2 semaphore(%run_scoped3A : memref<!tpu.dma_semaphore, #tpu.memory_space<semaphore_mem>>) src(%dma_wait3A_60 : memref<128x128xf32, #tpu.memory_space<vmem_shared>>) dst(%dma_wait3A_58 : memref<128x128xf32, #tpu.memory_space<hbm>>)
      tpu.yield
    }) : () -> ()
    %mul3A_49 = arith.constant 640 : i32
    %mul3A_50 = arith.muli %arg1, %mul3A_49 : i32
    %add3A_51 = arith.constant 512 : i32
    %add3A_52 = arith.addi %mul3A_50, %add3A_51 : i32
    "tpu.region"() ({
      %run_scoped3A = tpu.sem_alloc : memref<!tpu.dma_semaphore, #tpu.memory_space<semaphore_mem>>
      %dma_start3A = arith.constant 0 : i32
      %dma_start3A_53 = tpu.memref_slice %arg7[%arg0, %add3A_52, %dma_start3A] : memref<2x10240x128xf32, #tpu.memory_space<hbm>> -> memref<1x128x128xf32, #tpu.memory_space<hbm>>
      %dma_start3A_54 = tpu.memref_squeeze %dma_start3A_53 : memref<1x128x128xf32, #tpu.memory_space<hbm>> -> memref<128x128xf32, #tpu.memory_space<hbm>>
      %dma_start3A_55 = arith.constant 0 : i32
      %dma_start3A_56 = tpu.memref_slice %arg11[%add3A_52, %dma_start3A_55] : memref<10240x128xf32, #tpu.memory_space<vmem_shared>> -> memref<128x128xf32, #tpu.memory_space<vmem_shared>>
      tpu.enqueue_dma source(%dma_start3A_56 : memref<128x128xf32, #tpu.memory_space<vmem_shared>>) target(%dma_start3A_54 : memref<128x128xf32, #tpu.memory_space<hbm>>) target_semaphore(%run_scoped3A : memref<!tpu.dma_semaphore, #tpu.memory_space<semaphore_mem>>)
      %dma_wait3A = arith.constant 0 : i32
      %dma_wait3A_57 = tpu.memref_slice %arg7[%arg0, %add3A_52, %dma_wait3A] : memref<2x10240x128xf32, #tpu.memory_space<hbm>> -> memref<1x128x128xf32, #tpu.memory_space<hbm>>
      %dma_wait3A_58 = tpu.memref_squeeze %dma_wait3A_57 : memref<1x128x128xf32, #tpu.memory_space<hbm>> -> memref<128x128xf32, #tpu.memory_space<hbm>>
      %dma_wait3A_59 = arith.constant 0 : i32
      %dma_wait3A_60 = tpu.memref_slice %arg11[%add3A_52, %dma_wait3A_59] : memref<10240x128xf32, #tpu.memory_space<vmem_shared>> -> memref<128x128xf32, #tpu.memory_space<vmem_shared>>
      tpu.wait_dma2 semaphore(%run_scoped3A : memref<!tpu.dma_semaphore, #tpu.memory_space<semaphore_mem>>) src(%dma_wait3A_60 : memref<128x128xf32, #tpu.memory_space<vmem_shared>>) dst(%dma_wait3A_58 : memref<128x128xf32, #tpu.memory_space<hbm>>)
      tpu.yield
    }) : () -> ()
    return
  }
}

#map = affine_map<(d0, d1) -> (0, 0, 0)>
#map1 = affine_map<(d0, d1) -> (0, 0)>
module attributes {stable_mosaic.version = 14 : i64} {
  func.func @body(%arg0: i32, %arg1: i32, %arg2: memref<16x91x128xi32, #tpu.memory_space<hbm>>, %arg3: memref<16x91x128xi32, #tpu.memory_space<hbm>>, %arg4: memref<16x66x128xi32, #tpu.memory_space<hbm>>, %arg5: memref<16x66x128xi32, #tpu.memory_space<hbm>>, %arg6: memref<10240x128xf32, #tpu.memory_space<hbm>>, %arg7: memref<2x10240x128xf32, #tpu.memory_space<hbm>>, %arg8: memref<91x128xi32, #tpu.memory_space<vmem>>, %arg9: memref<91x128xi32, #tpu.memory_space<vmem>>, %arg10: memref<128x128xf32, #tpu.memory_space<vmem>>, %arg11: memref<10240x128xf32, #tpu.memory_space<vmem_shared>>, %arg12: memref<!tpu.dma_semaphore, #tpu.memory_space<semaphore_mem>>) attributes {dimension_semantics = [#tpu.dimension_semantics<core_parallel>, #tpu.dimension_semantics<subcore_parallel>], iteration_bounds = array<i64: 2, 16>, scalar_prefetch = 0 : i64, scratch_operands = 5 : i64, tpu.core_type = #tpu.core_type<sc_vector_subcore>, window_params = [{transform_indices = #map}, {transform_indices = #map}, {transform_indices = #map}, {transform_indices = #map}, {transform_indices = #map1}, {transform_indices = #map}]} {
    %broadcast_in_dim3A = arith.constant 0.000000e+00 : f32
    %broadcast_in_dim3A_0 = vector.broadcast %broadcast_in_dim3A : f32 to vector<16xf32>
    %scan3A = arith.constant 0 : i32
    %scan3A_1 = arith.constant 0 : i32
    %scan3A_2 = arith.constant 128 : i32
    %scan3A_3 = arith.addi %scan3A_1, %scan3A_2 : i32
    %scan3A_4 = arith.constant 1 : i32
    %scan3A_5 = scf.for %scan3A_53 = %scan3A_1 to %scan3A_3 step %scan3A_4 iter_args(%scan3A_54 = %scan3A) -> (i32)  : i32 {
      %swap3A = arith.index_cast %scan3A_53 : i32 to index
      %swap3A_55 = arith.constant 0 : index
      %swap3A_56 = tpu.vector_load %arg10[%swap3A, %swap3A_55] {strides = array<i32>} : memref<128x128xf32, #tpu.memory_space<vmem>>, vector<1x16xf32>,
      %swap3A_57 = vector.shape_cast %swap3A_56 : vector<1x16xf32> to vector<16xf32>
      %swap3A_58 = vector.shape_cast %broadcast_in_dim3A_0 : vector<16xf32> to vector<1x16xf32>
      tpu.vector_store %arg10[%swap3A, %swap3A_55], %swap3A_58 {strides = array<i32>} : memref<128x128xf32, #tpu.memory_space<vmem>>, vector<1x16xf32>,
      %swap3A_59 = arith.index_cast %scan3A_53 : i32 to index
      %swap3A_60 = arith.constant 16 : index
      %swap3A_61 = tpu.vector_load %arg10[%swap3A_59, %swap3A_60] {strides = array<i32>} : memref<128x128xf32, #tpu.memory_space<vmem>>, vector<1x16xf32>,
      %swap3A_62 = vector.shape_cast %swap3A_61 : vector<1x16xf32> to vector<16xf32>
      %swap3A_63 = vector.shape_cast %broadcast_in_dim3A_0 : vector<16xf32> to vector<1x16xf32>
      tpu.vector_store %arg10[%swap3A_59, %swap3A_60], %swap3A_63 {strides = array<i32>} : memref<128x128xf32, #tpu.memory_space<vmem>>, vector<1x16xf32>,
      %swap3A_64 = arith.index_cast %scan3A_53 : i32 to index
      %swap3A_65 = arith.constant 32 : index
      %swap3A_66 = tpu.vector_load %arg10[%swap3A_64, %swap3A_65] {strides = array<i32>} : memref<128x128xf32, #tpu.memory_space<vmem>>, vector<1x16xf32>,
      %swap3A_67 = vector.shape_cast %swap3A_66 : vector<1x16xf32> to vector<16xf32>
      %swap3A_68 = vector.shape_cast %broadcast_in_dim3A_0 : vector<16xf32> to vector<1x16xf32>
      tpu.vector_store %arg10[%swap3A_64, %swap3A_65], %swap3A_68 {strides = array<i32>} : memref<128x128xf32, #tpu.memory_space<vmem>>, vector<1x16xf32>,
      %swap3A_69 = arith.index_cast %scan3A_53 : i32 to index
      %swap3A_70 = arith.constant 48 : index
      %swap3A_71 = tpu.vector_load %arg10[%swap3A_69, %swap3A_70] {strides = array<i32>} : memref<128x128xf32, #tpu.memory_space<vmem>>, vector<1x16xf32>,
      %swap3A_72 = vector.shape_cast %swap3A_71 : vector<1x16xf32> to vector<16xf32>
      %swap3A_73 = vector.shape_cast %broadcast_in_dim3A_0 : vector<16xf32> to vector<1x16xf32>
      tpu.vector_store %arg10[%swap3A_69, %swap3A_70], %swap3A_73 {strides = array<i32>} : memref<128x128xf32, #tpu.memory_space<vmem>>, vector<1x16xf32>,
      %swap3A_74 = arith.index_cast %scan3A_53 : i32 to index
      %swap3A_75 = arith.constant 64 : index
      %swap3A_76 = tpu.vector_load %arg10[%swap3A_74, %swap3A_75] {strides = array<i32>} : memref<128x128xf32, #tpu.memory_space<vmem>>, vector<1x16xf32>,
      %swap3A_77 = vector.shape_cast %swap3A_76 : vector<1x16xf32> to vector<16xf32>
      %swap3A_78 = vector.shape_cast %broadcast_in_dim3A_0 : vector<16xf32> to vector<1x16xf32>
      tpu.vector_store %arg10[%swap3A_74, %swap3A_75], %swap3A_78 {strides = array<i32>} : memref<128x128xf32, #tpu.memory_space<vmem>>, vector<1x16xf32>,
      %swap3A_79 = arith.index_cast %scan3A_53 : i32 to index
      %swap3A_80 = arith.constant 80 : index
      %swap3A_81 = tpu.vector_load %arg10[%swap3A_79, %swap3A_80] {strides = array<i32>} : memref<128x128xf32, #tpu.memory_space<vmem>>, vector<1x16xf32>,
      %swap3A_82 = vector.shape_cast %swap3A_81 : vector<1x16xf32> to vector<16xf32>
      %swap3A_83 = vector.shape_cast %broadcast_in_dim3A_0 : vector<16xf32> to vector<1x16xf32>
      tpu.vector_store %arg10[%swap3A_79, %swap3A_80], %swap3A_83 {strides = array<i32>} : memref<128x128xf32, #tpu.memory_space<vmem>>, vector<1x16xf32>,
      %swap3A_84 = arith.index_cast %scan3A_53 : i32 to index
      %swap3A_85 = arith.constant 96 : index
      %swap3A_86 = tpu.vector_load %arg10[%swap3A_84, %swap3A_85] {strides = array<i32>} : memref<128x128xf32, #tpu.memory_space<vmem>>, vector<1x16xf32>,
      %swap3A_87 = vector.shape_cast %swap3A_86 : vector<1x16xf32> to vector<16xf32>
      %swap3A_88 = vector.shape_cast %broadcast_in_dim3A_0 : vector<16xf32> to vector<1x16xf32>
      tpu.vector_store %arg10[%swap3A_84, %swap3A_85], %swap3A_88 {strides = array<i32>} : memref<128x128xf32, #tpu.memory_space<vmem>>, vector<1x16xf32>,
      %swap3A_89 = arith.index_cast %scan3A_53 : i32 to index
      %swap3A_90 = arith.constant 112 : index
      %swap3A_91 = tpu.vector_load %arg10[%swap3A_89, %swap3A_90] {strides = array<i32>} : memref<128x128xf32, #tpu.memory_space<vmem>>, vector<1x16xf32>,
      %swap3A_92 = vector.shape_cast %swap3A_91 : vector<1x16xf32> to vector<16xf32>
      %swap3A_93 = vector.shape_cast %broadcast_in_dim3A_0 : vector<16xf32> to vector<1x16xf32>
      tpu.vector_store %arg10[%swap3A_89, %swap3A_90], %swap3A_93 {strides = array<i32>} : memref<128x128xf32, #tpu.memory_space<vmem>>, vector<1x16xf32>,
      %scan3A_94 = arith.constant 0 : i32
      scf.yield %scan3A_94 : i32
    }
    %scan3A_6 = arith.constant 128 : i32
    %mul3A = arith.constant 640 : i32
    %mul3A_7 = arith.muli %arg1, %mul3A : i32
    %add3A = arith.constant 0 : i32
    %add3A_8 = arith.addi %mul3A_7, %add3A : i32
    "tpu.region"() ({
      %run_scoped3A = tpu.sem_alloc : memref<!tpu.dma_semaphore, #tpu.memory_space<semaphore_mem>>
      %dma_start3A = arith.constant 0 : i32
      %dma_start3A_53 = tpu.memref_slice %arg11[%add3A_8, %dma_start3A] : memref<10240x128xf32, #tpu.memory_space<vmem_shared>> -> memref<128x128xf32, #tpu.memory_space<vmem_shared>>
      %dma_start3A_54 = arith.constant 0 : i32
      %dma_start3A_55 = tpu.memref_slice %arg11[%add3A_8, %dma_start3A_54] : memref<10240x128xf32, #tpu.memory_space<vmem_shared>> -> memref<128x128xf32, #tpu.memory_space<vmem_shared>>
      tpu.enqueue_dma source(%arg10 : memref<128x128xf32, #tpu.memory_space<vmem>>) target(%dma_start3A_55 : memref<128x128xf32, #tpu.memory_space<vmem_shared>>) target_semaphore(%run_scoped3A : memref<!tpu.dma_semaphore, #tpu.memory_space<semaphore_mem>>)
      %dma_wait3A = arith.constant 0 : i32
      %dma_wait3A_56 = tpu.memref_slice %arg11[%add3A_8, %dma_wait3A] : memref<10240x128xf32, #tpu.memory_space<vmem_shared>> -> memref<128x128xf32, #tpu.memory_space<vmem_shared>>
      %dma_wait3A_57 = arith.constant 0 : i32
      %dma_wait3A_58 = tpu.memref_slice %arg11[%add3A_8, %dma_wait3A_57] : memref<10240x128xf32, #tpu.memory_space<vmem_shared>> -> memref<128x128xf32, #tpu.memory_space<vmem_shared>>
      tpu.wait_dma2 semaphore(%run_scoped3A : memref<!tpu.dma_semaphore, #tpu.memory_space<semaphore_mem>>) src(%arg10 : memref<128x128xf32, #tpu.memory_space<vmem>>) dst(%dma_wait3A_58 : memref<128x128xf32, #tpu.memory_space<vmem_shared>>)
      tpu.yield
    }) : () -> ()
    %mul3A_9 = arith.constant 640 : i32
    %mul3A_10 = arith.muli %arg1, %mul3A_9 : i32
    %add3A_11 = arith.constant 128 : i32
    %add3A_12 = arith.addi %mul3A_10, %add3A_11 : i32
    "tpu.region"() ({
      %run_scoped3A = tpu.sem_alloc : memref<!tpu.dma_semaphore, #tpu.memory_space<semaphore_mem>>
      %dma_start3A = arith.constant 0 : i32
      %dma_start3A_53 = tpu.memref_slice %arg11[%add3A_12, %dma_start3A] : memref<10240x128xf32, #tpu.memory_space<vmem_shared>> -> memref<128x128xf32, #tpu.memory_space<vmem_shared>>
      %dma_start3A_54 = arith.constant 0 : i32
      %dma_start3A_55 = tpu.memref_slice %arg11[%add3A_12, %dma_start3A_54] : memref<10240x128xf32, #tpu.memory_space<vmem_shared>> -> memref<128x128xf32, #tpu.memory_space<vmem_shared>>
      tpu.enqueue_dma source(%arg10 : memref<128x128xf32, #tpu.memory_space<vmem>>) target(%dma_start3A_55 : memref<128x128xf32, #tpu.memory_space<vmem_shared>>) target_semaphore(%run_scoped3A : memref<!tpu.dma_semaphore, #tpu.memory_space<semaphore_mem>>)
      %dma_wait3A = arith.constant 0 : i32
      %dma_wait3A_56 = tpu.memref_slice %arg11[%add3A_12, %dma_wait3A] : memref<10240x128xf32, #tpu.memory_space<vmem_shared>> -> memref<128x128xf32, #tpu.memory_space<vmem_shared>>
      %dma_wait3A_57 = arith.constant 0 : i32
      %dma_wait3A_58 = tpu.memref_slice %arg11[%add3A_12, %dma_wait3A_57] : memref<10240x128xf32, #tpu.memory_space<vmem_shared>> -> memref<128x128xf32, #tpu.memory_space<vmem_shared>>
      tpu.wait_dma2 semaphore(%run_scoped3A : memref<!tpu.dma_semaphore, #tpu.memory_space<semaphore_mem>>) src(%arg10 : memref<128x128xf32, #tpu.memory_space<vmem>>) dst(%dma_wait3A_58 : memref<128x128xf32, #tpu.memory_space<vmem_shared>>)
      tpu.yield
    }) : () -> ()
    %mul3A_13 = arith.constant 640 : i32
    %mul3A_14 = arith.muli %arg1, %mul3A_13 : i32
    %add3A_15 = arith.constant 256 : i32
    %add3A_16 = arith.addi %mul3A_14, %add3A_15 : i32
    "tpu.region"() ({
      %run_scoped3A = tpu.sem_alloc : memref<!tpu.dma_semaphore, #tpu.memory_space<semaphore_mem>>
      %dma_start3A = arith.constant 0 : i32
      %dma_start3A_53 = tpu.memref_slice %arg11[%add3A_16, %dma_start3A] : memref<10240x128xf32, #tpu.memory_space<vmem_shared>> -> memref<128x128xf32, #tpu.memory_space<vmem_shared>>
      %dma_start3A_54 = arith.constant 0 : i32
      %dma_start3A_55 = tpu.memref_slice %arg11[%add3A_16, %dma_start3A_54] : memref<10240x128xf32, #tpu.memory_space<vmem_shared>> -> memref<128x128xf32, #tpu.memory_space<vmem_shared>>
      tpu.enqueue_dma source(%arg10 : memref<128x128xf32, #tpu.memory_space<vmem>>) target(%dma_start3A_55 : memref<128x128xf32, #tpu.memory_space<vmem_shared>>) target_semaphore(%run_scoped3A : memref<!tpu.dma_semaphore, #tpu.memory_space<semaphore_mem>>)
      %dma_wait3A = arith.constant 0 : i32
      %dma_wait3A_56 = tpu.memref_slice %arg11[%add3A_16, %dma_wait3A] : memref<10240x128xf32, #tpu.memory_space<vmem_shared>> -> memref<128x128xf32, #tpu.memory_space<vmem_shared>>
      %dma_wait3A_57 = arith.constant 0 : i32
      %dma_wait3A_58 = tpu.memref_slice %arg11[%add3A_16, %dma_wait3A_57] : memref<10240x128xf32, #tpu.memory_space<vmem_shared>> -> memref<128x128xf32, #tpu.memory_space<vmem_shared>>
      tpu.wait_dma2 semaphore(%run_scoped3A : memref<!tpu.dma_semaphore, #tpu.memory_space<semaphore_mem>>) src(%arg10 : memref<128x128xf32, #tpu.memory_space<vmem>>) dst(%dma_wait3A_58 : memref<128x128xf32, #tpu.memory_space<vmem_shared>>)
      tpu.yield
    }) : () -> ()
    %mul3A_17 = arith.constant 640 : i32
    %mul3A_18 = arith.muli %arg1, %mul3A_17 : i32
    %add3A_19 = arith.constant 384 : i32
    %add3A_20 = arith.addi %mul3A_18, %add3A_19 : i32
    "tpu.region"() ({
      %run_scoped3A = tpu.sem_alloc : memref<!tpu.dma_semaphore, #tpu.memory_space<semaphore_mem>>
      %dma_start3A = arith.constant 0 : i32
      %dma_start3A_53 = tpu.memref_slice %arg11[%add3A_20, %dma_start3A] : memref<10240x128xf32, #tpu.memory_space<vmem_shared>> -> memref<128x128xf32, #tpu.memory_space<vmem_shared>>
      %dma_start3A_54 = arith.constant 0 : i32
      %dma_start3A_55 = tpu.memref_slice %arg11[%add3A_20, %dma_start3A_54] : memref<10240x128xf32, #tpu.memory_space<vmem_shared>> -> memref<128x128xf32, #tpu.memory_space<vmem_shared>>
      tpu.enqueue_dma source(%arg10 : memref<128x128xf32, #tpu.memory_space<vmem>>) target(%dma_start3A_55 : memref<128x128xf32, #tpu.memory_space<vmem_shared>>) target_semaphore(%run_scoped3A : memref<!tpu.dma_semaphore, #tpu.memory_space<semaphore_mem>>)
      %dma_wait3A = arith.constant 0 : i32
      %dma_wait3A_56 = tpu.memref_slice %arg11[%add3A_20, %dma_wait3A] : memref<10240x128xf32, #tpu.memory_space<vmem_shared>> -> memref<128x128xf32, #tpu.memory_space<vmem_shared>>
      %dma_wait3A_57 = arith.constant 0 : i32
      %dma_wait3A_58 = tpu.memref_slice %arg11[%add3A_20, %dma_wait3A_57] : memref<10240x128xf32, #tpu.memory_space<vmem_shared>> -> memref<128x128xf32, #tpu.memory_space<vmem_shared>>
      tpu.wait_dma2 semaphore(%run_scoped3A : memref<!tpu.dma_semaphore, #tpu.memory_space<semaphore_mem>>) src(%arg10 : memref<128x128xf32, #tpu.memory_space<vmem>>) dst(%dma_wait3A_58 : memref<128x128xf32, #tpu.memory_space<vmem_shared>>)
      tpu.yield
    }) : () -> ()
    %mul3A_21 = arith.constant 640 : i32
    %mul3A_22 = arith.muli %arg1, %mul3A_21 : i32
    %add3A_23 = arith.constant 512 : i32
    %add3A_24 = arith.addi %mul3A_22, %add3A_23 : i32
    "tpu.region"() ({
      %run_scoped3A = tpu.sem_alloc : memref<!tpu.dma_semaphore, #tpu.memory_space<semaphore_mem>>
      %dma_start3A = arith.constant 0 : i32
      %dma_start3A_53 = tpu.memref_slice %arg11[%add3A_24, %dma_start3A] : memref<10240x128xf32, #tpu.memory_space<vmem_shared>> -> memref<128x128xf32, #tpu.memory_space<vmem_shared>>
      %dma_start3A_54 = arith.constant 0 : i32
      %dma_start3A_55 = tpu.memref_slice %arg11[%add3A_24, %dma_start3A_54] : memref<10240x128xf32, #tpu.memory_space<vmem_shared>> -> memref<128x128xf32, #tpu.memory_space<vmem_shared>>
      tpu.enqueue_dma source(%arg10 : memref<128x128xf32, #tpu.memory_space<vmem>>) target(%dma_start3A_55 : memref<128x128xf32, #tpu.memory_space<vmem_shared>>) target_semaphore(%run_scoped3A : memref<!tpu.dma_semaphore, #tpu.memory_space<semaphore_mem>>)
      %dma_wait3A = arith.constant 0 : i32
      %dma_wait3A_56 = tpu.memref_slice %arg11[%add3A_24, %dma_wait3A] : memref<10240x128xf32, #tpu.memory_space<vmem_shared>> -> memref<128x128xf32, #tpu.memory_space<vmem_shared>>
      %dma_wait3A_57 = arith.constant 0 : i32
      %dma_wait3A_58 = tpu.memref_slice %arg11[%add3A_24, %dma_wait3A_57] : memref<10240x128xf32, #tpu.memory_space<vmem_shared>> -> memref<128x128xf32, #tpu.memory_space<vmem_shared>>
      tpu.wait_dma2 semaphore(%run_scoped3A : memref<!tpu.dma_semaphore, #tpu.memory_space<semaphore_mem>>) src(%arg10 : memref<128x128xf32, #tpu.memory_space<vmem>>) dst(%dma_wait3A_58 : memref<128x128xf32, #tpu.memory_space<vmem_shared>>)
      tpu.yield
    }) : () -> ()
    %barrier3A = arith.constant 0 : index
    tpu.barrier barrier_id(%barrier3A)
    %eq3A = arith.constant 0 : i32
    %eq3A_25 = arith.cmpi eq, %arg0, %eq3A : i32
    %convert_element_type3A = arith.extui %eq3A_25 : i1 to i32
    %cond3A = arith.constant 0 : i32
    %cond3A_26 = arith.cmpi ne, %convert_element_type3A, %cond3A : i32
    scf.if %cond3A_26 {
      "tpu.region"() ({
        %run_scoped3A = tpu.sem_alloc : memref<!tpu.dma_semaphore, #tpu.memory_space<semaphore_mem>>
        %dma_start3A = arith.constant 0 : i32
        %dma_start3A_60 = arith.constant 0 : i32
        %dma_start3A_61 = tpu.memref_slice %arg8[%dma_start3A, %dma_start3A_60] : memref<91x128xi32, #tpu.memory_space<vmem>> -> memref<91x128xi32, #tpu.memory_space<vmem>>
        %dma_start3A_62 = arith.constant 0 : i32
        %dma_start3A_63 = arith.constant 0 : i32
        %dma_start3A_64 = tpu.memref_slice %arg2[%arg1, %dma_start3A_62, %dma_start3A_63] : memref<16x91x128xi32, #tpu.memory_space<hbm>> -> memref<1x91x128xi32, #tpu.memory_space<hbm>>
        %dma_start3A_65 = tpu.memref_squeeze %dma_start3A_64 : memref<1x91x128xi32, #tpu.memory_space<hbm>> -> memref<91x128xi32, #tpu.memory_space<hbm>>
        %dma_start3A_66 = arith.constant 0 : i32
        %dma_start3A_67 = arith.constant 0 : i32
        %dma_start3A_68 = tpu.memref_slice %arg8[%dma_start3A_66, %dma_start3A_67] : memref<91x128xi32, #tpu.memory_space<vmem>> -> memref<91x128xi32, #tpu.memory_space<vmem>>
        %dma_start3A_69 = arith.constant 0 : i32
        %dma_start3A_70 = arith.constant 0 : i32
        %dma_start3A_71 = tpu.memref_slice %arg2[%arg1, %dma_start3A_69, %dma_start3A_70] : memref<16x91x128xi32, #tpu.memory_space<hbm>> -> memref<1x91x128xi32, #tpu.memory_space<hbm>>
        %dma_start3A_72 = tpu.memref_squeeze %dma_start3A_71 : memref<1x91x128xi32, #tpu.memory_space<hbm>> -> memref<91x128xi32, #tpu.memory_space<hbm>>
        tpu.enqueue_dma source(%dma_start3A_72 : memref<91x128xi32, #tpu.memory_space<hbm>>) target(%dma_start3A_68 : memref<91x128xi32, #tpu.memory_space<vmem>>) target_semaphore(%run_scoped3A : memref<!tpu.dma_semaphore, #tpu.memory_space<semaphore_mem>>)
        %dma_wait3A = arith.constant 0 : i32
        %dma_wait3A_73 = arith.constant 0 : i32
        %dma_wait3A_74 = tpu.memref_slice %arg8[%dma_wait3A, %dma_wait3A_73] : memref<91x128xi32, #tpu.memory_space<vmem>> -> memref<91x128xi32, #tpu.memory_space<vmem>>
        %dma_wait3A_75 = arith.constant 0 : i32
        %dma_wait3A_76 = arith.constant 0 : i32
        %dma_wait3A_77 = tpu.memref_slice %arg2[%arg1, %dma_wait3A_75, %dma_wait3A_76] : memref<16x91x128xi32, #tpu.memory_space<hbm>> -> memref<1x91x128xi32, #tpu.memory_space<hbm>>
        %dma_wait3A_78 = tpu.memref_squeeze %dma_wait3A_77 : memref<1x91x128xi32, #tpu.memory_space<hbm>> -> memref<91x128xi32, #tpu.memory_space<hbm>>
        %dma_wait3A_79 = arith.constant 0 : i32
        %dma_wait3A_80 = arith.constant 0 : i32
        %dma_wait3A_81 = tpu.memref_slice %arg8[%dma_wait3A_79, %dma_wait3A_80] : memref<91x128xi32, #tpu.memory_space<vmem>> -> memref<91x128xi32, #tpu.memory_space<vmem>>
        %dma_wait3A_82 = arith.constant 0 : i32
        %dma_wait3A_83 = arith.constant 0 : i32
        %dma_wait3A_84 = tpu.memref_slice %arg2[%arg1, %dma_wait3A_82, %dma_wait3A_83] : memref<16x91x128xi32, #tpu.memory_space<hbm>> -> memref<1x91x128xi32, #tpu.memory_space<hbm>>
        %dma_wait3A_85 = tpu.memref_squeeze %dma_wait3A_84 : memref<1x91x128xi32, #tpu.memory_space<hbm>> -> memref<91x128xi32, #tpu.memory_space<hbm>>
        tpu.wait_dma2 semaphore(%run_scoped3A : memref<!tpu.dma_semaphore, #tpu.memory_space<semaphore_mem>>) src(%dma_wait3A_85 : memref<91x128xi32, #tpu.memory_space<hbm>>) dst(%dma_wait3A_81 : memref<91x128xi32, #tpu.memory_space<vmem>>)
        tpu.yield
      }) : () -> ()
      "tpu.region"() ({
        %run_scoped3A = tpu.sem_alloc : memref<!tpu.dma_semaphore, #tpu.memory_space<semaphore_mem>>
        %dma_start3A = arith.constant 0 : i32
        %dma_start3A_60 = arith.constant 0 : i32
        %dma_start3A_61 = tpu.memref_slice %arg9[%dma_start3A, %dma_start3A_60] : memref<91x128xi32, #tpu.memory_space<vmem>> -> memref<91x128xi32, #tpu.memory_space<vmem>>
        %dma_start3A_62 = arith.constant 0 : i32
        %dma_start3A_63 = arith.constant 0 : i32
        %dma_start3A_64 = tpu.memref_slice %arg3[%arg1, %dma_start3A_62, %dma_start3A_63] : memref<16x91x128xi32, #tpu.memory_space<hbm>> -> memref<1x91x128xi32, #tpu.memory_space<hbm>>
        %dma_start3A_65 = tpu.memref_squeeze %dma_start3A_64 : memref<1x91x128xi32, #tpu.memory_space<hbm>> -> memref<91x128xi32, #tpu.memory_space<hbm>>
        %dma_start3A_66 = arith.constant 0 : i32
        %dma_start3A_67 = arith.constant 0 : i32
        %dma_start3A_68 = tpu.memref_slice %arg9[%dma_start3A_66, %dma_start3A_67] : memref<91x128xi32, #tpu.memory_space<vmem>> -> memref<91x128xi32, #tpu.memory_space<vmem>>
        %dma_start3A_69 = arith.constant 0 : i32
        %dma_start3A_70 = arith.constant 0 : i32
        %dma_start3A_71 = tpu.memref_slice %arg3[%arg1, %dma_start3A_69, %dma_start3A_70] : memref<16x91x128xi32, #tpu.memory_space<hbm>> -> memref<1x91x128xi32, #tpu.memory_space<hbm>>
        %dma_start3A_72 = tpu.memref_squeeze %dma_start3A_71 : memref<1x91x128xi32, #tpu.memory_space<hbm>> -> memref<91x128xi32, #tpu.memory_space<hbm>>
        tpu.enqueue_dma source(%dma_start3A_72 : memref<91x128xi32, #tpu.memory_space<hbm>>) target(%dma_start3A_68 : memref<91x128xi32, #tpu.memory_space<vmem>>) target_semaphore(%run_scoped3A : memref<!tpu.dma_semaphore, #tpu.memory_space<semaphore_mem>>)
        %dma_wait3A = arith.constant 0 : i32
        %dma_wait3A_73 = arith.constant 0 : i32
        %dma_wait3A_74 = tpu.memref_slice %arg9[%dma_wait3A, %dma_wait3A_73] : memref<91x128xi32, #tpu.memory_space<vmem>> -> memref<91x128xi32, #tpu.memory_space<vmem>>
        %dma_wait3A_75 = arith.constant 0 : i32
        %dma_wait3A_76 = arith.constant 0 : i32
        %dma_wait3A_77 = tpu.memref_slice %arg3[%arg1, %dma_wait3A_75, %dma_wait3A_76] : memref<16x91x128xi32, #tpu.memory_space<hbm>> -> memref<1x91x128xi32, #tpu.memory_space<hbm>>
        %dma_wait3A_78 = tpu.memref_squeeze %dma_wait3A_77 : memref<1x91x128xi32, #tpu.memory_space<hbm>> -> memref<91x128xi32, #tpu.memory_space<hbm>>
        %dma_wait3A_79 = arith.constant 0 : i32
        %dma_wait3A_80 = arith.constant 0 : i32
        %dma_wait3A_81 = tpu.memref_slice %arg9[%dma_wait3A_79, %dma_wait3A_80] : memref<91x128xi32, #tpu.memory_space<vmem>> -> memref<91x128xi32, #tpu.memory_space<vmem>>
        %dma_wait3A_82 = arith.constant 0 : i32
        %dma_wait3A_83 = arith.constant 0 : i32
        %dma_wait3A_84 = tpu.memref_slice %arg3[%arg1, %dma_wait3A_82, %dma_wait3A_83] : memref<16x91x128xi32, #tpu.memory_space<hbm>> -> memref<1x91x128xi32, #tpu.memory_space<hbm>>
        %dma_wait3A_85 = tpu.memref_squeeze %dma_wait3A_84 : memref<1x91x128xi32, #tpu.memory_space<hbm>> -> memref<91x128xi32, #tpu.memory_space<hbm>>
        tpu.wait_dma2 semaphore(%run_scoped3A : memref<!tpu.dma_semaphore, #tpu.memory_space<semaphore_mem>>) src(%dma_wait3A_85 : memref<91x128xi32, #tpu.memory_space<hbm>>) dst(%dma_wait3A_81 : memref<91x128xi32, #tpu.memory_space<vmem>>)
        tpu.yield
      }) : () -> ()
      %scan3A_53 = arith.constant 0 : i32
      %scan3A_54 = arith.constant 0 : i32
      %scan3A_55 = arith.constant 91 : i32
      %scan3A_56 = arith.addi %scan3A_54, %scan3A_55 : i32
      %scan3A_57 = arith.constant 1 : i32
      %scan3A_58 = scf.for %scan3A_60 = %scan3A_54 to %scan3A_56 step %scan3A_57 iter_args(%scan3A_61 = %scan3A_53) -> (i32)  : i32 {
        %dma_start3A = arith.constant 0 : i32
        %dma_start3A_62 = tpu.memref_slice %arg8[%scan3A_60, %dma_start3A] : memref<91x128xi32, #tpu.memory_space<vmem>> -> memref<1x128xi32, #tpu.memory_space<vmem>>
        %dma_start3A_63 = tpu.memref_squeeze %dma_start3A_62 : memref<1x128xi32, #tpu.memory_space<vmem>> -> memref<128xi32, #tpu.memory_space<vmem>>
        %dma_start3A_64 = arith.constant 0 : i32
        %dma_start3A_65 = arith.constant 0 : i32
        %dma_start3A_66 = tpu.memref_slice %arg6[%dma_start3A_64, %dma_start3A_65] : memref<10240x128xf32, #tpu.memory_space<hbm>> -> memref<10240x128xf32, #tpu.memory_space<hbm>>
        tpu.enqueue_indirect_dma source(%dma_start3A_66 : memref<10240x128xf32, #tpu.memory_space<hbm>>) target(%arg10 : memref<128x128xf32, #tpu.memory_space<vmem>>) offsets(%dma_start3A_63 : memref<128xi32, #tpu.memory_space<vmem>>) semaphore(%arg12 : memref<!tpu.dma_semaphore, #tpu.memory_space<semaphore_mem>>)
        %dma_wait3A = arith.constant 0 : i32
        %dma_wait3A_67 = tpu.memref_slice %arg8[%scan3A_60, %dma_wait3A] : memref<91x128xi32, #tpu.memory_space<vmem>> -> memref<1x128xi32, #tpu.memory_space<vmem>>
        %dma_wait3A_68 = tpu.memref_squeeze %dma_wait3A_67 : memref<1x128xi32, #tpu.memory_space<vmem>> -> memref<128xi32, #tpu.memory_space<vmem>>
        %dma_wait3A_69 = arith.constant 0 : i32
        %dma_wait3A_70 = arith.constant 0 : i32
        %dma_wait3A_71 = tpu.memref_slice %arg6[%dma_wait3A_69, %dma_wait3A_70] : memref<10240x128xf32, #tpu.memory_space<hbm>> -> memref<10240x128xf32, #tpu.memory_space<hbm>>
        tpu.wait_indirect_dma semaphore(%arg12 : memref<!tpu.dma_semaphore, #tpu.memory_space<semaphore_mem>>) src(%dma_wait3A_71 : memref<10240x128xf32, #tpu.memory_space<hbm>>) dst(%arg10 : memref<128x128xf32, #tpu.memory_space<vmem>>)
        "tpu.region"() ({
          %run_scoped3A = tpu.sem_alloc : memref<!tpu.dma_semaphore, #tpu.memory_space<semaphore_mem>>
          %dma_start3A_73 = arith.constant 0 : i32
          %dma_start3A_74 = tpu.memref_slice %arg9[%scan3A_60, %dma_start3A_73] : memref<91x128xi32, #tpu.memory_space<vmem>> -> memref<1x128xi32, #tpu.memory_space<vmem>>
          %dma_start3A_75 = tpu.memref_squeeze %dma_start3A_74 : memref<1x128xi32, #tpu.memory_space<vmem>> -> memref<128xi32, #tpu.memory_space<vmem>>
          %dma_start3A_76 = arith.constant 0 : i32
          %dma_start3A_77 = arith.constant 0 : i32
          %dma_start3A_78 = tpu.memref_slice %arg11[%dma_start3A_76, %dma_start3A_77] : memref<10240x128xf32, #tpu.memory_space<vmem_shared>> -> memref<10240x128xf32, #tpu.memory_space<vmem_shared>>
          tpu.enqueue_indirect_dma source(%arg10 : memref<128x128xf32, #tpu.memory_space<vmem>>) target(%dma_start3A_78 : memref<10240x128xf32, #tpu.memory_space<vmem_shared>>) offsets(%dma_start3A_75 : memref<128xi32, #tpu.memory_space<vmem>>) semaphore(%run_scoped3A : memref<!tpu.dma_semaphore, #tpu.memory_space<semaphore_mem>>) {add = true}
          %dma_wait3A_79 = arith.constant 0 : i32
          %dma_wait3A_80 = tpu.memref_slice %arg9[%scan3A_60, %dma_wait3A_79] : memref<91x128xi32, #tpu.memory_space<vmem>> -> memref<1x128xi32, #tpu.memory_space<vmem>>
          %dma_wait3A_81 = tpu.memref_squeeze %dma_wait3A_80 : memref<1x128xi32, #tpu.memory_space<vmem>> -> memref<128xi32, #tpu.memory_space<vmem>>
          %dma_wait3A_82 = arith.constant 0 : i32
          %dma_wait3A_83 = arith.constant 0 : i32
          %dma_wait3A_84 = tpu.memref_slice %arg11[%dma_wait3A_82, %dma_wait3A_83] : memref<10240x128xf32, #tpu.memory_space<vmem_shared>> -> memref<10240x128xf32, #tpu.memory_space<vmem_shared>>
          tpu.wait_indirect_dma semaphore(%run_scoped3A : memref<!tpu.dma_semaphore, #tpu.memory_space<semaphore_mem>>) src(%arg10 : memref<128x128xf32, #tpu.memory_space<vmem>>) dst(%dma_wait3A_84 : memref<10240x128xf32, #tpu.memory_space<vmem_shared>>)
          tpu.yield
        }) : () -> ()
        %scan3A_72 = arith.constant 0 : i32
        scf.yield %scan3A_72 : i32
      }
      %scan3A_59 = arith.constant 91 : i32
    } else {
    }
    %eq3A_27 = arith.constant 1 : i32
    %eq3A_28 = arith.cmpi eq, %arg0, %eq3A_27 : i32
    %convert_element_type3A_29 = arith.extui %eq3A_28 : i1 to i32
    %cond3A_30 = arith.constant 0 : i32
    %cond3A_31 = arith.cmpi ne, %convert_element_type3A_29, %cond3A_30 : i32
    scf.if %cond3A_31 {
      "tpu.region"() ({
        %run_scoped3A = tpu.sem_alloc : memref<!tpu.dma_semaphore, #tpu.memory_space<semaphore_mem>>
        %dma_start3A = arith.constant 0 : i32
        %dma_start3A_60 = arith.constant 0 : i32
        %dma_start3A_61 = tpu.memref_slice %arg8[%dma_start3A, %dma_start3A_60] : memref<91x128xi32, #tpu.memory_space<vmem>> -> memref<66x128xi32, #tpu.memory_space<vmem>>
        %dma_start3A_62 = arith.constant 0 : i32
        %dma_start3A_63 = arith.constant 0 : i32
        %dma_start3A_64 = tpu.memref_slice %arg4[%arg1, %dma_start3A_62, %dma_start3A_63] : memref<16x66x128xi32, #tpu.memory_space<hbm>> -> memref<1x66x128xi32, #tpu.memory_space<hbm>>
        %dma_start3A_65 = tpu.memref_squeeze %dma_start3A_64 : memref<1x66x128xi32, #tpu.memory_space<hbm>> -> memref<66x128xi32, #tpu.memory_space<hbm>>
        %dma_start3A_66 = arith.constant 0 : i32
        %dma_start3A_67 = arith.constant 0 : i32
        %dma_start3A_68 = tpu.memref_slice %arg8[%dma_start3A_66, %dma_start3A_67] : memref<91x128xi32, #tpu.memory_space<vmem>> -> memref<66x128xi32, #tpu.memory_space<vmem>>
        %dma_start3A_69 = arith.constant 0 : i32
        %dma_start3A_70 = arith.constant 0 : i32
        %dma_start3A_71 = tpu.memref_slice %arg4[%arg1, %dma_start3A_69, %dma_start3A_70] : memref<16x66x128xi32, #tpu.memory_space<hbm>> -> memref<1x66x128xi32, #tpu.memory_space<hbm>>
        %dma_start3A_72 = tpu.memref_squeeze %dma_start3A_71 : memref<1x66x128xi32, #tpu.memory_space<hbm>> -> memref<66x128xi32, #tpu.memory_space<hbm>>
        tpu.enqueue_dma source(%dma_start3A_72 : memref<66x128xi32, #tpu.memory_space<hbm>>) target(%dma_start3A_68 : memref<66x128xi32, #tpu.memory_space<vmem>>) target_semaphore(%run_scoped3A : memref<!tpu.dma_semaphore, #tpu.memory_space<semaphore_mem>>)
        %dma_wait3A = arith.constant 0 : i32
        %dma_wait3A_73 = arith.constant 0 : i32
        %dma_wait3A_74 = tpu.memref_slice %arg8[%dma_wait3A, %dma_wait3A_73] : memref<91x128xi32, #tpu.memory_space<vmem>> -> memref<66x128xi32, #tpu.memory_space<vmem>>
        %dma_wait3A_75 = arith.constant 0 : i32
        %dma_wait3A_76 = arith.constant 0 : i32
        %dma_wait3A_77 = tpu.memref_slice %arg4[%arg1, %dma_wait3A_75, %dma_wait3A_76] : memref<16x66x128xi32, #tpu.memory_space<hbm>> -> memref<1x66x128xi32, #tpu.memory_space<hbm>>
        %dma_wait3A_78 = tpu.memref_squeeze %dma_wait3A_77 : memref<1x66x128xi32, #tpu.memory_space<hbm>> -> memref<66x128xi32, #tpu.memory_space<hbm>>
        %dma_wait3A_79 = arith.constant 0 : i32
        %dma_wait3A_80 = arith.constant 0 : i32
        %dma_wait3A_81 = tpu.memref_slice %arg8[%dma_wait3A_79, %dma_wait3A_80] : memref<91x128xi32, #tpu.memory_space<vmem>> -> memref<66x128xi32, #tpu.memory_space<vmem>>
        %dma_wait3A_82 = arith.constant 0 : i32
        %dma_wait3A_83 = arith.constant 0 : i32
        %dma_wait3A_84 = tpu.memref_slice %arg4[%arg1, %dma_wait3A_82, %dma_wait3A_83] : memref<16x66x128xi32, #tpu.memory_space<hbm>> -> memref<1x66x128xi32, #tpu.memory_space<hbm>>
        %dma_wait3A_85 = tpu.memref_squeeze %dma_wait3A_84 : memref<1x66x128xi32, #tpu.memory_space<hbm>> -> memref<66x128xi32, #tpu.memory_space<hbm>>
        tpu.wait_dma2 semaphore(%run_scoped3A : memref<!tpu.dma_semaphore, #tpu.memory_space<semaphore_mem>>) src(%dma_wait3A_85 : memref<66x128xi32, #tpu.memory_space<hbm>>) dst(%dma_wait3A_81 : memref<66x128xi32, #tpu.memory_space<vmem>>)
        tpu.yield
      }) : () -> ()
      "tpu.region"() ({
        %run_scoped3A = tpu.sem_alloc : memref<!tpu.dma_semaphore, #tpu.memory_space<semaphore_mem>>
        %dma_start3A = arith.constant 0 : i32
        %dma_start3A_60 = arith.constant 0 : i32
        %dma_start3A_61 = tpu.memref_slice %arg9[%dma_start3A, %dma_start3A_60] : memref<91x128xi32, #tpu.memory_space<vmem>> -> memref<66x128xi32, #tpu.memory_space<vmem>>
        %dma_start3A_62 = arith.constant 0 : i32
        %dma_start3A_63 = arith.constant 0 : i32
        %dma_start3A_64 = tpu.memref_slice %arg5[%arg1, %dma_start3A_62, %dma_start3A_63] : memref<16x66x128xi32, #tpu.memory_space<hbm>> -> memref<1x66x128xi32, #tpu.memory_space<hbm>>
        %dma_start3A_65 = tpu.memref_squeeze %dma_start3A_64 : memref<1x66x128xi32, #tpu.memory_space<hbm>> -> memref<66x128xi32, #tpu.memory_space<hbm>>
        %dma_start3A_66 = arith.constant 0 : i32
        %dma_start3A_67 = arith.constant 0 : i32
        %dma_start3A_68 = tpu.memref_slice %arg9[%dma_start3A_66, %dma_start3A_67] : memref<91x128xi32, #tpu.memory_space<vmem>> -> memref<66x128xi32, #tpu.memory_space<vmem>>
        %dma_start3A_69 = arith.constant 0 : i32
        %dma_start3A_70 = arith.constant 0 : i32
        %dma_start3A_71 = tpu.memref_slice %arg5[%arg1, %dma_start3A_69, %dma_start3A_70] : memref<16x66x128xi32, #tpu.memory_space<hbm>> -> memref<1x66x128xi32, #tpu.memory_space<hbm>>
        %dma_start3A_72 = tpu.memref_squeeze %dma_start3A_71 : memref<1x66x128xi32, #tpu.memory_space<hbm>> -> memref<66x128xi32, #tpu.memory_space<hbm>>
        tpu.enqueue_dma source(%dma_start3A_72 : memref<66x128xi32, #tpu.memory_space<hbm>>) target(%dma_start3A_68 : memref<66x128xi32, #tpu.memory_space<vmem>>) target_semaphore(%run_scoped3A : memref<!tpu.dma_semaphore, #tpu.memory_space<semaphore_mem>>)
        %dma_wait3A = arith.constant 0 : i32
        %dma_wait3A_73 = arith.constant 0 : i32
        %dma_wait3A_74 = tpu.memref_slice %arg9[%dma_wait3A, %dma_wait3A_73] : memref<91x128xi32, #tpu.memory_space<vmem>> -> memref<66x128xi32, #tpu.memory_space<vmem>>
        %dma_wait3A_75 = arith.constant 0 : i32
        %dma_wait3A_76 = arith.constant 0 : i32
        %dma_wait3A_77 = tpu.memref_slice %arg5[%arg1, %dma_wait3A_75, %dma_wait3A_76] : memref<16x66x128xi32, #tpu.memory_space<hbm>> -> memref<1x66x128xi32, #tpu.memory_space<hbm>>
        %dma_wait3A_78 = tpu.memref_squeeze %dma_wait3A_77 : memref<1x66x128xi32, #tpu.memory_space<hbm>> -> memref<66x128xi32, #tpu.memory_space<hbm>>
        %dma_wait3A_79 = arith.constant 0 : i32
        %dma_wait3A_80 = arith.constant 0 : i32
        %dma_wait3A_81 = tpu.memref_slice %arg9[%dma_wait3A_79, %dma_wait3A_80] : memref<91x128xi32, #tpu.memory_space<vmem>> -> memref<66x128xi32, #tpu.memory_space<vmem>>
        %dma_wait3A_82 = arith.constant 0 : i32
        %dma_wait3A_83 = arith.constant 0 : i32
        %dma_wait3A_84 = tpu.memref_slice %arg5[%arg1, %dma_wait3A_82, %dma_wait3A_83] : memref<16x66x128xi32, #tpu.memory_space<hbm>> -> memref<1x66x128xi32, #tpu.memory_space<hbm>>
        %dma_wait3A_85 = tpu.memref_squeeze %dma_wait3A_84 : memref<1x66x128xi32, #tpu.memory_space<hbm>> -> memref<66x128xi32, #tpu.memory_space<hbm>>
        tpu.wait_dma2 semaphore(%run_scoped3A : memref<!tpu.dma_semaphore, #tpu.memory_space<semaphore_mem>>) src(%dma_wait3A_85 : memref<66x128xi32, #tpu.memory_space<hbm>>) dst(%dma_wait3A_81 : memref<66x128xi32, #tpu.memory_space<vmem>>)
        tpu.yield
      }) : () -> ()
      %scan3A_53 = arith.constant 0 : i32
      %scan3A_54 = arith.constant 0 : i32
      %scan3A_55 = arith.constant 66 : i32
      %scan3A_56 = arith.addi %scan3A_54, %scan3A_55 : i32
      %scan3A_57 = arith.constant 1 : i32
      %scan3A_58 = scf.for %scan3A_60 = %scan3A_54 to %scan3A_56 step %scan3A_57 iter_args(%scan3A_61 = %scan3A_53) -> (i32)  : i32 {
        %dma_start3A = arith.constant 0 : i32
        %dma_start3A_62 = tpu.memref_slice %arg8[%scan3A_60, %dma_start3A] : memref<91x128xi32, #tpu.memory_space<vmem>> -> memref<1x128xi32, #tpu.memory_space<vmem>>
        %dma_start3A_63 = tpu.memref_squeeze %dma_start3A_62 : memref<1x128xi32, #tpu.memory_space<vmem>> -> memref<128xi32, #tpu.memory_space<vmem>>
        %dma_start3A_64 = arith.constant 0 : i32
        %dma_start3A_65 = arith.constant 0 : i32
        %dma_start3A_66 = tpu.memref_slice %arg6[%dma_start3A_64, %dma_start3A_65] : memref<10240x128xf32, #tpu.memory_space<hbm>> -> memref<10240x128xf32, #tpu.memory_space<hbm>>
        tpu.enqueue_indirect_dma source(%dma_start3A_66 : memref<10240x128xf32, #tpu.memory_space<hbm>>) target(%arg10 : memref<128x128xf32, #tpu.memory_space<vmem>>) offsets(%dma_start3A_63 : memref<128xi32, #tpu.memory_space<vmem>>) semaphore(%arg12 : memref<!tpu.dma_semaphore, #tpu.memory_space<semaphore_mem>>)
        %dma_wait3A = arith.constant 0 : i32
        %dma_wait3A_67 = tpu.memref_slice %arg8[%scan3A_60, %dma_wait3A] : memref<91x128xi32, #tpu.memory_space<vmem>> -> memref<1x128xi32, #tpu.memory_space<vmem>>
        %dma_wait3A_68 = tpu.memref_squeeze %dma_wait3A_67 : memref<1x128xi32, #tpu.memory_space<vmem>> -> memref<128xi32, #tpu.memory_space<vmem>>
        %dma_wait3A_69 = arith.constant 0 : i32
        %dma_wait3A_70 = arith.constant 0 : i32
        %dma_wait3A_71 = tpu.memref_slice %arg6[%dma_wait3A_69, %dma_wait3A_70] : memref<10240x128xf32, #tpu.memory_space<hbm>> -> memref<10240x128xf32, #tpu.memory_space<hbm>>
        tpu.wait_indirect_dma semaphore(%arg12 : memref<!tpu.dma_semaphore, #tpu.memory_space<semaphore_mem>>) src(%dma_wait3A_71 : memref<10240x128xf32, #tpu.memory_space<hbm>>) dst(%arg10 : memref<128x128xf32, #tpu.memory_space<vmem>>)
        "tpu.region"() ({
          %run_scoped3A = tpu.sem_alloc : memref<!tpu.dma_semaphore, #tpu.memory_space<semaphore_mem>>
          %dma_start3A_73 = arith.constant 0 : i32
          %dma_start3A_74 = tpu.memref_slice %arg9[%scan3A_60, %dma_start3A_73] : memref<91x128xi32, #tpu.memory_space<vmem>> -> memref<1x128xi32, #tpu.memory_space<vmem>>
          %dma_start3A_75 = tpu.memref_squeeze %dma_start3A_74 : memref<1x128xi32, #tpu.memory_space<vmem>> -> memref<128xi32, #tpu.memory_space<vmem>>
          %dma_start3A_76 = arith.constant 0 : i32
          %dma_start3A_77 = arith.constant 0 : i32
          %dma_start3A_78 = tpu.memref_slice %arg11[%dma_start3A_76, %dma_start3A_77] : memref<10240x128xf32, #tpu.memory_space<vmem_shared>> -> memref<10240x128xf32, #tpu.memory_space<vmem_shared>>
          tpu.enqueue_indirect_dma source(%arg10 : memref<128x128xf32, #tpu.memory_space<vmem>>) target(%dma_start3A_78 : memref<10240x128xf32, #tpu.memory_space<vmem_shared>>) offsets(%dma_start3A_75 : memref<128xi32, #tpu.memory_space<vmem>>) semaphore(%run_scoped3A : memref<!tpu.dma_semaphore, #tpu.memory_space<semaphore_mem>>) {add = true}
          %dma_wait3A_79 = arith.constant 0 : i32
          %dma_wait3A_80 = tpu.memref_slice %arg9[%scan3A_60, %dma_wait3A_79] : memref<91x128xi32, #tpu.memory_space<vmem>> -> memref<1x128xi32, #tpu.memory_space<vmem>>
          %dma_wait3A_81 = tpu.memref_squeeze %dma_wait3A_80 : memref<1x128xi32, #tpu.memory_space<vmem>> -> memref<128xi32, #tpu.memory_space<vmem>>
          %dma_wait3A_82 = arith.constant 0 : i32
          %dma_wait3A_83 = arith.constant 0 : i32
          %dma_wait3A_84 = tpu.memref_slice %arg11[%dma_wait3A_82, %dma_wait3A_83] : memref<10240x128xf32, #tpu.memory_space<vmem_shared>> -> memref<10240x128xf32, #tpu.memory_space<vmem_shared>>
          tpu.wait_indirect_dma semaphore(%run_scoped3A : memref<!tpu.dma_semaphore, #tpu.memory_space<semaphore_mem>>) src(%arg10 : memref<128x128xf32, #tpu.memory_space<vmem>>) dst(%dma_wait3A_84 : memref<10240x128xf32, #tpu.memory_space<vmem_shared>>)
          tpu.yield
        }) : () -> ()
        %scan3A_72 = arith.constant 0 : i32
        scf.yield %scan3A_72 : i32
      }
      %scan3A_59 = arith.constant 66 : i32
    } else {
    }
    %barrier3A_32 = arith.constant 0 : index
    tpu.barrier barrier_id(%barrier3A_32)
    %mul3A_33 = arith.constant 640 : i32
    %mul3A_34 = arith.muli %arg1, %mul3A_33 : i32
    %add3A_35 = arith.constant 0 : i32
    %add3A_36 = arith.addi %mul3A_34, %add3A_35 : i32
    "tpu.region"() ({
      %run_scoped3A = tpu.sem_alloc : memref<!tpu.dma_semaphore, #tpu.memory_space<semaphore_mem>>
      %dma_start3A = arith.constant 0 : i32
      %dma_start3A_53 = tpu.memref_slice %arg7[%arg0, %add3A_36, %dma_start3A] : memref<2x10240x128xf32, #tpu.memory_space<hbm>> -> memref<1x128x128xf32, #tpu.memory_space<hbm>>
      %dma_start3A_54 = tpu.memref_squeeze %dma_start3A_53 : memref<1x128x128xf32, #tpu.memory_space<hbm>> -> memref<128x128xf32, #tpu.memory_space<hbm>>
      %dma_start3A_55 = arith.constant 0 : i32
      %dma_start3A_56 = tpu.memref_slice %arg11[%add3A_36, %dma_start3A_55] : memref<10240x128xf32, #tpu.memory_space<vmem_shared>> -> memref<128x128xf32, #tpu.memory_space<vmem_shared>>
      tpu.enqueue_dma source(%dma_start3A_56 : memref<128x128xf32, #tpu.memory_space<vmem_shared>>) target(%dma_start3A_54 : memref<128x128xf32, #tpu.memory_space<hbm>>) target_semaphore(%run_scoped3A : memref<!tpu.dma_semaphore, #tpu.memory_space<semaphore_mem>>)
      %dma_wait3A = arith.constant 0 : i32
      %dma_wait3A_57 = tpu.memref_slice %arg7[%arg0, %add3A_36, %dma_wait3A] : memref<2x10240x128xf32, #tpu.memory_space<hbm>> -> memref<1x128x128xf32, #tpu.memory_space<hbm>>
      %dma_wait3A_58 = tpu.memref_squeeze %dma_wait3A_57 : memref<1x128x128xf32, #tpu.memory_space<hbm>> -> memref<128x128xf32, #tpu.memory_space<hbm>>
      %dma_wait3A_59 = arith.constant 0 : i32
      %dma_wait3A_60 = tpu.memref_slice %arg11[%add3A_36, %dma_wait3A_59] : memref<10240x128xf32, #tpu.memory_space<vmem_shared>> -> memref<128x128xf32, #tpu.memory_space<vmem_shared>>
      tpu.wait_dma2 semaphore(%run_scoped3A : memref<!tpu.dma_semaphore, #tpu.memory_space<semaphore_mem>>) src(%dma_wait3A_60 : memref<128x128xf32, #tpu.memory_space<vmem_shared>>) dst(%dma_wait3A_58 : memref<128x128xf32, #tpu.memory_space<hbm>>)
      tpu.yield
    }) : () -> ()
    %mul3A_37 = arith.constant 640 : i32
    %mul3A_38 = arith.muli %arg1, %mul3A_37 : i32
    %add3A_39 = arith.constant 128 : i32
    %add3A_40 = arith.addi %mul3A_38, %add3A_39 : i32
    "tpu.region"() ({
      %run_scoped3A = tpu.sem_alloc : memref<!tpu.dma_semaphore, #tpu.memory_space<semaphore_mem>>
      %dma_start3A = arith.constant 0 : i32
      %dma_start3A_53 = tpu.memref_slice %arg7[%arg0, %add3A_40, %dma_start3A] : memref<2x10240x128xf32, #tpu.memory_space<hbm>> -> memref<1x128x128xf32, #tpu.memory_space<hbm>>
      %dma_start3A_54 = tpu.memref_squeeze %dma_start3A_53 : memref<1x128x128xf32, #tpu.memory_space<hbm>> -> memref<128x128xf32, #tpu.memory_space<hbm>>
      %dma_start3A_55 = arith.constant 0 : i32
      %dma_start3A_56 = tpu.memref_slice %arg11[%add3A_40, %dma_start3A_55] : memref<10240x128xf32, #tpu.memory_space<vmem_shared>> -> memref<128x128xf32, #tpu.memory_space<vmem_shared>>
      tpu.enqueue_dma source(%dma_start3A_56 : memref<128x128xf32, #tpu.memory_space<vmem_shared>>) target(%dma_start3A_54 : memref<128x128xf32, #tpu.memory_space<hbm>>) target_semaphore(%run_scoped3A : memref<!tpu.dma_semaphore, #tpu.memory_space<semaphore_mem>>)
      %dma_wait3A = arith.constant 0 : i32
      %dma_wait3A_57 = tpu.memref_slice %arg7[%arg0, %add3A_40, %dma_wait3A] : memref<2x10240x128xf32, #tpu.memory_space<hbm>> -> memref<1x128x128xf32, #tpu.memory_space<hbm>>
      %dma_wait3A_58 = tpu.memref_squeeze %dma_wait3A_57 : memref<1x128x128xf32, #tpu.memory_space<hbm>> -> memref<128x128xf32, #tpu.memory_space<hbm>>
      %dma_wait3A_59 = arith.constant 0 : i32
      %dma_wait3A_60 = tpu.memref_slice %arg11[%add3A_40, %dma_wait3A_59] : memref<10240x128xf32, #tpu.memory_space<vmem_shared>> -> memref<128x128xf32, #tpu.memory_space<vmem_shared>>
      tpu.wait_dma2 semaphore(%run_scoped3A : memref<!tpu.dma_semaphore, #tpu.memory_space<semaphore_mem>>) src(%dma_wait3A_60 : memref<128x128xf32, #tpu.memory_space<vmem_shared>>) dst(%dma_wait3A_58 : memref<128x128xf32, #tpu.memory_space<hbm>>)
      tpu.yield
    }) : () -> ()
    %mul3A_41 = arith.constant 640 : i32
    %mul3A_42 = arith.muli %arg1, %mul3A_41 : i32
    %add3A_43 = arith.constant 256 : i32
    %add3A_44 = arith.addi %mul3A_42, %add3A_43 : i32
    "tpu.region"() ({
      %run_scoped3A = tpu.sem_alloc : memref<!tpu.dma_semaphore, #tpu.memory_space<semaphore_mem>>
      %dma_start3A = arith.constant 0 : i32
      %dma_start3A_53 = tpu.memref_slice %arg7[%arg0, %add3A_44, %dma_start3A] : memref<2x10240x128xf32, #tpu.memory_space<hbm>> -> memref<1x128x128xf32, #tpu.memory_space<hbm>>
      %dma_start3A_54 = tpu.memref_squeeze %dma_start3A_53 : memref<1x128x128xf32, #tpu.memory_space<hbm>> -> memref<128x128xf32, #tpu.memory_space<hbm>>
      %dma_start3A_55 = arith.constant 0 : i32
      %dma_start3A_56 = tpu.memref_slice %arg11[%add3A_44, %dma_start3A_55] : memref<10240x128xf32, #tpu.memory_space<vmem_shared>> -> memref<128x128xf32, #tpu.memory_space<vmem_shared>>
      tpu.enqueue_dma source(%dma_start3A_56 : memref<128x128xf32, #tpu.memory_space<vmem_shared>>) target(%dma_start3A_54 : memref<128x128xf32, #tpu.memory_space<hbm>>) target_semaphore(%run_scoped3A : memref<!tpu.dma_semaphore, #tpu.memory_space<semaphore_mem>>)
      %dma_wait3A = arith.constant 0 : i32
      %dma_wait3A_57 = tpu.memref_slice %arg7[%arg0, %add3A_44, %dma_wait3A] : memref<2x10240x128xf32, #tpu.memory_space<hbm>> -> memref<1x128x128xf32, #tpu.memory_space<hbm>>
      %dma_wait3A_58 = tpu.memref_squeeze %dma_wait3A_57 : memref<1x128x128xf32, #tpu.memory_space<hbm>> -> memref<128x128xf32, #tpu.memory_space<hbm>>
      %dma_wait3A_59 = arith.constant 0 : i32
      %dma_wait3A_60 = tpu.memref_slice %arg11[%add3A_44, %dma_wait3A_59] : memref<10240x128xf32, #tpu.memory_space<vmem_shared>> -> memref<128x128xf32, #tpu.memory_space<vmem_shared>>
      tpu.wait_dma2 semaphore(%run_scoped3A : memref<!tpu.dma_semaphore, #tpu.memory_space<semaphore_mem>>) src(%dma_wait3A_60 : memref<128x128xf32, #tpu.memory_space<vmem_shared>>) dst(%dma_wait3A_58 : memref<128x128xf32, #tpu.memory_space<hbm>>)
      tpu.yield
    }) : () -> ()
    %mul3A_45 = arith.constant 640 : i32
    %mul3A_46 = arith.muli %arg1, %mul3A_45 : i32
    %add3A_47 = arith.constant 384 : i32
    %add3A_48 = arith.addi %mul3A_46, %add3A_47 : i32
    "tpu.region"() ({
      %run_scoped3A = tpu.sem_alloc : memref<!tpu.dma_semaphore, #tpu.memory_space<semaphore_mem>>
      %dma_start3A = arith.constant 0 : i32
      %dma_start3A_53 = tpu.memref_slice %arg7[%arg0, %add3A_48, %dma_start3A] : memref<2x10240x128xf32, #tpu.memory_space<hbm>> -> memref<1x128x128xf32, #tpu.memory_space<hbm>>
      %dma_start3A_54 = tpu.memref_squeeze %dma_start3A_53 : memref<1x128x128xf32, #tpu.memory_space<hbm>> -> memref<128x128xf32, #tpu.memory_space<hbm>>
      %dma_start3A_55 = arith.constant 0 : i32
      %dma_start3A_56 = tpu.memref_slice %arg11[%add3A_48, %dma_start3A_55] : memref<10240x128xf32, #tpu.memory_space<vmem_shared>> -> memref<128x128xf32, #tpu.memory_space<vmem_shared>>
      tpu.enqueue_dma source(%dma_start3A_56 : memref<128x128xf32, #tpu.memory_space<vmem_shared>>) target(%dma_start3A_54 : memref<128x128xf32, #tpu.memory_space<hbm>>) target_semaphore(%run_scoped3A : memref<!tpu.dma_semaphore, #tpu.memory_space<semaphore_mem>>)
      %dma_wait3A = arith.constant 0 : i32
      %dma_wait3A_57 = tpu.memref_slice %arg7[%arg0, %add3A_48, %dma_wait3A] : memref<2x10240x128xf32, #tpu.memory_space<hbm>> -> memref<1x128x128xf32, #tpu.memory_space<hbm>>
      %dma_wait3A_58 = tpu.memref_squeeze %dma_wait3A_57 : memref<1x128x128xf32, #tpu.memory_space<hbm>> -> memref<128x128xf32, #tpu.memory_space<hbm>>
      %dma_wait3A_59 = arith.constant 0 : i32
      %dma_wait3A_60 = tpu.memref_slice %arg11[%add3A_48, %dma_wait3A_59] : memref<10240x128xf32, #tpu.memory_space<vmem_shared>> -> memref<128x128xf32, #tpu.memory_space<vmem_shared>>
      tpu.wait_dma2 semaphore(%run_scoped3A : memref<!tpu.dma_semaphore, #tpu.memory_space<semaphore_mem>>) src(%dma_wait3A_60 : memref<128x128xf32, #tpu.memory_space<vmem_shared>>) dst(%dma_wait3A_58 : memref<128x128xf32, #tpu.memory_space<hbm>>)
      tpu.yield
    }) : () -> ()
    %mul3A_49 = arith.constant 640 : i32
    %mul3A_50 = arith.muli %arg1, %mul3A_49 : i32
    %add3A_51 = arith.constant 512 : i32
    %add3A_52 = arith.addi %mul3A_50, %add3A_51 : i32
    "tpu.region"() ({
      %run_scoped3A = tpu.sem_alloc : memref<!tpu.dma_semaphore, #tpu.memory_space<semaphore_mem>>
      %dma_start3A = arith.constant 0 : i32
      %dma_start3A_53 = tpu.memref_slice %arg7[%arg0, %add3A_52, %dma_start3A] : memref<2x10240x128xf32, #tpu.memory_space<hbm>> -> memref<1x128x128xf32, #tpu.memory_space<hbm>>
      %dma_start3A_54 = tpu.memref_squeeze %dma_start3A_53 : memref<1x128x128xf32, #tpu.memory_space<hbm>> -> memref<128x128xf32, #tpu.memory_space<hbm>>
      %dma_start3A_55 = arith.constant 0 : i32
      %dma_start3A_56 = tpu.memref_slice %arg11[%add3A_52, %dma_start3A_55] : memref<10240x128xf32, #tpu.memory_space<vmem_shared>> -> memref<128x128xf32, #tpu.memory_space<vmem_shared>>
      tpu.enqueue_dma source(%dma_start3A_56 : memref<128x128xf32, #tpu.memory_space<vmem_shared>>) target(%dma_start3A_54 : memref<128x128xf32, #tpu.memory_space<hbm>>) target_semaphore(%run_scoped3A : memref<!tpu.dma_semaphore, #tpu.memory_space<semaphore_mem>>)
      %dma_wait3A = arith.constant 0 : i32
      %dma_wait3A_57 = tpu.memref_slice %arg7[%arg0, %add3A_52, %dma_wait3A] : memref<2x10240x128xf32, #tpu.memory_space<hbm>> -> memref<1x128x128xf32, #tpu.memory_space<hbm>>
      %dma_wait3A_58 = tpu.memref_squeeze %dma_wait3A_57 : memref<1x128x128xf32, #tpu.memory_space<hbm>> -> memref<128x128xf32, #tpu.memory_space<hbm>>
      %dma_wait3A_59 = arith.constant 0 : i32
      %dma_wait3A_60 = tpu.memref_slice %arg11[%add3A_52, %dma_wait3A_59] : memref<10240x128xf32, #tpu.memory_space<vmem_shared>> -> memref<128x128xf32, #tpu.memory_space<vmem_shared>>
      tpu.wait_dma2 semaphore(%run_scoped3A : memref<!tpu.dma_semaphore, #tpu.memory_space<semaphore_mem>>) src(%dma_wait3A_60 : memref<128x128xf32, #tpu.memory_space<vmem_shared>>) dst(%dma_wait3A_58 : memref<128x128xf32, #tpu.memory_space<hbm>>)
      tpu.yield
    }) : () -> ()
    return
  }
}

module attributes {stable_mosaic.version = 14 : i64} {
  func.func @_mm0_body(%arg0: i32, %arg1: memref<512x128xf32, #tpu.memory_space<vmem>>, %arg2: memref<128x128xf32, #tpu.memory_space<vmem>>, %arg3: memref<512x128xf32, #tpu.memory_space<vmem>>) attributes {dimension_semantics = [#tpu.dimension_semantics<arbitrary>], iteration_bounds = array<i64: 20>, scalar_prefetch = 0 : i64, scratch_operands = 0 : i64, tpu.core_type = #tpu.core_type<tc>, window_params = [{transform_indices = @transform_0, window_bounds = array<i64: 512, 128>}, {pipeline_mode = #tpu.pipeline_mode<synchronous>, transform_indices = @transform_1, window_bounds = array<i64: 128, 128>}, {transform_indices = @transform_2, window_bounds = array<i64: 512, 128>}]} {
    %get3A = arith.constant 0 : index
    %get3A_0 = arith.constant 0 : index
    %get3A_1 = vector.load %arg1[%get3A, %get3A_0] : memref<512x128xf32, #tpu.memory_space<vmem>>, vector<512x128xf32>
    %get3A_2 = arith.constant 0 : index
    %get3A_3 = arith.constant 0 : index
    %get3A_4 = vector.load %arg2[%get3A_2, %get3A_3] : memref<128x128xf32, #tpu.memory_space<vmem>>, vector<128x128xf32>
    %dot_general3A = arith.constant dense<0.000000e+00> : vector<512x128xf32>
    %dot_general3A_5 = tpu.matmul %get3A_1, %get3A_4, %dot_general3A {dimension_numbers = #tpu.dot_dimension_numbers<[1], [0], [0], [1], [0, 0, 1, 1], [], []>, transpose_lhs_hint = false} : vector<512x128xf32>, vector<128x128xf32>, vector<512x128xf32> -> vector<512x128xf32>
    %swap3A = arith.constant 0 : index
    %swap3A_6 = arith.constant 0 : index
    %swap3A_7 = vector.load %arg3[%swap3A, %swap3A_6] : memref<512x128xf32, #tpu.memory_space<vmem>>, vector<512x128xf32>
    tpu.vector_store %arg3[%swap3A, %swap3A_6], %dot_general3A_5 {strides = array<i32>} : memref<512x128xf32, #tpu.memory_space<vmem>>, vector<512x128xf32>,
    return
  }
  func.func @transform_0(%arg0: i32) -> (i32, i32) {
    %c0_i32 = arith.constant 0 : i32
    %c0_i32_0 = arith.constant 0 : i32
    return %arg0, %c0_i32 : i32, i32
  }
  func.func @transform_1(%arg0: i32) -> (i32, i32) {
    %c0_i32 = arith.constant 0 : i32
    %c0_i32_0 = arith.constant 0 : i32
    %c0_i32_1 = arith.constant 0 : i32
    return %c0_i32, %c0_i32_0 : i32, i32
  }
  func.func @transform_2(%arg0: i32) -> (i32, i32) {
    %c0_i32 = arith.constant 0 : i32
    %c0_i32_0 = arith.constant 0 : i32
    return %arg0, %c0_i32 : i32, i32
  }
}

module attributes {stable_mosaic.version = 14 : i64} {
  func.func @_scale_body(%arg0: i32, %arg1: memref<2x512x128xf32, #tpu.memory_space<vmem>>, %arg2: memref<512x128xf32, #tpu.memory_space<vmem>>, %arg3: memref<512x1xf32, #tpu.memory_space<vmem>>, %arg4: memref<512x128xf32, #tpu.memory_space<vmem>>) attributes {dimension_semantics = [#tpu.dimension_semantics<arbitrary>], iteration_bounds = array<i64: 20>, scalar_prefetch = 0 : i64, scratch_operands = 0 : i64, tpu.core_type = #tpu.core_type<tc>, window_params = [{transform_indices = @transform_0, window_bounds = array<i64: 2, 512, 128>}, {transform_indices = @transform_1, window_bounds = array<i64: 512, 128>}, {transform_indices = @transform_2, window_bounds = array<i64: 512, 1>}, {transform_indices = @transform_3, window_bounds = array<i64: 512, 128>}]} {
    %get3A = arith.constant 0 : index
    %get3A_0 = arith.constant 0 : index
    %get3A_1 = arith.constant 0 : index
    %get3A_2 = vector.load %arg1[%get3A, %get3A_0, %get3A_1] : memref<2x512x128xf32, #tpu.memory_space<vmem>>, vector<1x512x1xf32>
    %get3A_3 = vector.shape_cast %get3A_2 : vector<1x512x1xf32> to vector<512xf32>
    %get3A_4 = arith.constant 1 : index
    %get3A_5 = arith.constant 0 : index
    %get3A_6 = arith.constant 0 : index
    %get3A_7 = vector.load %arg1[%get3A_4, %get3A_5, %get3A_6] : memref<2x512x128xf32, #tpu.memory_space<vmem>>, vector<1x512x1xf32>
    %get3A_8 = vector.shape_cast %get3A_7 : vector<1x512x1xf32> to vector<512xf32>
    %add3A = arith.addf %get3A_3, %get3A_8 : vector<512xf32>
    %add3A_9 = arith.constant 1.000000e+00 : f32
    %add3A_10 = vector.broadcast %add3A_9 : f32 to vector<512xf32>
    %add3A_11 = arith.addf %add3A, %add3A_10 : vector<512xf32>
    %rsqrt3A = math.rsqrt %add3A_11 : vector<512xf32>
    %broadcast_in_dim3A = vector.shape_cast %rsqrt3A : vector<512xf32> to vector<512x1xf32>
    %swap3A = arith.constant 0 : index
    %swap3A_12 = arith.constant 0 : index
    %swap3A_13 = vector.load %arg3[%swap3A, %swap3A_12] : memref<512x1xf32, #tpu.memory_space<vmem>>, vector<512x1xf32>
    tpu.vector_store %arg3[%swap3A, %swap3A_12], %broadcast_in_dim3A {strides = array<i32>} : memref<512x1xf32, #tpu.memory_space<vmem>>, vector<512x1xf32>,
    %get3A_14 = arith.constant 0 : index
    %get3A_15 = arith.constant 0 : index
    %get3A_16 = vector.load %arg2[%get3A_14, %get3A_15] : memref<512x128xf32, #tpu.memory_space<vmem>>, vector<512x128xf32>
    %broadcast_in_dim3A_17 = vector.shape_cast %rsqrt3A : vector<512xf32> to vector<512x1xf32>
    %mul3A = vector.broadcast %broadcast_in_dim3A_17 : vector<512x1xf32> to vector<512x128xf32>
    %mul3A_18 = arith.mulf %get3A_16, %mul3A : vector<512x128xf32>
    %swap3A_19 = arith.constant 0 : index
    %swap3A_20 = arith.constant 0 : index
    %swap3A_21 = vector.load %arg4[%swap3A_19, %swap3A_20] : memref<512x128xf32, #tpu.memory_space<vmem>>, vector<512x128xf32>
    tpu.vector_store %arg4[%swap3A_19, %swap3A_20], %mul3A_18 {strides = array<i32>} : memref<512x128xf32, #tpu.memory_space<vmem>>, vector<512x128xf32>,
    return
  }
  func.func @transform_0(%arg0: i32) -> (i32, i32, i32) {
    %c0_i32 = arith.constant 0 : i32
    %c0_i32_0 = arith.constant 0 : i32
    %c0_i32_1 = arith.constant 0 : i32
    return %c0_i32, %arg0, %c0_i32_0 : i32, i32, i32
  }
  func.func @transform_1(%arg0: i32) -> (i32, i32) {
    %c0_i32 = arith.constant 0 : i32
    %c0_i32_0 = arith.constant 0 : i32
    return %arg0, %c0_i32 : i32, i32
  }
  func.func @transform_2(%arg0: i32) -> (i32, i32) {
    %c0_i32 = arith.constant 0 : i32
    %c0_i32_0 = arith.constant 0 : i32
    return %arg0, %c0_i32 : i32, i32
  }
  func.func @transform_3(%arg0: i32) -> (i32, i32) {
    %c0_i32 = arith.constant 0 : i32
    %c0_i32_0 = arith.constant 0 : i32
    return %arg0, %c0_i32 : i32, i32
  }
}

module attributes {stable_mosaic.version = 14 : i64} {
  func.func @_layer_body(%arg0: i32, %arg1: memref<2x512x128xf32, #tpu.memory_space<vmem>>, %arg2: memref<512x128xf32, #tpu.memory_space<vmem>>, %arg3: memref<512x1xf32, #tpu.memory_space<vmem>>, %arg4: memref<1x128xf32, #tpu.memory_space<vmem>>, %arg5: memref<128x128xf32, #tpu.memory_space<vmem>>, %arg6: memref<512x128xf32, #tpu.memory_space<vmem>>) attributes {dimension_semantics = [#tpu.dimension_semantics<arbitrary>], iteration_bounds = array<i64: 20>, scalar_prefetch = 0 : i64, scratch_operands = 0 : i64, tpu.core_type = #tpu.core_type<tc>, window_params = [{transform_indices = @transform_0, window_bounds = array<i64: 2, 512, 128>}, {transform_indices = @transform_1, window_bounds = array<i64: 512, 128>}, {transform_indices = @transform_2, window_bounds = array<i64: 512, 1>}, {pipeline_mode = #tpu.pipeline_mode<synchronous>, transform_indices = @transform_3, window_bounds = array<i64: 1, 128>}, {pipeline_mode = #tpu.pipeline_mode<synchronous>, transform_indices = @transform_4, window_bounds = array<i64: 128, 128>}, {transform_indices = @transform_5, window_bounds = array<i64: 512, 128>}]} {
    %get3A = arith.constant 0 : index
    %get3A_0 = arith.constant 0 : index
    %get3A_1 = vector.load %arg3[%get3A, %get3A_0] : memref<512x1xf32, #tpu.memory_space<vmem>>, vector<512x1xf32>
    %get3A_2 = arith.constant 0 : index
    %get3A_3 = arith.constant 0 : index
    %get3A_4 = arith.constant 0 : index
    %get3A_5 = vector.load %arg1[%get3A_2, %get3A_3, %get3A_4] : memref<2x512x128xf32, #tpu.memory_space<vmem>>, vector<1x512x128xf32>
    %get3A_6 = vector.shape_cast %get3A_5 : vector<1x512x128xf32> to vector<512x128xf32>
    %get3A_7 = arith.constant 1 : index
    %get3A_8 = arith.constant 0 : index
    %get3A_9 = arith.constant 0 : index
    %get3A_10 = vector.load %arg1[%get3A_7, %get3A_8, %get3A_9] : memref<2x512x128xf32, #tpu.memory_space<vmem>>, vector<1x512x128xf32>
    %get3A_11 = vector.shape_cast %get3A_10 : vector<1x512x128xf32> to vector<512x128xf32>
    %add3A = arith.addf %get3A_6, %get3A_11 : vector<512x128xf32>
    %get3A_12 = arith.constant 0 : index
    %get3A_13 = arith.constant 0 : index
    %get3A_14 = vector.load %arg2[%get3A_12, %get3A_13] : memref<512x128xf32, #tpu.memory_space<vmem>>, vector<512x128xf32>
    %add3A_15 = arith.addf %add3A, %get3A_14 : vector<512x128xf32>
    %mul3A = vector.broadcast %get3A_1 : vector<512x1xf32> to vector<512x128xf32>
    %mul3A_16 = arith.mulf %add3A_15, %mul3A : vector<512x128xf32>
    %get3A_17 = arith.constant 0 : index
    %get3A_18 = arith.constant 0 : index
    %get3A_19 = vector.load %arg4[%get3A_17, %get3A_18] : memref<1x128xf32, #tpu.memory_space<vmem>>, vector<1x128xf32>
    %add3A_20 = vector.broadcast %get3A_19 : vector<1x128xf32> to vector<512x128xf32>
    %add3A_21 = arith.addf %mul3A_16, %add3A_20 : vector<512x128xf32>
    %max3A = arith.constant 0.000000e+00 : f32
    %max3A_22 = vector.broadcast %max3A : f32 to vector<512x128xf32>
    %max3A_23 = arith.maximumf %add3A_21, %max3A_22 : vector<512x128xf32>
    %get3A_24 = arith.constant 0 : index
    %get3A_25 = arith.constant 0 : index
    %get3A_26 = vector.load %arg5[%get3A_24, %get3A_25] : memref<128x128xf32, #tpu.memory_space<vmem>>, vector<128x128xf32>
    %dot_general3A = arith.constant dense<0.000000e+00> : vector<512x128xf32>
    %dot_general3A_27 = tpu.matmul %max3A_23, %get3A_26, %dot_general3A {dimension_numbers = #tpu.dot_dimension_numbers<[1], [0], [0], [1], [0, 0, 1, 1], [], []>, transpose_lhs_hint = false} : vector<512x128xf32>, vector<128x128xf32>, vector<512x128xf32> -> vector<512x128xf32>
    %mul3A_28 = vector.broadcast %get3A_1 : vector<512x1xf32> to vector<512x128xf32>
    %mul3A_29 = arith.mulf %dot_general3A_27, %mul3A_28 : vector<512x128xf32>
    %swap3A = arith.constant 0 : index
    %swap3A_30 = arith.constant 0 : index
    %swap3A_31 = vector.load %arg6[%swap3A, %swap3A_30] : memref<512x128xf32, #tpu.memory_space<vmem>>, vector<512x128xf32>
    tpu.vector_store %arg6[%swap3A, %swap3A_30], %mul3A_29 {strides = array<i32>} : memref<512x128xf32, #tpu.memory_space<vmem>>, vector<512x128xf32>,
    return
  }
  func.func @transform_0(%arg0: i32) -> (i32, i32, i32) {
    %c0_i32 = arith.constant 0 : i32
    %c0_i32_0 = arith.constant 0 : i32
    %c0_i32_1 = arith.constant 0 : i32
    return %c0_i32, %arg0, %c0_i32_0 : i32, i32, i32
  }
  func.func @transform_1(%arg0: i32) -> (i32, i32) {
    %c0_i32 = arith.constant 0 : i32
    %c0_i32_0 = arith.constant 0 : i32
    return %arg0, %c0_i32 : i32, i32
  }
  func.func @transform_2(%arg0: i32) -> (i32, i32) {
    %c0_i32 = arith.constant 0 : i32
    %c0_i32_0 = arith.constant 0 : i32
    return %arg0, %c0_i32 : i32, i32
  }
  func.func @transform_3(%arg0: i32) -> (i32, i32) {
    %c0_i32 = arith.constant 0 : i32
    %c0_i32_0 = arith.constant 0 : i32
    %c0_i32_1 = arith.constant 0 : i32
    return %c0_i32, %c0_i32_0 : i32, i32
  }
  func.func @transform_4(%arg0: i32) -> (i32, i32) {
    %c0_i32 = arith.constant 0 : i32
    %c0_i32_0 = arith.constant 0 : i32
    %c0_i32_1 = arith.constant 0 : i32
    return %c0_i32, %c0_i32_0 : i32, i32
  }
  func.func @transform_5(%arg0: i32) -> (i32, i32) {
    %c0_i32 = arith.constant 0 : i32
    %c0_i32_0 = arith.constant 0 : i32
    return %arg0, %c0_i32 : i32, i32
  }
}

module attributes {stable_mosaic.version = 14 : i64} {
  func.func @_final_body(%arg0: i32, %arg1: memref<2x512x128xf32, #tpu.memory_space<vmem>>, %arg2: memref<512x128xf32, #tpu.memory_space<vmem>>, %arg3: memref<512x1xf32, #tpu.memory_space<vmem>>, %arg4: memref<1x128xf32, #tpu.memory_space<vmem>>, %arg5: memref<128x128xf32, #tpu.memory_space<vmem>>, %arg6: memref<1x128xf32, #tpu.memory_space<vmem>>, %arg7: memref<512x128xf32, #tpu.memory_space<vmem>>) attributes {dimension_semantics = [#tpu.dimension_semantics<arbitrary>], iteration_bounds = array<i64: 20>, scalar_prefetch = 0 : i64, scratch_operands = 0 : i64, tpu.core_type = #tpu.core_type<tc>, window_params = [{transform_indices = @transform_0, window_bounds = array<i64: 2, 512, 128>}, {transform_indices = @transform_1, window_bounds = array<i64: 512, 128>}, {transform_indices = @transform_2, window_bounds = array<i64: 512, 1>}, {pipeline_mode = #tpu.pipeline_mode<synchronous>, transform_indices = @transform_3, window_bounds = array<i64: 1, 128>}, {pipeline_mode = #tpu.pipeline_mode<synchronous>, transform_indices = @transform_4, window_bounds = array<i64: 128, 128>}, {pipeline_mode = #tpu.pipeline_mode<synchronous>, transform_indices = @transform_5, window_bounds = array<i64: 1, 128>}, {transform_indices = @transform_6, window_bounds = array<i64: 512, 128>}]} {
    %get3A = arith.constant 0 : index
    %get3A_0 = arith.constant 0 : index
    %get3A_1 = vector.load %arg3[%get3A, %get3A_0] : memref<512x1xf32, #tpu.memory_space<vmem>>, vector<512x1xf32>
    %get3A_2 = arith.constant 0 : index
    %get3A_3 = arith.constant 0 : index
    %get3A_4 = arith.constant 0 : index
    %get3A_5 = vector.load %arg1[%get3A_2, %get3A_3, %get3A_4] : memref<2x512x128xf32, #tpu.memory_space<vmem>>, vector<1x512x128xf32>
    %get3A_6 = vector.shape_cast %get3A_5 : vector<1x512x128xf32> to vector<512x128xf32>
    %get3A_7 = arith.constant 1 : index
    %get3A_8 = arith.constant 0 : index
    %get3A_9 = arith.constant 0 : index
    %get3A_10 = vector.load %arg1[%get3A_7, %get3A_8, %get3A_9] : memref<2x512x128xf32, #tpu.memory_space<vmem>>, vector<1x512x128xf32>
    %get3A_11 = vector.shape_cast %get3A_10 : vector<1x512x128xf32> to vector<512x128xf32>
    %add3A = arith.addf %get3A_6, %get3A_11 : vector<512x128xf32>
    %get3A_12 = arith.constant 0 : index
    %get3A_13 = arith.constant 0 : index
    %get3A_14 = vector.load %arg2[%get3A_12, %get3A_13] : memref<512x128xf32, #tpu.memory_space<vmem>>, vector<512x128xf32>
    %add3A_15 = arith.addf %add3A, %get3A_14 : vector<512x128xf32>
    %mul3A = vector.broadcast %get3A_1 : vector<512x1xf32> to vector<512x128xf32>
    %mul3A_16 = arith.mulf %add3A_15, %mul3A : vector<512x128xf32>
    %get3A_17 = arith.constant 0 : index
    %get3A_18 = arith.constant 0 : index
    %get3A_19 = vector.load %arg4[%get3A_17, %get3A_18] : memref<1x128xf32, #tpu.memory_space<vmem>>, vector<1x128xf32>
    %add3A_20 = vector.broadcast %get3A_19 : vector<1x128xf32> to vector<512x128xf32>
    %add3A_21 = arith.addf %mul3A_16, %add3A_20 : vector<512x128xf32>
    %get3A_22 = arith.constant 0 : index
    %get3A_23 = arith.constant 0 : index
    %get3A_24 = vector.load %arg5[%get3A_22, %get3A_23] : memref<128x128xf32, #tpu.memory_space<vmem>>, vector<128x128xf32>
    %dot_general3A = arith.constant dense<0.000000e+00> : vector<512x128xf32>
    %dot_general3A_25 = tpu.matmul %add3A_21, %get3A_24, %dot_general3A {dimension_numbers = #tpu.dot_dimension_numbers<[1], [0], [0], [1], [0, 0, 1, 1], [], []>, transpose_lhs_hint = false} : vector<512x128xf32>, vector<128x128xf32>, vector<512x128xf32> -> vector<512x128xf32>
    %get3A_26 = arith.constant 0 : index
    %get3A_27 = arith.constant 0 : index
    %get3A_28 = vector.load %arg6[%get3A_26, %get3A_27] : memref<1x128xf32, #tpu.memory_space<vmem>>, vector<1x128xf32>
    %add3A_29 = vector.broadcast %get3A_28 : vector<1x128xf32> to vector<512x128xf32>
    %add3A_30 = arith.addf %dot_general3A_25, %add3A_29 : vector<512x128xf32>
    %swap3A = arith.constant 0 : index
    %swap3A_31 = arith.constant 0 : index
    %swap3A_32 = vector.load %arg7[%swap3A, %swap3A_31] : memref<512x128xf32, #tpu.memory_space<vmem>>, vector<512x128xf32>
    tpu.vector_store %arg7[%swap3A, %swap3A_31], %add3A_30 {strides = array<i32>} : memref<512x128xf32, #tpu.memory_space<vmem>>, vector<512x128xf32>,
    return
  }
  func.func @transform_0(%arg0: i32) -> (i32, i32, i32) {
    %c0_i32 = arith.constant 0 : i32
    %c0_i32_0 = arith.constant 0 : i32
    %c0_i32_1 = arith.constant 0 : i32
    return %c0_i32, %arg0, %c0_i32_0 : i32, i32, i32
  }
  func.func @transform_1(%arg0: i32) -> (i32, i32) {
    %c0_i32 = arith.constant 0 : i32
    %c0_i32_0 = arith.constant 0 : i32
    return %arg0, %c0_i32 : i32, i32
  }
  func.func @transform_2(%arg0: i32) -> (i32, i32) {
    %c0_i32 = arith.constant 0 : i32
    %c0_i32_0 = arith.constant 0 : i32
    return %arg0, %c0_i32 : i32, i32
  }
  func.func @transform_3(%arg0: i32) -> (i32, i32) {
    %c0_i32 = arith.constant 0 : i32
    %c0_i32_0 = arith.constant 0 : i32
    %c0_i32_1 = arith.constant 0 : i32
    return %c0_i32, %c0_i32_0 : i32, i32
  }
  func.func @transform_4(%arg0: i32) -> (i32, i32) {
    %c0_i32 = arith.constant 0 : i32
    %c0_i32_0 = arith.constant 0 : i32
    %c0_i32_1 = arith.constant 0 : i32
    return %c0_i32, %c0_i32_0 : i32, i32
  }
  func.func @transform_5(%arg0: i32) -> (i32, i32) {
    %c0_i32 = arith.constant 0 : i32
    %c0_i32_0 = arith.constant 0 : i32
    %c0_i32_1 = arith.constant 0 : i32
    return %c0_i32, %c0_i32_0 : i32, i32
  }
  func.func @transform_6(%arg0: i32) -> (i32, i32) {
    %c0_i32 = arith.constant 0 : i32
    %c0_i32_0 = arith.constant 0 : i32
    return %arg0, %c0_i32 : i32, i32
  }
}

</mosaic_0001>

<sc_bundles>
// kernel: kernel.11.cloned.1.call-start
scs
__scs_entry_jumppad:
0x0: {  	(pc) =	sbr.rel $0x88, $3  }
0x1: {  	(tag) =	ssettag $0x0;
	lr =	simm.s32 $0x1  }
0x2: {  	[smem:$0x3F97] =	sst lr;
	_ =	strace $0xD0000000  }
0x3: {  	_ = 	snop  }
0x4: {  	_ = 	snop  }
0x5: {  	_ = 	snop  }
0x6: {  	_ = 	snop  }
0x7: {  	_ = 	snop  }
__scs_overlays_trampoline_lowered:
0x8: {  	[smem:$0x3FA6] =	sst s0  }
0x9: {  	[smem:$0x3FA7] =	sst s1  }
0xa: {  	[smem:$0x3FA8] =	sst s2  }
0xb: {  	[smem:$0x3FA9] =	sst s3  }
0xc: {  	[smem:$0x3FAA] =	sst s4  }
0xd: {  	[smem:$0x3FAB] =	sst s5  }
0xe: {  	[smem:$0x3FAC] =	sst s6  }
0xf: {  	[smem:$0x3FAD] =	sst s7  }
0x10: {  	[smem:$0x3FAE] =	sst s8  }
0x11: {  	[smem:$0x3FAF] =	sst s9;
	s0 =	simm.s32 @!p0 $0x0  }
0x12: {  	s1 =	sld [smem:$0x3F95];
	s0 =	simm.s32 @p0 $0x1  }
0x13: {  	[smem:$0x3FB0] =	sst s0;
	s0 =	simm.s32 @!p1 $0x0  }
0x14: {  	s2 =	sld [smem:$0x3F94];
	s0 =	simm.s32 @p1 $0x1  }
0x15: {  	[smem:$0x3FB1] =	sst s0;
	s0 =	simm.s32 @!p2 $0x0  }
0x16: {  	s3 =	sld [smem:$0x3FDB];
	s0 =	simm.s32 @p2 $0x1  }
0x17: {  	s4 =	simm.s32 $0x1BF5;
	[smem:$0x3FB3] =	sst s0  }
0x18: {  	s0 =	sld [smem:$0x3F96];
	_ =	swait.ge [sflag:s4], $0x0  }
0x19: {  	s7 =	sld [smem:$0x3F97]  }
0x1a: {  	s8 =	sadd.s32 $0xFFFFE003, lr  }
0x1b: {  	s9 =	sadd.s32 $0xFFFFFEF7, lr;
	s5 =	simm.s32 $0xFFFFFFFF;
	p2 =	slt.u32 s8, $0xFFFFF086  }
0x1c: {  	p1 =	slt.u32 s9, $0xF7A;
	s5 =	simm.s32 @!p2 $0x0  }
0x1d: {  	s5 =	simm.s32 @p1 $0x1;
	p0 =	seq.s32 s7, s2  }
0x1e: {  	s7 =	smul.u32 @!p0 $0xF7A, s2;
	p2 =	seq.s32 @!p0 s5, $0x0  }
0x1f: {  	s9 =	smul.u32 $0xF7A, s1;
	s8 =	simm.s32 @!p0 $0x1BF5;
	p2 =	por !p2, p0  }
0x20: {  	[sflag:s8] =	ssyncset.s32 @!p0 $0xFFFFF086;
	s6 =	sadd.s32 @!p0 s3, s7;
	s7 =	simm.s32 @!p0 $0x108  }
0x21: {  	s3 =	sadd.s32 s3, s9;
	s6 =	sadd.s32 @!p0 $0x88, s6;
	s7 =	simm.s32 @p2 $0x1082  }
0x22: {  	[simem:s7], [sflag:s8] =	dma.local @!p0 [hbm:s6], $0xF7A  }
0x23: {  	s9 =	sor.u32 $0xD0000000, s2;
	s6 =	simm.s32 $0x108;
	_ =	swait.ge @!p0 [sflag:s8], $0x0  }
0x24: {  	s3 =	sadd.s32 $0x88, s3;
	s6 =	simm.s32 @!p1 $0x1082;
	[sflag:s4] =	ssyncset.s32 $0xFFFFF086  }
0x25: {  	[simem:s6], [sflag:s4] =	dma.local [hbm:s3], $0xF7A  }
0x26: {  	[smem:$0x3F97] =	sst s1;
	(tag) =	ssettag s2;
	_ =	strace s9  }
0x27: {  	s1 =	sld [smem:$0x3FA7]  }
0x28: {  	s2 =	sld [smem:$0x3FA8]  }
0x29: {  	s4 =	sld [smem:$0x3FAA]  }
0x2a: {  	p0 =	seq.s32 s5, $0x0;
	s5 =	sld [smem:$0x3FAB]  }
0x2b: {  	s6 =	sld [smem:$0x3FAC]  }
0x2c: {  	s7 =	sld [smem:$0x3FAD]  }
0x2d: {  	s3 =	simm.s32 $0x108;
	s8 =	sld [smem:$0x3FAE]  }
0x2e: {  	s3 =	simm.s32 @!p0 $0x1082;
	s9 =	sld [smem:$0x3FAF]  }
0x2f: {  	lr =	sadd.s32 s0, s3;
	s0 =	sld [smem:$0x3FA6]  }
0x30: {  	s3 =	sld [smem:$0x3FA9]  }
0x31: {  	[smem:$0x3FB2] =	sst s10  }
0x32: {  	s10 =	sld [smem:$0x3FB0];
	_ =	sdelay $0x3  }
0x33: {  	p0 =	seq.s32 s10, $0x1;
	s10 =	sld [smem:$0x3FB2];
	_ =	sdelay $0x3  }
0x34: {  	[smem:$0x3FB2] =	sst s10  }
0x35: {  	s10 =	sld [smem:$0x3FB1];
	_ =	sdelay $0x3  }
0x36: {  	p1 =	seq.s32 s10, $0x1;
	s10 =	sld [smem:$0x3FB2];
	_ =	sdelay $0x3  }
0x37: {  	[smem:$0x3FB2] =	sst s10  }
0x38: {  	s10 =	sld [smem:$0x3FB3]  }
0x39: {  	_ = 	snop;
	(pc) =	sbr.ind lr, $3  }
0x3a: {  	_ = 	snop  }
0x3b: {  	_ = 	snop  }
0x3c: {  	p2 =	seq.s32 s10, $0x1;
	s10 =	sld [smem:$0x3FB2]  }
0x3d: {  	_ =	shalt  }
0x3e: {  	_ =	shalt  }
0x3f: {  	_ =	shalt  }
0x40: {  	_ =	shalt  }
0x41: {  	_ =	shalt  }
0x42: {  	_ =	shalt  }
0x43: {  	_ =	shalt  }
0x44: {  	_ =	shalt  }
0x45: {  	_ =	shalt  }
0x46: {  	_ =	shalt  }
0x47: {  	_ =	shalt  }
0x48: {  	_ =	shalt  }
0x49: {  	_ =	shalt  }
0x4a: {  	_ =	shalt  }
0x4b: {  	_ =	shalt  }
0x4c: {  	_ =	shalt  }
0x4d: {  	_ =	shalt  }
0x4e: {  	_ =	shalt  }
0x4f: {  	_ =	shalt  }
0x50: {  	_ =	shalt  }
0x51: {  	_ =	shalt  }
0x52: {  	_ =	shalt  }
0x53: {  	_ =	shalt  }
0x54: {  	_ =	shalt  }
0x55: {  	_ =	shalt  }
0x56: {  	_ =	shalt  }
0x57: {  	_ =	shalt  }
0x58: {  	_ =	shalt  }
0x59: {  	_ =	shalt  }
0x5a: {  	_ =	shalt  }
0x5b: {  	_ =	shalt  }
0x5c: {  	_ =	shalt  }
0x5d: {  	_ =	shalt  }
0x5e: {  	_ =	shalt  }
0x5f: {  	_ =	shalt  }
0x60: {  	_ =	shalt  }
0x61: {  	_ =	shalt  }
0x62: {  	_ =	shalt  }
0x63: {  	_ =	shalt  }
0x64: {  	_ =	shalt  }
0x65: {  	_ =	shalt  }
0x66: {  	_ =	shalt  }
0x67: {  	_ =	shalt  }
0x68: {  	_ =	shalt  }
0x69: {  	_ =	shalt  }
0x6a: {  	_ =	shalt  }
0x6b: {  	_ =	shalt  }
0x6c: {  	_ =	shalt  }
0x6d: {  	_ =	shalt  }
0x6e: {  	_ =	shalt  }
0x6f: {  	_ =	shalt  }
0x70: {  	_ =	shalt  }
0x71: {  	_ =	shalt  }
0x72: {  	_ =	shalt  }
0x73: {  	_ =	shalt  }
0x74: {  	_ =	shalt  }
0x75: {  	_ =	shalt  }
0x76: {  	_ =	shalt  }
0x77: {  	_ =	shalt  }
0x78: {  	_ =	shalt  }
0x79: {  	_ =	shalt  }
0x7a: {  	_ =	shalt  }
0x7b: {  	_ =	shalt  }
0x7c: {  	_ =	shalt  }
0x7d: {  	_ =	shalt  }
0x7e: {  	_ =	shalt  }
0x7f: {  	_ =	shalt  }
0x80: {  	_ =	shalt  }
0x81: {  	_ =	shalt  }
0x82: {  	_ =	shalt  }
0x83: {  	_ =	shalt  }
0x84: {  	_ =	shalt  }
0x85: {  	_ =	shalt  }
0x86: {  	_ =	shalt  }
0x87: {  	_ =	shalt  }
.Lfunc_end0:
.L_simem_size_0:
called_computation_lowered:
.L_overlay_start_0:
0x88: {  	s2 =	sld [smem:$0x3FD9]  }
0x89: {  	s3 =	sld [smem:$0x3FFE];
	_ =	sdelay $0x1  }
0x8a: {  	s1 =	srdreg.scid  }
0x8b: {  	s0 =	sand.u32 $0x1, s1  }
0x8c: {  	s17 =	sshll.u32 s0, $0xA;
	s2 =	sadd.s32 s3, s2  }
0x8d: {  	s2 =	sadd.s32 s2, s17  }
0x8e: {  	[smem:$0x3FBE] =	sst s2  }
0x8f: {  	_ = 	snop  }
0x90: {  	s2 =	sld [smem:$0x3FD0];
	(tm) =	ssettm $0x1  }
0x91: {  	s18 =	sld [smem:$0x3FFB];
	_ =	sdelay $0x3  }
0x92: {  	_ =	strace s18  }
0x93: {  	s3 =	sld [smem:$0x3FFC];
	_ =	sdelay $0x3  }
0x94: {  	_ =	strace s3  }
0x95: {  	s3 =	sld [smem:$0x3FFD];
	_ =	sdelay $0x3  }
0x96: {  	_ =	strace s3  }
0x97: {  	_ =	strace $0x8FFFFFFF  }
0x98: {  	s19 =	sld [smem:$0x3FDB];
	_ =	sdelay $0x1  }
0x99: {  	s4 =	simm.s32 $_scs_section_size  }
0x9a: {  	s5 =	simm.s32 $_size__tile_overlayer_lowered;
	s6 =	simm.s32 $_tile_overlayer_lowered  }
0x9b: {  	s22 =	simm.s32 $0x1BFF;
	s21 =	sshll.u32 s6, $0x1;
	s3 =	sadd.s32 s4, s19  }
0x9c: {  	s7 =	simm.s32 $0x0;
	s20 =	sshll.u32 s5, $0x1;
	s5 =	sadd.s32 s21, s3  }
0x9d: {  	[timem:s7], [sflag:s22] =	dma.local [hbm:s5], s20  }
0x9e: {  	_ =	swait.ge [sflag:s22], s20  }
0x9f: {  	s4 =	ssub.s32 $0x0, s20;
	[sflag:s22] =	ssyncset.done $0x0  }
0xa0: {  	[sflag:s22] =	ssyncadd.s32 s4;
	_ =	sdelay $0x1  }
0xa1: {  	s23 =	simm.s32 $0x1B8B  }
0xa2: {  	_ =	swait.ge [sflag:s23], $0x1  }
0xa3: {  	[sflag:s23] =	ssyncset.done $0x0  }
0xa4: {  	s25 =	simm.s32 $0x1B8E;
	s24 =	sld [smem:$0x3FFE];
	[sflag:s23] =	ssyncadd.s32 $0xFFFFFFFF  }
0xa5: {  	s26 =	simm.s32 $execute0_lowered;
	[smem:$0x3FD2] =	sst s25  }
0xa6: {  	s5 =	sshll.u32 s26, $0x1;
	_ =	strace $0x80000046;
	[dreg:$0x1] =	wrdreg $0xFFFFFFFF  }
0xa7: {  	s28 =	simm.s32 $_size_execute0_lowered;
	s3 =	sadd.s32 s3, s5;
	[dreg:$0x0] =	wrdreg $0x0  }
0xa8: {  	s5 =	sshll.u32 s28, $0x1;
	[dreg:$0x2] =	wrdreg s3  }
0xa9: {  	[dreg:$0x3] =	wrdreg s5  }
0xaa: {  	[dreg:$0x4] =	wrdreg $0xC0  }
0xab: {  	_ =	task [dreg:s7], $0x5FFFF  }
0xac: {  	[dreg:$0x1] =	wrdreg $0xFFFFFFFF  }
0xad: {  	[dreg:$0x0] =	wrdreg $0x60  }
0xae: {  	[dreg:$0x2] =	wrdreg s2  }
0xaf: {  	[dreg:$0x3] =	wrdreg s24  }
0xb0: {  	[dreg:$0x4] =	wrdreg $0x68000  }
0xb1: {  	[dreg:$0x5] =	wrdreg $0x9  }
0xb2: {  	_ =	task.clear_ibuf [dreg:s7], $0x6FFFF;
	_ =	strace $0x90000046  }
0xb3: {  	s29 =	simm.s32 $0x9;
	_ =	strace $0x80000048  }
0xb4: {  	_ =	swait.ge [sflag:s29], $0x1  }
0xb5: {  	[sflag:s29] =	ssyncadd.s32 $0xFFFFFFFF  }
0xb6: {  	_ =	strace $0x90000048  }
0xb7: {  	_ =	sfence  }
0xb8: {  	s30 =	sld [smem:$0x0];
	_ =	sdelay $0x2  }
0xb9: {  	s31 =	sshll.u32 s1, $0xD;
	s1 =	sshrl.u32 s1, $0x2  }
0xba: {  	s3 =	sand.u32 $0x4000, s31;
	s1 =	sadd.s32 s1, s30  }
0xbb: {  	s0 =	sor.u32 s3, s0;
	s1 =	sshll.u32 s1, $0x11  }
0xbc: {  	s0 =	sor.u32 s1, s0  }
0xbd: {  	s0 =	sadd.s32 $0x8F2B, s0  }
0xbe: {  	[sflag:s0] =	ssyncadd.remote.s32 $0x1  }
0xbf: {  	_ =	sfence.sel $0xFFFF  }
0xc0: {  	[dreg:$0x0] =	wrdreg $0xFFFFFFFF;
	(pc) =	sbr.abs _section_cstart, $3  }
0xc1: {  	[dreg:$0x1] =	wrdreg $0xFFFFFFFF  }
0xc2: {  	_ =	task.clear_ibuf [dreg:s7], $0x2FFFF;
	_ =	strace $0x9FFFFFFF  }
0xc3: {  	(tm) =	ssettm $0x7FFFFFFF  }
tec
execute0_lowered:
.L_overlay_start_1:
0x0: {  	(tag) =	ssettag $0x1  }
0x1: {  	s4 =	rddreg [dreg:$0x0]  }
0x2: {  	s0 =	srdreg.scid;
	s5 =	rddreg [dreg:$0x1]  }
0x3: {  	s2 =	rddreg [dreg:$0x2];
	s1 =	stileid.u32;
	s3 =	simm.s32 $0x0  }
0x4: {  	s18 =	simm.s32 $0x80;
	s6 =	sand.u32 $0x1, s0;
	s0 =	rddreg [dreg:$0x3]  }
0x5: {  	s19 =	simm.s32 $0x0;
	[smem:$0x7FF] =	sst s3;
	s9 =	smul.u32 $0x50000, s1  }
0x6: {  	s14 =	sadd.s32 $0x2000, s5;
	s10 =	smul.u32 $0x14000, s1;
	s7 =	sshll.u32 s6, $0x4  }
0x7: {  	_ =	strace $0x80000047;
	s8 =	ssub.s32 $0x2, s6;
	s12 =	smul.u32 $0x140000, s6  }
0x8: {  	s7 =	sor.u32 s1, s7;
	s25 =	sshrl.u32 s8, $0x1;
	s26 =	sshrl.u32 s9, $0x2  }
0x9: {  	s28 =	sadd.s32 $0x4000, s10;
	s13 =	sadd.s32 $0x8000, s10;
	s16 =	sadd.s32 $0xC000, s10  }
0xa: {  	s17 =	sadd.s32 $0x10000, s10;
	s7 =	smul.u32 $0x500, s7;
	s15 =	ssub.s32 s8, s25  }
0xb: {  	s5 =	sadd.s32 s26, s2;
	s6 =	sadd.s32 s28, s2;
	s8 =	sadd.s32 s16, s2  }
0xc: {  	s11 =	sadd.s32 s10, s12;
	s30 =	sadd.s32 s12, s28;
	s9 =	sadd.s32 s17, s2  }
0xd: {  	s16 =	sadd.s32 s12, s16;
	s17 =	sadd.s32 s12, s17;
	s29 =	sshrl.u32 s11, $0x3  }
0xe: {  	s11 =	sshrl.u32 s30, $0x3;
	s16 =	sshrl.u32 s16, $0x3;
	s31 =	sshrl.u32 s17, $0x3  }
0xf: {  	s4 =	sadd.s32 s4, s7;
	s7 =	sadd.s32 s13, s2;
	s13 =	sadd.s32 s12, s13  }
0x10: {  	s15 =	smax.u32 s15, $0x1;
	s17 =	simm.s32 $0x2800;
	s13 =	sshrl.u32 s13, $0x3  }
0x11: {  	s10 =	sadd.s32 s14, s29;
	s11 =	sadd.s32 s14, s11;
	s12 =	sadd.s32 s14, s13  }
0x12: {  	v0 =	vimm.f32 $0.0e+00;
	v1 =	vimm.f32 $1.000000000e+00;
	s13 =	sadd.s32 s14, s16;
	s14 =	sadd.s32 s14, s31;
	s16 =	simm.s32 $0x1  }
.LBB2_1:
0x13: {  	[tilespmem:s3], [sflag:$0x1] =	stream.linear.gather [hbm4b:s4+s3], $0x2780, $0x38;
	[tilespmem:$0x1A800] =	vst v63  }
0x14: {  	_ =	swait.ge [sflag:s16], $0x2780  }
0x15: {  	[sflag:s16] =	ssyncset.done $0x0  }
0x16: {  	s20 =	simm.s32 $0x0;
	s21 =	simm.s32 $0x200;
	[sflag:s16] =	ssyncadd.s32 $0xFFFFD880  }
.LBB2_2:
0x17: {  	p0 =	sne.s32 s21, $0xFE00;
	[tilespmem:s20+$0x2870] =	vst v0  }
0x18: {  	[tilespmem:s20+$0x2800] =	vst v0  }
0x19: {  	[tilespmem:s20+$0x2810] =	vst v0  }
.Ltmp0:
0x1a: {  	[tilespmem:s20+$0x2820] =	vst v0;
	(pc) =	sbr.rel @p0 .LBB2_2-.Ltmp0, $4  }
0x1b: {  	[tilespmem:s20+$0x2830] =	vst v0  }
0x1c: {  	[tilespmem:s20+$0x2840] =	vst v0  }
0x1d: {  	[tilespmem:s20+$0x2850] =	vst v0  }
0x1e: {  	[tilespmem:s20+$0x2860] =	vst v0;
	s20 =	sshra.s32 s21, $0x2;
	s21 =	sadd.s32 $0x200, s21  }
0x1f: {  	[tilespmem:s20+$0x2870] =	vst v0  }
0x20: {  	[tilespmem:s20+$0x2800] =	vst v0  }
0x21: {  	[tilespmem:s20+$0x2810] =	vst v0  }
0x22: {  	[tilespmem:s20+$0x2820] =	vst v0  }
0x23: {  	[tilespmem:s20+$0x2830] =	vst v0  }
0x24: {  	[tilespmem:s20+$0x2840] =	vst v0  }
0x25: {  	[tilespmem:s20+$0x2850] =	vst v0  }
0x26: {  	[tilespmem:s20+$0x2860] =	vst v0  }
0x27: {  	[spmem:s5] =	stream.linear.scatter [tilespmem:s17], [sflag:$0x1], $0x4000, $0x38;
	[tilespmem:$0x1A800] =	vst v63  }
0x28: {  	_ =	swait.ge [sflag:s16], $0x4000  }
0x29: {  	[sflag:s16] =	ssyncset.done $0x0  }
0x2a: {  	[sflag:s16] =	ssyncadd.s32 $0xFFFFC000  }
0x2b: {  	[spmem:s6] =	stream.linear.scatter [tilespmem:s17], [sflag:$0x1], $0x4000, $0x38;
	[tilespmem:$0x1A800] =	vst v63  }
0x2c: {  	_ =	swait.ge [sflag:s16], $0x4000  }
0x2d: {  	[sflag:s16] =	ssyncset.done $0x0  }
0x2e: {  	[sflag:s16] =	ssyncadd.s32 $0xFFFFC000  }
0x2f: {  	[spmem:s7] =	stream.linear.scatter [tilespmem:s17], [sflag:$0x1], $0x4000, $0x38;
	[tilespmem:$0x1A800] =	vst v63  }
0x30: {  	_ =	swait.ge [sflag:s16], $0x4000  }
0x31: {  	[sflag:s16] =	ssyncset.done $0x0  }
0x32: {  	[sflag:s16] =	ssyncadd.s32 $0xFFFFC000  }
0x33: {  	[spmem:s8] =	stream.linear.scatter [tilespmem:s17], [sflag:$0x1], $0x4000, $0x38;
	[tilespmem:$0x1A800] =	vst v63  }
0x34: {  	_ =	swait.ge [sflag:s16], $0x4000  }
0x35: {  	[sflag:s16] =	ssyncset.done $0x0  }
0x36: {  	[sflag:s16] =	ssyncadd.s32 $0xFFFFC000  }
0x37: {  	[spmem:s9] =	stream.linear.scatter [tilespmem:s17], [sflag:$0x1], $0x4000, $0x38;
	[tilespmem:$0x1A800] =	vst v63  }
0x38: {  	_ =	swait.ge [sflag:s16], $0x4000  }
0x39: {  	[sflag:s16] =	ssyncset.done $0x0  }
0x3a: {  	[sflag:s16] =	ssyncadd.s32 $0xFFFFC000  }
0x3b: {  	s20 =	simm.s32 $0x0;
	s21 =	simm.s32 $0x200;
	[bflag:$0x0] =	sbarrier.arrive $0xFFFF  }
.LBB2_4:
0x3c: {  	p0 =	sne.s32 s21, $0xFE00;
	[tilespmem:s20+$0x2870] =	vst v1  }
0x3d: {  	[tilespmem:s20+$0x2800] =	vst v1  }
0x3e: {  	[tilespmem:s20+$0x2810] =	vst v1  }
.Ltmp1:
0x3f: {  	[tilespmem:s20+$0x2820] =	vst v1;
	(pc) =	sbr.rel @p0 .LBB2_4-.Ltmp1, $4  }
0x40: {  	[tilespmem:s20+$0x2830] =	vst v1  }
0x41: {  	[tilespmem:s20+$0x2840] =	vst v1  }
0x42: {  	[tilespmem:s20+$0x2850] =	vst v1  }
0x43: {  	[tilespmem:s20+$0x2860] =	vst v1;
	s20 =	sshra.s32 s21, $0x2;
	s21 =	sadd.s32 $0x200, s21  }
0x44: {  	[tilespmem:s20+$0x2870] =	vst v1  }
0x45: {  	[tilespmem:s20+$0x2800] =	vst v1  }
0x46: {  	[tilespmem:s20+$0x2810] =	vst v1  }
0x47: {  	[tilespmem:s20+$0x2820] =	vst v1  }
0x48: {  	[tilespmem:s20+$0x2830] =	vst v1  }
0x49: {  	[tilespmem:s20+$0x2840] =	vst v1  }
0x4a: {  	[tilespmem:s20+$0x2850] =	vst v1  }
0x4b: {  	[tilespmem:s20+$0x2860] =	vst v1;
	s31 =	simm.s32 $0x0  }
0x4c: {  	[spmem:s2] =	stream.indirect.scatter.add.f32 [tilespmem:s17], [sflag:$0x1], $0x80, s31, s18, $0xb8;
	[tilespmem:$0x1A800] =	vst v63  }
0x4d: {  	_ =	swait.ge [sflag:s16], $0x4000  }
0x4e: {  	s20 =	simm.s32 $0x200;
	[sflag:s16] =	ssyncset.done $0x0  }
.LBB2_6:
0x4f: {  	s21 =	sshra.s32 s20, $0x2;
	[sflag:s16] =	ssyncadd.s32 $0xFFFFC000;
	p0 =	sne.s32 s20, $0x9C00  }
0x50: {  	[spmem:s2] =	stream.indirect.scatter.add.f32 [tilespmem:s17], [sflag:$0x1], $0x80, s21, s18, $0xb8;
	[tilespmem:$0x1A800] =	vst v63  }
.Ltmp2:
0x51: {  	_ = 	snop;
	(pc) =	sbr.rel @p0 .LBB2_6-.Ltmp2, $4  }
0x52: {  	_ = 	snop  }
0x53: {  	s20 =	sadd.s32 $0x200, s20  }
0x54: {  	_ =	swait.ge [sflag:s16], $0x4000  }
0x55: {  	[sflag:s16] =	ssyncset.done $0x0  }
0x56: {  	[sflag:s16] =	ssyncadd.s32 $0xFFFFC000;
	s20 =	sshll.u32 s1, $0x6  }
0x57: {  	s21 =	sshrl.u32 s5, $0x3;
	[bflag:$0x0] =	sbarrier.arrive $0xFFFF;
	s20 =	sor.u32 $0x1C01, s20  }
0x58: {  	[hbm:s10], [sflag:s20] =	dma.local [spmem:s21], $0x800  }
0x59: {  	_ =	swait.ge [sflag:s16], $0x800  }
0x5a: {  	[sflag:s16] =	ssyncset.done $0x0  }
0x5b: {  	s28 =	sshrl.u32 s6, $0x3;
	[sflag:s16] =	ssyncadd.s32 $0xFFFFF800  }
0x5c: {  	[hbm:s11], [sflag:s20] =	dma.local [spmem:s28], $0x800  }
0x5d: {  	_ =	swait.ge [sflag:s16], $0x800  }
0x5e: {  	[sflag:s16] =	ssyncset.done $0x0  }
0x5f: {  	s29 =	sshrl.u32 s7, $0x3;
	[sflag:s16] =	ssyncadd.s32 $0xFFFFF800  }
0x60: {  	[hbm:s12], [sflag:s20] =	dma.local [spmem:s29], $0x800  }
0x61: {  	_ =	swait.ge [sflag:s16], $0x800  }
0x62: {  	[sflag:s16] =	ssyncset.done $0x0  }
0x63: {  	s30 =	sshrl.u32 s8, $0x3;
	[sflag:s16] =	ssyncadd.s32 $0xFFFFF800  }
0x64: {  	[hbm:s13], [sflag:s20] =	dma.local [spmem:s30], $0x800  }
0x65: {  	s19 =	sadd.s32 $0x1, s19;
	_ =	swait.ge [sflag:s16], $0x800  }
0x66: {  	p0 =	sne.s32 s19, s15;
	[sflag:s16] =	ssyncset.done $0x0  }
.Ltmp3:
0x67: {  	s31 =	sshrl.u32 s9, $0x3;
	[sflag:s16] =	ssyncadd.s32 $0xFFFFF800;
	(pc) =	sbr.rel @p0 .LBB2_1-.Ltmp3, $4  }
0x68: {  	[hbm:s14], [sflag:s20] =	dma.local [spmem:s31], $0x800  }
0x69: {  	_ =	swait.ge [sflag:s16], $0x800  }
0x6a: {  	[sflag:s16] =	ssyncset.done $0x0  }
0x6b: {  	[sflag:s16] =	ssyncadd.s32 $0xFFFFF800  }
0x6c: {  	_ =	sfence.sel $0x180000  }
0x6d: {  	[bflag:$0x0] =	sbarrier.arrive $0xFFFF  }
0x6e: {  	p0 =	sne.s32 s1, $0x0;
	_ =	strace $0x90000047  }
0x6f: {  	s0 =	sadd.s32 @!p0 $0x100000, s0;
	[bflag:$0x2] =	sbarrier.arrive $0xFFFF  }
0x70: {  	[sflag:s0] =	ssyncadd.tile.s32 @!p0 $0x1;
	_ =	shalt  }
.Lfunc_end2:
_tile_overlayer_lowered:
.L_overlay_start_2:
0x71: {  	(tag) =	ssettag $0x2  }
0x72: {  	s0 =	rddreg [dreg:$0x0];
	s2 =	stileid.u32  }
0x73: {  	s1 =	rddreg [dreg:$0x1];
	p0 =	sne.s32 s2, $0x0  }
0x74: {  	s3 =	rddreg [dreg:$0x2];
	[bflag:$0x3] =	sbarrier.arrive $0xFFFF;
	s2 =	simm.s32 @!p0 $0x1C01  }
0x75: {  	[timem:s3], [sflag:s2] =	dma.local @!p0 [hbm:s0], s1  }
0x76: {  	s0 =	simm.s32 @!p0 $0x1  }
0x77: {  	_ =	swait.ge @!p0 [sflag:s0], s1  }
0x78: {  	s1 =	ssub.s32 @!p0 $0x0, s1;
	[sflag:s0] =	ssyncset.done @!p0 $0x0  }
0x79: {  	[sflag:s0] =	ssyncadd.s32 @!p0 s1  }
0x7a: {  	[bflag:$0x3] =	sbarrier.arrive $0xFFFF  }
0x7b: {  	_ =	shalt  }

// kernel: kernel.14.cloned.1.call-start
scs
__scs_entry_jumppad:
0x0: {  	(pc) =	sbr.rel $0x88, $3  }
0x1: {  	(tag) =	ssettag $0x0;
	lr =	simm.s32 $0x1  }
0x2: {  	[smem:$0x3F97] =	sst lr;
	_ =	strace $0xD0000000  }
0x3: {  	_ = 	snop  }
0x4: {  	_ = 	snop  }
0x5: {  	_ = 	snop  }
0x6: {  	_ = 	snop  }
0x7: {  	_ = 	snop  }
__scs_overlays_trampoline_lowered:
0x8: {  	[smem:$0x3FA6] =	sst s0  }
0x9: {  	[smem:$0x3FA7] =	sst s1  }
0xa: {  	[smem:$0x3FA8] =	sst s2  }
0xb: {  	[smem:$0x3FA9] =	sst s3  }
0xc: {  	[smem:$0x3FAA] =	sst s4  }
0xd: {  	[smem:$0x3FAB] =	sst s5  }
0xe: {  	[smem:$0x3FAC] =	sst s6  }
0xf: {  	[smem:$0x3FAD] =	sst s7  }
0x10: {  	[smem:$0x3FAE] =	sst s8  }
0x11: {  	[smem:$0x3FAF] =	sst s9;
	s0 =	simm.s32 @!p0 $0x0  }
0x12: {  	s1 =	sld [smem:$0x3F95];
	s0 =	simm.s32 @p0 $0x1  }
0x13: {  	[smem:$0x3FB0] =	sst s0;
	s0 =	simm.s32 @!p1 $0x0  }
0x14: {  	s2 =	sld [smem:$0x3F94];
	s0 =	simm.s32 @p1 $0x1  }
0x15: {  	[smem:$0x3FB1] =	sst s0;
	s0 =	simm.s32 @!p2 $0x0  }
0x16: {  	s3 =	sld [smem:$0x3FDB];
	s0 =	simm.s32 @p2 $0x1  }
0x17: {  	s4 =	simm.s32 $0x1BF5;
	[smem:$0x3FB3] =	sst s0  }
0x18: {  	s0 =	sld [smem:$0x3F96];
	_ =	swait.ge [sflag:s4], $0x0  }
0x19: {  	s7 =	sld [smem:$0x3F97]  }
0x1a: {  	s8 =	sadd.s32 $0xFFFFE003, lr  }
0x1b: {  	s9 =	sadd.s32 $0xFFFFFEF7, lr;
	s5 =	simm.s32 $0xFFFFFFFF;
	p2 =	slt.u32 s8, $0xFFFFF086  }
0x1c: {  	p1 =	slt.u32 s9, $0xF7A;
	s5 =	simm.s32 @!p2 $0x0  }
0x1d: {  	s5 =	simm.s32 @p1 $0x1;
	p0 =	seq.s32 s7, s2  }
0x1e: {  	s7 =	smul.u32 @!p0 $0xF7A, s2;
	p2 =	seq.s32 @!p0 s5, $0x0  }
0x1f: {  	s9 =	smul.u32 $0xF7A, s1;
	s8 =	simm.s32 @!p0 $0x1BF5;
	p2 =	por !p2, p0  }
0x20: {  	[sflag:s8] =	ssyncset.s32 @!p0 $0xFFFFF086;
	s6 =	sadd.s32 @!p0 s3, s7;
	s7 =	simm.s32 @!p0 $0x108  }
0x21: {  	s3 =	sadd.s32 s3, s9;
	s6 =	sadd.s32 @!p0 $0x88, s6;
	s7 =	simm.s32 @p2 $0x1082  }
0x22: {  	[simem:s7], [sflag:s8] =	dma.local @!p0 [hbm:s6], $0xF7A  }
0x23: {  	s9 =	sor.u32 $0xD0000000, s2;
	s6 =	simm.s32 $0x108;
	_ =	swait.ge @!p0 [sflag:s8], $0x0  }
0x24: {  	s3 =	sadd.s32 $0x88, s3;
	s6 =	simm.s32 @!p1 $0x1082;
	[sflag:s4] =	ssyncset.s32 $0xFFFFF086  }
0x25: {  	[simem:s6], [sflag:s4] =	dma.local [hbm:s3], $0xF7A  }
0x26: {  	[smem:$0x3F97] =	sst s1;
	(tag) =	ssettag s2;
	_ =	strace s9  }
0x27: {  	s1 =	sld [smem:$0x3FA7]  }
0x28: {  	s2 =	sld [smem:$0x3FA8]  }
0x29: {  	s4 =	sld [smem:$0x3FAA]  }
0x2a: {  	p0 =	seq.s32 s5, $0x0;
	s5 =	sld [smem:$0x3FAB]  }
0x2b: {  	s6 =	sld [smem:$0x3FAC]  }
0x2c: {  	s7 =	sld [smem:$0x3FAD]  }
0x2d: {  	s3 =	simm.s32 $0x108;
	s8 =	sld [smem:$0x3FAE]  }
0x2e: {  	s3 =	simm.s32 @!p0 $0x1082;
	s9 =	sld [smem:$0x3FAF]  }
0x2f: {  	lr =	sadd.s32 s0, s3;
	s0 =	sld [smem:$0x3FA6]  }
0x30: {  	s3 =	sld [smem:$0x3FA9]  }
0x31: {  	[smem:$0x3FB2] =	sst s10  }
0x32: {  	s10 =	sld [smem:$0x3FB0];
	_ =	sdelay $0x3  }
0x33: {  	p0 =	seq.s32 s10, $0x1;
	s10 =	sld [smem:$0x3FB2];
	_ =	sdelay $0x3  }
0x34: {  	[smem:$0x3FB2] =	sst s10  }
0x35: {  	s10 =	sld [smem:$0x3FB1];
	_ =	sdelay $0x3  }
0x36: {  	p1 =	seq.s32 s10, $0x1;
	s10 =	sld [smem:$0x3FB2];
	_ =	sdelay $0x3  }
0x37: {  	[smem:$0x3FB2] =	sst s10  }
0x38: {  	s10 =	sld [smem:$0x3FB3]  }
0x39: {  	_ = 	snop;
	(pc) =	sbr.ind lr, $3  }
0x3a: {  	_ = 	snop  }
0x3b: {  	_ = 	snop  }
0x3c: {  	p2 =	seq.s32 s10, $0x1;
	s10 =	sld [smem:$0x3FB2]  }
0x3d: {  	_ =	shalt  }
0x3e: {  	_ =	shalt  }
0x3f: {  	_ =	shalt  }
0x40: {  	_ =	shalt  }
0x41: {  	_ =	shalt  }
0x42: {  	_ =	shalt  }
0x43: {  	_ =	shalt  }
0x44: {  	_ =	shalt  }
0x45: {  	_ =	shalt  }
0x46: {  	_ =	shalt  }
0x47: {  	_ =	shalt  }
0x48: {  	_ =	shalt  }
0x49: {  	_ =	shalt  }
0x4a: {  	_ =	shalt  }
0x4b: {  	_ =	shalt  }
0x4c: {  	_ =	shalt  }
0x4d: {  	_ =	shalt  }
0x4e: {  	_ =	shalt  }
0x4f: {  	_ =	shalt  }
0x50: {  	_ =	shalt  }
0x51: {  	_ =	shalt  }
0x52: {  	_ =	shalt  }
0x53: {  	_ =	shalt  }
0x54: {  	_ =	shalt  }
0x55: {  	_ =	shalt  }
0x56: {  	_ =	shalt  }
0x57: {  	_ =	shalt  }
0x58: {  	_ =	shalt  }
0x59: {  	_ =	shalt  }
0x5a: {  	_ =	shalt  }
0x5b: {  	_ =	shalt  }
0x5c: {  	_ =	shalt  }
0x5d: {  	_ =	shalt  }
0x5e: {  	_ =	shalt  }
0x5f: {  	_ =	shalt  }
0x60: {  	_ =	shalt  }
0x61: {  	_ =	shalt  }
0x62: {  	_ =	shalt  }
0x63: {  	_ =	shalt  }
0x64: {  	_ =	shalt  }
0x65: {  	_ =	shalt  }
0x66: {  	_ =	shalt  }
0x67: {  	_ =	shalt  }
0x68: {  	_ =	shalt  }
0x69: {  	_ =	shalt  }
0x6a: {  	_ =	shalt  }
0x6b: {  	_ =	shalt  }
0x6c: {  	_ =	shalt  }
0x6d: {  	_ =	shalt  }
0x6e: {  	_ =	shalt  }
0x6f: {  	_ =	shalt  }
0x70: {  	_ =	shalt  }
0x71: {  	_ =	shalt  }
0x72: {  	_ =	shalt  }
0x73: {  	_ =	shalt  }
0x74: {  	_ =	shalt  }
0x75: {  	_ =	shalt  }
0x76: {  	_ =	shalt  }
0x77: {  	_ =	shalt  }
0x78: {  	_ =	shalt  }
0x79: {  	_ =	shalt  }
0x7a: {  	_ =	shalt  }
0x7b: {  	_ =	shalt  }
0x7c: {  	_ =	shalt  }
0x7d: {  	_ =	shalt  }
0x7e: {  	_ =	shalt  }
0x7f: {  	_ =	shalt  }
0x80: {  	_ =	shalt  }
0x81: {  	_ =	shalt  }
0x82: {  	_ =	shalt  }
0x83: {  	_ =	shalt  }
0x84: {  	_ =	shalt  }
0x85: {  	_ =	shalt  }
0x86: {  	_ =	shalt  }
0x87: {  	_ =	shalt  }
.Lfunc_end0:
.L_simem_size_0:
called_computation.1_lowered:
.L_overlay_start_0:
0x88: {  	s2 =	sld [smem:$0x3FD9]  }
0x89: {  	s3 =	sld [smem:$0x3FFE];
	_ =	sdelay $0x1  }
0x8a: {  	s1 =	srdreg.scid  }
0x8b: {  	s0 =	sand.u32 $0x1, s1  }
0x8c: {  	s16 =	sshll.u32 s0, $0xA;
	s2 =	sadd.s32 s3, s2  }
0x8d: {  	s2 =	sadd.s32 s2, s16  }
0x8e: {  	[smem:$0x3FBE] =	sst s2  }
0x8f: {  	_ = 	snop  }
0x90: {  	(tm) =	ssettm $0x1  }
0x91: {  	s17 =	sld [smem:$0x3FFB];
	_ =	sdelay $0x3  }
0x92: {  	_ =	strace s17  }
0x93: {  	s2 =	sld [smem:$0x3FFC];
	_ =	sdelay $0x3  }
0x94: {  	_ =	strace s2  }
0x95: {  	s2 =	sld [smem:$0x3FFD];
	_ =	sdelay $0x3  }
0x96: {  	_ =	strace s2  }
0x97: {  	_ =	strace $0x8FFFFFFF  }
0x98: {  	s18 =	sld [smem:$0x3FDB];
	_ =	sdelay $0x1  }
0x99: {  	s19 =	simm.s32 $_scs_section_size  }
0x9a: {  	s4 =	simm.s32 $_size__tile_overlayer_lowered;
	s5 =	simm.s32 $_tile_overlayer_lowered  }
0x9b: {  	s22 =	simm.s32 $0x1BFF;
	s21 =	sshll.u32 s5, $0x1;
	s2 =	sadd.s32 s19, s18  }
0x9c: {  	s6 =	simm.s32 $0x0;
	s20 =	sshll.u32 s4, $0x1;
	s4 =	sadd.s32 s21, s2  }
0x9d: {  	[timem:s6], [sflag:s22] =	dma.local [hbm:s4], s20  }
0x9e: {  	_ =	swait.ge [sflag:s22], s20  }
0x9f: {  	s3 =	ssub.s32 $0x0, s20;
	[sflag:s22] =	ssyncset.done $0x0  }
0xa0: {  	[sflag:s22] =	ssyncadd.s32 s3;
	_ =	sdelay $0x1  }
0xa1: {  	s23 =	simm.s32 $0x1B8B  }
0xa2: {  	_ =	swait.ge [sflag:s23], $0x1  }
0xa3: {  	[sflag:s23] =	ssyncset.done $0x0  }
0xa4: {  	s25 =	simm.s32 $0x1B8E;
	s24 =	sld [smem:$0x3FFE];
	[sflag:s23] =	ssyncadd.s32 $0xFFFFFFFF  }
0xa5: {  	s26 =	simm.s32 $execute0_lowered;
	[smem:$0x3FD2] =	sst s25  }
0xa6: {  	s4 =	sshll.u32 s26, $0x1;
	_ =	strace $0x80000049;
	[dreg:$0x1] =	wrdreg $0xFFFFFFFF  }
0xa7: {  	s28 =	simm.s32 $_size_execute0_lowered;
	s2 =	sadd.s32 s2, s4;
	[dreg:$0x0] =	wrdreg $0x0  }
0xa8: {  	s4 =	sshll.u32 s28, $0x1;
	[dreg:$0x2] =	wrdreg s2  }
0xa9: {  	[dreg:$0x3] =	wrdreg s4  }
0xaa: {  	[dreg:$0x4] =	wrdreg $0xC0  }
0xab: {  	_ =	task [dreg:s6], $0x5FFFF  }
0xac: {  	[dreg:$0x1] =	wrdreg $0xFFFFFFFF  }
0xad: {  	[dreg:$0x0] =	wrdreg $0x60  }
0xae: {  	[dreg:$0x2] =	wrdreg s24  }
0xaf: {  	[dreg:$0x3] =	wrdreg $0xA0000  }
0xb0: {  	[dreg:$0x4] =	wrdreg $0x9  }
0xb1: {  	_ =	task.clear_ibuf [dreg:s6], $0x5FFFF;
	_ =	strace $0x90000049  }
0xb2: {  	s29 =	simm.s32 $0x9;
	_ =	strace $0x8000004B  }
0xb3: {  	_ =	swait.ge [sflag:s29], $0x1  }
0xb4: {  	[sflag:s29] =	ssyncadd.s32 $0xFFFFFFFF  }
0xb5: {  	_ =	strace $0x9000004B  }
0xb6: {  	_ =	sfence  }
0xb7: {  	s30 =	sld [smem:$0x0];
	_ =	sdelay $0x2  }
0xb8: {  	s31 =	sshll.u32 s1, $0xD;
	s1 =	sshrl.u32 s1, $0x2  }
0xb9: {  	s3 =	sand.u32 $0x4000, s31;
	s1 =	sadd.s32 s1, s30  }
0xba: {  	s0 =	sor.u32 s3, s0;
	s1 =	sshll.u32 s1, $0x11  }
0xbb: {  	s0 =	sor.u32 s1, s0  }
0xbc: {  	s0 =	sadd.s32 $0x8F2B, s0  }
0xbd: {  	[sflag:s0] =	ssyncadd.remote.s32 $0x1  }
0xbe: {  	_ =	sfence.sel $0xFFFF  }
0xbf: {  	[dreg:$0x0] =	wrdreg $0xFFFFFFFF;
	(pc) =	sbr.abs _section_cstart, $3  }
0xc0: {  	[dreg:$0x1] =	wrdreg $0xFFFFFFFF  }
0xc1: {  	_ =	task.clear_ibuf [dreg:s6], $0x2FFFF;
	_ =	strace $0x9FFFFFFF  }
0xc2: {  	(tm) =	ssettm $0x7FFFFFFF  }
0xc3: {  	_ =	shalt  }
tec
execute0_lowered:
.L_overlay_start_1:
0x0: {  	(tag) =	ssettag $0x1  }
0x1: {  	s5 =	rddreg [dreg:$0x0]  }
0x2: {  	s2 =	rddreg [dreg:$0x1]  }
0x3: {  	s0 =	rddreg [dreg:$0x2];
	s1 =	stileid.u32  }
0x4: {  	s3 =	simm.s32 $0x0;
	s7 =	srdreg.scid;
	s4 =	smul.u32 $0x600, s1  }
0x5: {  	s23 =	simm.s32 $0x80;
	s24 =	simm.s32 $0x1;
	s6 =	smul.u32 $0x480, s1  }
0x6: {  	[smem:$0x7FF] =	sst s3;
	s10 =	sand.u32 $0x1, s7;
	s30 =	smul.u32 $0x50000, s1  }
0x7: {  	s12 =	smul.u32 $0x14000, s1;
	s18 =	sadd.s32 $0x67000, s5;
	_ =	strace $0x8000004A  }
0x8: {  	s29 =	ssub.s32 $0x2, s10;
	s21 =	smul.u32 $0x140000, s10;
	p0 =	seq.s32 s10, $0x1  }
0x9: {  	s11 =	sadd.s32 s4, s5;
	s13 =	sadd.s32 s6, s5;
	s4 =	sadd.s32 $0x2000, s5  }
0xa: {  	s8 =	sshrl.u32 s29, $0x1;
	s31 =	sshrl.u32 s30, $0x2;
	s14 =	sadd.s32 $0x4000, s12  }
0xb: {  	s16 =	sadd.s32 $0x8000, s12;
	s17 =	sadd.s32 $0xC000, s12;
	s20 =	sadd.s32 $0x10000, s12  }
0xc: {  	s19 =	ssub.s32 s29, s8;
	s5 =	sadd.s32 s31, s2;
	s6 =	sadd.s32 s14, s2  }
0xd: {  	s7 =	sadd.s32 s16, s2;
	s8 =	sadd.s32 s17, s2;
	s9 =	sadd.s32 s20, s2  }
0xe: {  	s10 =	sadd.s32 $0x5B000, s11;
	s11 =	sadd.s32 $0x61000, s11;
	s15 =	sadd.s32 s12, s21  }
0xf: {  	s14 =	sadd.s32 s21, s14;
	s12 =	sadd.s32 $0x56800, s13;
	s13 =	sadd.s32 $0x52000, s13  }
0x10: {  	s16 =	sadd.s32 s21, s16;
	s17 =	sadd.s32 s21, s17;
	s20 =	sadd.s32 s21, s20  }
.Ltmp0:
0x11: {  	s21 =	simm.s32 $0x2;
	s15 =	sshrl.u32 s15, $0x3;
	(pc) =	sbr.rel .LBB2_1-.Ltmp0, $4  }
0x12: {  	s22 =	sshrl.u32 s14, $0x3;
	s16 =	sshrl.u32 s16, $0x3;
	s17 =	sshrl.u32 s17, $0x3  }
0x13: {  	s20 =	sshrl.u32 s20, $0x3;
	s19 =	smax.u32 s19, $0x1;
	s14 =	sadd.s32 s18, s15  }
0x14: {  	s15 =	sadd.s32 s18, s22;
	s16 =	sadd.s32 s18, s16;
	s17 =	sadd.s32 s18, s17  }
0x15: {  	v0 =	vimm.f32 $0.0e+00;
	s18 =	sadd.s32 s18, s20;
	s20 =	simm.s32 $0x6000;
	s22 =	simm.s32 $0x3000  }
.LBB2_6:
0x16: {  	s25 =	sshra.s32 s25, $0x2;
	[sflag:s21] =	ssyncadd.s32 $0xFFFFC000  }
0x17: {  	[tilespmem:s20], [sflag:$0x1] =	stream.indirect.gather [hbm4b:s4+s23], $0x80, s25, s23, $0xb8;
	[tilespmem:$0x1E000] =	vst v63  }
0x18: {  	_ =	swait.ge [sflag:s24], $0x4000  }
0x19: {  	[sflag:s24] =	ssyncset.done $0x0  }
0x1a: {  	s25 =	sadd.s32 $0x3000, s25;
	[sflag:s24] =	ssyncadd.s32 $0xFFFFC000  }
0x1b: {  	[spmem:s2] =	stream.indirect.scatter.add.f32 [tilespmem:s20], [sflag:$0x2], $0x80, s25, s23, $0xb8;
	[tilespmem:$0x1E000] =	vst v63  }
0x1c: {  	_ =	swait.ge [sflag:s21], $0x4000  }
0x1d: {  	[sflag:s21] =	ssyncset.done $0x0  }
0x1e: {  	[sflag:s21] =	ssyncadd.s32 $0xFFFFC000  }
.LBB2_10:
0x1f: {  	s25 =	sshll.u32 s1, $0x6  }
0x20: {  	[bflag:$0x0] =	sbarrier.arrive $0xFFFF;
	s26 =	sshrl.u32 s5, $0x3;
	s25 =	sor.u32 $0x1C02, s25  }
0x21: {  	[hbm:s14], [sflag:s25] =	dma.local [spmem:s26], $0x800  }
0x22: {  	_ =	swait.ge [sflag:s21], $0x800  }
0x23: {  	[sflag:s21] =	ssyncset.done $0x0  }
0x24: {  	s28 =	sshrl.u32 s6, $0x3;
	[sflag:s21] =	ssyncadd.s32 $0xFFFFF800  }
0x25: {  	[hbm:s15], [sflag:s25] =	dma.local [spmem:s28], $0x800  }
0x26: {  	_ =	swait.ge [sflag:s21], $0x800  }
0x27: {  	[sflag:s21] =	ssyncset.done $0x0  }
0x28: {  	s29 =	sshrl.u32 s7, $0x3;
	[sflag:s21] =	ssyncadd.s32 $0xFFFFF800  }
0x29: {  	[hbm:s16], [sflag:s25] =	dma.local [spmem:s29], $0x800  }
0x2a: {  	_ =	swait.ge [sflag:s21], $0x800  }
0x2b: {  	[sflag:s21] =	ssyncset.done $0x0  }
0x2c: {  	s30 =	sshrl.u32 s8, $0x3;
	[sflag:s21] =	ssyncadd.s32 $0xFFFFF800  }
0x2d: {  	[hbm:s17], [sflag:s25] =	dma.local [spmem:s30], $0x800  }
0x2e: {  	s3 =	sadd.s32 $0x1, s3;
	_ =	swait.ge [sflag:s21], $0x800  }
0x2f: {  	p1 =	sne.s32 s3, s19;
	[sflag:s21] =	ssyncset.done $0x0  }
.Ltmp1:
0x30: {  	s31 =	sshrl.u32 s9, $0x3;
	[sflag:s21] =	ssyncadd.s32 $0xFFFFF800;
	(pc) =	sbr.rel @!p1 .LBB2_11-.Ltmp1, $4  }
0x31: {  	[hbm:s18], [sflag:s25] =	dma.local [spmem:s31], $0x800  }
0x32: {  	_ =	swait.ge [sflag:s21], $0x800  }
0x33: {  	[sflag:s21] =	ssyncset.done $0x0  }
0x34: {  	[sflag:s21] =	ssyncadd.s32 $0xFFFFF800  }
.LBB2_1:
0x35: {  	s25 =	simm.s32 $0x0;
	s26 =	simm.s32 $0x200  }
.LBB2_2:
0x36: {  	p1 =	sne.s32 s26, $0xFE00;
	[tilespmem:s25+$0x6070] =	vst v0  }
0x37: {  	[tilespmem:s25+$0x6000] =	vst v0  }
0x38: {  	[tilespmem:s25+$0x6010] =	vst v0  }
.Ltmp2:
0x39: {  	[tilespmem:s25+$0x6020] =	vst v0;
	(pc) =	sbr.rel @p1 .LBB2_2-.Ltmp2, $4  }
0x3a: {  	[tilespmem:s25+$0x6030] =	vst v0  }
0x3b: {  	[tilespmem:s25+$0x6040] =	vst v0  }
0x3c: {  	[tilespmem:s25+$0x6050] =	vst v0  }
0x3d: {  	[tilespmem:s25+$0x6060] =	vst v0;
	s25 =	sshra.s32 s26, $0x2;
	s26 =	sadd.s32 $0x200, s26  }
0x3e: {  	[tilespmem:s25+$0x6070] =	vst v0  }
0x3f: {  	[tilespmem:s25+$0x6000] =	vst v0  }
0x40: {  	[tilespmem:s25+$0x6010] =	vst v0  }
0x41: {  	[tilespmem:s25+$0x6020] =	vst v0  }
0x42: {  	[tilespmem:s25+$0x6030] =	vst v0  }
0x43: {  	[tilespmem:s25+$0x6040] =	vst v0  }
0x44: {  	[tilespmem:s25+$0x6050] =	vst v0  }
0x45: {  	[tilespmem:s25+$0x6060] =	vst v0  }
0x46: {  	[spmem:s5] =	stream.linear.scatter [tilespmem:s20], [sflag:$0x2], $0x4000, $0x38;
	[tilespmem:$0x1E000] =	vst v63  }
0x47: {  	_ =	swait.ge [sflag:s21], $0x4000  }
0x48: {  	[sflag:s21] =	ssyncset.done $0x0  }
0x49: {  	[sflag:s21] =	ssyncadd.s32 $0xFFFFC000  }
0x4a: {  	[spmem:s6] =	stream.linear.scatter [tilespmem:s20], [sflag:$0x2], $0x4000, $0x38;
	[tilespmem:$0x1E000] =	vst v63  }
0x4b: {  	_ =	swait.ge [sflag:s21], $0x4000  }
0x4c: {  	[sflag:s21] =	ssyncset.done $0x0  }
0x4d: {  	[sflag:s21] =	ssyncadd.s32 $0xFFFFC000  }
0x4e: {  	[spmem:s7] =	stream.linear.scatter [tilespmem:s20], [sflag:$0x2], $0x4000, $0x38;
	[tilespmem:$0x1E000] =	vst v63  }
0x4f: {  	_ =	swait.ge [sflag:s21], $0x4000  }
0x50: {  	[sflag:s21] =	ssyncset.done $0x0  }
0x51: {  	[sflag:s21] =	ssyncadd.s32 $0xFFFFC000  }
0x52: {  	[spmem:s8] =	stream.linear.scatter [tilespmem:s20], [sflag:$0x2], $0x4000, $0x38;
	[tilespmem:$0x1E000] =	vst v63  }
0x53: {  	_ =	swait.ge [sflag:s21], $0x4000  }
0x54: {  	[sflag:s21] =	ssyncset.done $0x0  }
0x55: {  	[sflag:s21] =	ssyncadd.s32 $0xFFFFC000  }
0x56: {  	[spmem:s9] =	stream.linear.scatter [tilespmem:s20], [sflag:$0x2], $0x4000, $0x38;
	[tilespmem:$0x1E000] =	vst v63  }
.Ltmp3:
0x57: {  	_ =	swait.ge [sflag:s21], $0x4000;
	(pc) =	sbr.rel @!p0 .LBB2_4-.Ltmp3, $4  }
0x58: {  	[sflag:s21] =	ssyncset.done $0x0  }
0x59: {  	[sflag:s21] =	ssyncadd.s32 $0xFFFFC000  }
0x5a: {  	[bflag:$0x0] =	sbarrier.arrive $0xFFFF  }
0x5b: {  	s25 =	simm.s32 $0x0  }
0x5c: {  	[tilespmem:s25], [sflag:$0x2] =	stream.linear.gather [hbm4b:s12+s25], $0x2100, $0x38;
	[tilespmem:$0x1E000] =	vst v63  }
0x5d: {  	_ =	swait.ge [sflag:s21], $0x2100  }
0x5e: {  	[sflag:s21] =	ssyncset.done $0x0  }
0x5f: {  	[sflag:s21] =	ssyncadd.s32 $0xFFFFDF00  }
0x60: {  	[tilespmem:s22], [sflag:$0x2] =	stream.linear.gather [hbm4b:s13+s25], $0x2100, $0x38;
	[tilespmem:$0x1E000] =	vst v63  }
0x61: {  	_ =	swait.ge [sflag:s21], $0x2100  }
0x62: {  	[sflag:s21] =	ssyncset.done $0x0  }
0x63: {  	s30 =	simm.s32 $0x0;
	[sflag:s21] =	ssyncadd.s32 $0xFFFFDF00  }
0x64: {  	[tilespmem:s20], [sflag:$0x1] =	stream.indirect.gather [hbm4b:s4+s23], $0x80, s30, s23, $0xb8;
	[tilespmem:$0x1E000] =	vst v63  }
0x65: {  	_ =	swait.ge [sflag:s24], $0x4000  }
0x66: {  	[sflag:s24] =	ssyncset.done $0x0  }
0x67: {  	s31 =	simm.s32 $0x3000;
	[sflag:s24] =	ssyncadd.s32 $0xFFFFC000  }
0x68: {  	[spmem:s2] =	stream.indirect.scatter.add.f32 [tilespmem:s20], [sflag:$0x2], $0x80, s31, s23, $0xb8;
	[tilespmem:$0x1E000] =	vst v63  }
0x69: {  	_ =	swait.ge [sflag:s21], $0x4000  }
0x6a: {  	s26 =	simm.s32 $0x400;
	s25 =	simm.s32 $0x200;
	[sflag:s21] =	ssyncset.done $0x0  }
.LBB2_8:
0x6b: {  	s28 =	sshra.s32 s25, $0x2  }
0x6c: {  	[sflag:s21] =	ssyncadd.s32 $0xFFFFC000;
	s25 =	smov.u32 s26;
	s29 =	sadd.s32 $0x200, s26  }
0x6d: {  	[tilespmem:s20], [sflag:$0x1] =	stream.indirect.gather [hbm4b:s4+s23], $0x80, s28, s23, $0xb8;
	[tilespmem:$0x1E000] =	vst v63  }
0x6e: {  	p1 =	sne.s32 s26, $0x8200;
	_ =	swait.ge [sflag:s24], $0x4000  }
.Ltmp4:
0x6f: {  	[sflag:s24] =	ssyncset.done $0x0;
	(pc) =	sbr.rel @p1 .LBB2_8-.Ltmp4, $4  }
0x70: {  	s26 =	sadd.s32 $0x3000, s28;
	[sflag:s24] =	ssyncadd.s32 $0xFFFFC000  }
0x71: {  	[spmem:s2] =	stream.indirect.scatter.add.f32 [tilespmem:s20], [sflag:$0x2], $0x80, s26, s23, $0xb8;
	[tilespmem:$0x1E000] =	vst v63  }
0x72: {  	_ =	swait.ge [sflag:s21], $0x4000  }
0x73: {  	s26 =	smov.u32 s29;
	[sflag:s21] =	ssyncset.done $0x0  }
0x74: {  	s25 =	sshra.s32 s25, $0x2;
	[sflag:s21] =	ssyncadd.s32 $0xFFFFC000  }
0x75: {  	[tilespmem:s20], [sflag:$0x1] =	stream.indirect.gather [hbm4b:s4+s23], $0x80, s25, s23, $0xb8;
	[tilespmem:$0x1E000] =	vst v63  }
0x76: {  	_ =	swait.ge [sflag:s24], $0x4000  }
0x77: {  	[sflag:s24] =	ssyncset.done $0x0  }
.Ltmp5:
0x78: {  	s25 =	sadd.s32 $0x3000, s25;
	[sflag:s24] =	ssyncadd.s32 $0xFFFFC000;
	(pc) =	sbr.rel .LBB2_10-.Ltmp5, $4  }
0x79: {  	[spmem:s2] =	stream.indirect.scatter.add.f32 [tilespmem:s20], [sflag:$0x2], $0x80, s25, s23, $0xb8;
	[tilespmem:$0x1E000] =	vst v63  }
0x7a: {  	_ =	swait.ge [sflag:s21], $0x4000  }
0x7b: {  	[sflag:s21] =	ssyncset.done $0x0  }
0x7c: {  	[sflag:s21] =	ssyncadd.s32 $0xFFFFC000  }
.LBB2_4:
0x7d: {  	[tilespmem:s25], [sflag:$0x2] =	stream.linear.gather [hbm4b:s10+s25], $0x2D80, $0x38;
	[tilespmem:$0x1E000] =	vst v63  }
0x7e: {  	_ =	swait.ge [sflag:s21], $0x2D80  }
0x7f: {  	[sflag:s21] =	ssyncset.done $0x0  }
0x80: {  	[sflag:s21] =	ssyncadd.s32 $0xFFFFD280  }
0x81: {  	[tilespmem:s22], [sflag:$0x2] =	stream.linear.gather [hbm4b:s11+s25], $0x2D80, $0x38;
	[tilespmem:$0x1E000] =	vst v63  }
0x82: {  	_ =	swait.ge [sflag:s21], $0x2D80  }
0x83: {  	[sflag:s21] =	ssyncset.done $0x0  }
0x84: {  	s30 =	simm.s32 $0x0;
	[sflag:s21] =	ssyncadd.s32 $0xFFFFD280  }
0x85: {  	[tilespmem:s20], [sflag:$0x1] =	stream.indirect.gather [hbm4b:s4+s23], $0x80, s30, s23, $0xb8;
	[tilespmem:$0x1E000] =	vst v63  }
0x86: {  	_ =	swait.ge [sflag:s24], $0x4000  }
0x87: {  	[sflag:s24] =	ssyncset.done $0x0  }
0x88: {  	s31 =	simm.s32 $0x3000;
	[sflag:s24] =	ssyncadd.s32 $0xFFFFC000  }
0x89: {  	[spmem:s2] =	stream.indirect.scatter.add.f32 [tilespmem:s20], [sflag:$0x2], $0x80, s31, s23, $0xb8;
	[tilespmem:$0x1E000] =	vst v63  }
0x8a: {  	_ =	swait.ge [sflag:s21], $0x4000  }
0x8b: {  	s26 =	simm.s32 $0x400;
	s25 =	simm.s32 $0x200;
	[sflag:s21] =	ssyncset.done $0x0  }
.LBB2_5:
0x8c: {  	s28 =	sshra.s32 s25, $0x2  }
0x8d: {  	[sflag:s21] =	ssyncadd.s32 $0xFFFFC000;
	s25 =	smov.u32 s26;
	s29 =	sadd.s32 $0x200, s26  }
0x8e: {  	[tilespmem:s20], [sflag:$0x1] =	stream.indirect.gather [hbm4b:s4+s23], $0x80, s28, s23, $0xb8;
	[tilespmem:$0x1E000] =	vst v63  }
0x8f: {  	p1 =	seq.s32 s26, $0xB400;
	_ =	swait.ge [sflag:s24], $0x4000  }
.Ltmp6:
0x90: {  	[sflag:s24] =	ssyncset.done $0x0;
	(pc) =	sbr.rel @!p1 .LBB2_5-.Ltmp6, $4  }
0x91: {  	s26 =	sadd.s32 $0x3000, s28;
	[sflag:s24] =	ssyncadd.s32 $0xFFFFC000  }
0x92: {  	[spmem:s2] =	stream.indirect.scatter.add.f32 [tilespmem:s20], [sflag:$0x2], $0x80, s26, s23, $0xb8;
	[tilespmem:$0x1E000] =	vst v63  }
0x93: {  	_ =	swait.ge [sflag:s21], $0x4000  }
0x94: {  	s26 =	smov.u32 s29;
	[sflag:s21] =	ssyncset.done $0x0  }
.Ltmp7:
0x95: {  	_ = 	snop;
	(pc) =	sbr.rel .LBB2_6-.Ltmp7, $1  }
0x96: {  	_ =	sdelay $0x3  }
.LBB2_11:
0x97: {  	_ =	sfence.sel $0x180000  }
0x98: {  	[bflag:$0x0] =	sbarrier.arrive $0xFFFF  }
0x99: {  	p0 =	sne.s32 s1, $0x0;
	_ =	strace $0x9000004A  }
0x9a: {  	s0 =	sadd.s32 @!p0 $0x100000, s0;
	[bflag:$0x2] =	sbarrier.arrive $0xFFFF  }
0x9b: {  	[sflag:s0] =	ssyncadd.tile.s32 @!p0 $0x1;
	_ =	shalt  }
.Lfunc_end2:
_tile_overlayer_lowered:
.L_overlay_start_2:
0x9c: {  	(tag) =	ssettag $0x2  }
0x9d: {  	s0 =	rddreg [dreg:$0x0];
	s2 =	stileid.u32  }
0x9e: {  	s1 =	rddreg [dreg:$0x1];
	p0 =	sne.s32 s2, $0x0  }
0x9f: {  	s3 =	rddreg [dreg:$0x2];
	[bflag:$0x3] =	sbarrier.arrive $0xFFFF;
	s2 =	simm.s32 @!p0 $0x1C02  }
0xa0: {  	[timem:s3], [sflag:s2] =	dma.local @!p0 [hbm:s0], s1  }
0xa1: {  	s0 =	simm.s32 @!p0 $0x2  }
0xa2: {  	_ =	swait.ge @!p0 [sflag:s0], s1  }
0xa3: {  	s1 =	ssub.s32 @!p0 $0x0, s1;
	[sflag:s0] =	ssyncset.done @!p0 $0x0  }
0xa4: {  	[sflag:s0] =	ssyncadd.s32 @!p0 s1  }
0xa5: {  	[bflag:$0x3] =	sbarrier.arrive $0xFFFF  }
0xa6: {  	_ =	shalt  }

// kernel: kernel.17.cloned.1.call-start
scs
__scs_entry_jumppad:
0x0: {  	(pc) =	sbr.rel $0x88, $3  }
0x1: {  	(tag) =	ssettag $0x0;
	lr =	simm.s32 $0x1  }
0x2: {  	[smem:$0x3F97] =	sst lr;
	_ =	strace $0xD0000000  }
0x3: {  	_ = 	snop  }
0x4: {  	_ = 	snop  }
0x5: {  	_ = 	snop  }
0x6: {  	_ = 	snop  }
0x7: {  	_ = 	snop  }
__scs_overlays_trampoline_lowered:
0x8: {  	[smem:$0x3FA6] =	sst s0  }
0x9: {  	[smem:$0x3FA7] =	sst s1  }
0xa: {  	[smem:$0x3FA8] =	sst s2  }
0xb: {  	[smem:$0x3FA9] =	sst s3  }
0xc: {  	[smem:$0x3FAA] =	sst s4  }
0xd: {  	[smem:$0x3FAB] =	sst s5  }
0xe: {  	[smem:$0x3FAC] =	sst s6  }
0xf: {  	[smem:$0x3FAD] =	sst s7  }
0x10: {  	[smem:$0x3FAE] =	sst s8  }
0x11: {  	[smem:$0x3FAF] =	sst s9;
	s0 =	simm.s32 @!p0 $0x0  }
0x12: {  	s1 =	sld [smem:$0x3F95];
	s0 =	simm.s32 @p0 $0x1  }
0x13: {  	[smem:$0x3FB0] =	sst s0;
	s0 =	simm.s32 @!p1 $0x0  }
0x14: {  	s2 =	sld [smem:$0x3F94];
	s0 =	simm.s32 @p1 $0x1  }
0x15: {  	[smem:$0x3FB1] =	sst s0;
	s0 =	simm.s32 @!p2 $0x0  }
0x16: {  	s3 =	sld [smem:$0x3FDB];
	s0 =	simm.s32 @p2 $0x1  }
0x17: {  	s4 =	simm.s32 $0x1BF5;
	[smem:$0x3FB3] =	sst s0  }
0x18: {  	s0 =	sld [smem:$0x3F96];
	_ =	swait.ge [sflag:s4], $0x0  }
0x19: {  	s7 =	sld [smem:$0x3F97]  }
0x1a: {  	s8 =	sadd.s32 $0xFFFFE003, lr  }
0x1b: {  	s9 =	sadd.s32 $0xFFFFFEF7, lr;
	s5 =	simm.s32 $0xFFFFFFFF;
	p2 =	slt.u32 s8, $0xFFFFF086  }
0x1c: {  	p1 =	slt.u32 s9, $0xF7A;
	s5 =	simm.s32 @!p2 $0x0  }
0x1d: {  	s5 =	simm.s32 @p1 $0x1;
	p0 =	seq.s32 s7, s2  }
0x1e: {  	s7 =	smul.u32 @!p0 $0xF7A, s2;
	p2 =	seq.s32 @!p0 s5, $0x0  }
0x1f: {  	s9 =	smul.u32 $0xF7A, s1;
	s8 =	simm.s32 @!p0 $0x1BF5;
	p2 =	por !p2, p0  }
0x20: {  	[sflag:s8] =	ssyncset.s32 @!p0 $0xFFFFF086;
	s6 =	sadd.s32 @!p0 s3, s7;
	s7 =	simm.s32 @!p0 $0x108  }
0x21: {  	s3 =	sadd.s32 s3, s9;
	s6 =	sadd.s32 @!p0 $0x88, s6;
	s7 =	simm.s32 @p2 $0x1082  }
0x22: {  	[simem:s7], [sflag:s8] =	dma.local @!p0 [hbm:s6], $0xF7A  }
0x23: {  	s9 =	sor.u32 $0xD0000000, s2;
	s6 =	simm.s32 $0x108;
	_ =	swait.ge @!p0 [sflag:s8], $0x0  }
0x24: {  	s3 =	sadd.s32 $0x88, s3;
	s6 =	simm.s32 @!p1 $0x1082;
	[sflag:s4] =	ssyncset.s32 $0xFFFFF086  }
0x25: {  	[simem:s6], [sflag:s4] =	dma.local [hbm:s3], $0xF7A  }
0x26: {  	[smem:$0x3F97] =	sst s1;
	(tag) =	ssettag s2;
	_ =	strace s9  }
0x27: {  	s1 =	sld [smem:$0x3FA7]  }
0x28: {  	s2 =	sld [smem:$0x3FA8]  }
0x29: {  	s4 =	sld [smem:$0x3FAA]  }
0x2a: {  	p0 =	seq.s32 s5, $0x0;
	s5 =	sld [smem:$0x3FAB]  }
0x2b: {  	s6 =	sld [smem:$0x3FAC]  }
0x2c: {  	s7 =	sld [smem:$0x3FAD]  }
0x2d: {  	s3 =	simm.s32 $0x108;
	s8 =	sld [smem:$0x3FAE]  }
0x2e: {  	s3 =	simm.s32 @!p0 $0x1082;
	s9 =	sld [smem:$0x3FAF]  }
0x2f: {  	lr =	sadd.s32 s0, s3;
	s0 =	sld [smem:$0x3FA6]  }
0x30: {  	s3 =	sld [smem:$0x3FA9]  }
0x31: {  	[smem:$0x3FB2] =	sst s10  }
0x32: {  	s10 =	sld [smem:$0x3FB0];
	_ =	sdelay $0x3  }
0x33: {  	p0 =	seq.s32 s10, $0x1;
	s10 =	sld [smem:$0x3FB2];
	_ =	sdelay $0x3  }
0x34: {  	[smem:$0x3FB2] =	sst s10  }
0x35: {  	s10 =	sld [smem:$0x3FB1];
	_ =	sdelay $0x3  }
0x36: {  	p1 =	seq.s32 s10, $0x1;
	s10 =	sld [smem:$0x3FB2];
	_ =	sdelay $0x3  }
0x37: {  	[smem:$0x3FB2] =	sst s10  }
0x38: {  	s10 =	sld [smem:$0x3FB3]  }
0x39: {  	_ = 	snop;
	(pc) =	sbr.ind lr, $3  }
0x3a: {  	_ = 	snop  }
0x3b: {  	_ = 	snop  }
0x3c: {  	p2 =	seq.s32 s10, $0x1;
	s10 =	sld [smem:$0x3FB2]  }
0x3d: {  	_ =	shalt  }
0x3e: {  	_ =	shalt  }
0x3f: {  	_ =	shalt  }
0x40: {  	_ =	shalt  }
0x41: {  	_ =	shalt  }
0x42: {  	_ =	shalt  }
0x43: {  	_ =	shalt  }
0x44: {  	_ =	shalt  }
0x45: {  	_ =	shalt  }
0x46: {  	_ =	shalt  }
0x47: {  	_ =	shalt  }
0x48: {  	_ =	shalt  }
0x49: {  	_ =	shalt  }
0x4a: {  	_ =	shalt  }
0x4b: {  	_ =	shalt  }
0x4c: {  	_ =	shalt  }
0x4d: {  	_ =	shalt  }
0x4e: {  	_ =	shalt  }
0x4f: {  	_ =	shalt  }
0x50: {  	_ =	shalt  }
0x51: {  	_ =	shalt  }
0x52: {  	_ =	shalt  }
0x53: {  	_ =	shalt  }
0x54: {  	_ =	shalt  }
0x55: {  	_ =	shalt  }
0x56: {  	_ =	shalt  }
0x57: {  	_ =	shalt  }
0x58: {  	_ =	shalt  }
0x59: {  	_ =	shalt  }
0x5a: {  	_ =	shalt  }
0x5b: {  	_ =	shalt  }
0x5c: {  	_ =	shalt  }
0x5d: {  	_ =	shalt  }
0x5e: {  	_ =	shalt  }
0x5f: {  	_ =	shalt  }
0x60: {  	_ =	shalt  }
0x61: {  	_ =	shalt  }
0x62: {  	_ =	shalt  }
0x63: {  	_ =	shalt  }
0x64: {  	_ =	shalt  }
0x65: {  	_ =	shalt  }
0x66: {  	_ =	shalt  }
0x67: {  	_ =	shalt  }
0x68: {  	_ =	shalt  }
0x69: {  	_ =	shalt  }
0x6a: {  	_ =	shalt  }
0x6b: {  	_ =	shalt  }
0x6c: {  	_ =	shalt  }
0x6d: {  	_ =	shalt  }
0x6e: {  	_ =	shalt  }
0x6f: {  	_ =	shalt  }
0x70: {  	_ =	shalt  }
0x71: {  	_ =	shalt  }
0x72: {  	_ =	shalt  }
0x73: {  	_ =	shalt  }
0x74: {  	_ =	shalt  }
0x75: {  	_ =	shalt  }
0x76: {  	_ =	shalt  }
0x77: {  	_ =	shalt  }
0x78: {  	_ =	shalt  }
0x79: {  	_ =	shalt  }
0x7a: {  	_ =	shalt  }
0x7b: {  	_ =	shalt  }
0x7c: {  	_ =	shalt  }
0x7d: {  	_ =	shalt  }
0x7e: {  	_ =	shalt  }
0x7f: {  	_ =	shalt  }
0x80: {  	_ =	shalt  }
0x81: {  	_ =	shalt  }
0x82: {  	_ =	shalt  }
0x83: {  	_ =	shalt  }
0x84: {  	_ =	shalt  }
0x85: {  	_ =	shalt  }
0x86: {  	_ =	shalt  }
0x87: {  	_ =	shalt  }
.Lfunc_end0:
.L_simem_size_0:
called_computation.2_lowered:
.L_overlay_start_0:
0x88: {  	s2 =	sld [smem:$0x3FD9]  }
0x89: {  	s3 =	sld [smem:$0x3FFE];
	_ =	sdelay $0x1  }
0x8a: {  	s1 =	srdreg.scid  }
0x8b: {  	s0 =	sand.u32 $0x1, s1  }
0x8c: {  	s16 =	sshll.u32 s0, $0xA;
	s2 =	sadd.s32 s3, s2  }
0x8d: {  	s2 =	sadd.s32 s2, s16  }
0x8e: {  	[smem:$0x3FBE] =	sst s2  }
0x8f: {  	_ = 	snop  }
0x90: {  	(tm) =	ssettm $0x1  }
0x91: {  	s17 =	sld [smem:$0x3FFB];
	_ =	sdelay $0x3  }
0x92: {  	_ =	strace s17  }
0x93: {  	s2 =	sld [smem:$0x3FFC];
	_ =	sdelay $0x3  }
0x94: {  	_ =	strace s2  }
0x95: {  	s2 =	sld [smem:$0x3FFD];
	_ =	sdelay $0x3  }
0x96: {  	_ =	strace s2  }
0x97: {  	_ =	strace $0x8FFFFFFF  }
0x98: {  	s18 =	sld [smem:$0x3FDB];
	_ =	sdelay $0x1  }
0x99: {  	s19 =	simm.s32 $_scs_section_size  }
0x9a: {  	s4 =	simm.s32 $_size__tile_overlayer_lowered;
	s5 =	simm.s32 $_tile_overlayer_lowered  }
0x9b: {  	s22 =	simm.s32 $0x1BFF;
	s21 =	sshll.u32 s5, $0x1;
	s2 =	sadd.s32 s19, s18  }
0x9c: {  	s6 =	simm.s32 $0x0;
	s20 =	sshll.u32 s4, $0x1;
	s4 =	sadd.s32 s21, s2  }
0x9d: {  	[timem:s6], [sflag:s22] =	dma.local [hbm:s4], s20  }
0x9e: {  	_ =	swait.ge [sflag:s22], s20  }
0x9f: {  	s3 =	ssub.s32 $0x0, s20;
	[sflag:s22] =	ssyncset.done $0x0  }
0xa0: {  	[sflag:s22] =	ssyncadd.s32 s3;
	_ =	sdelay $0x1  }
0xa1: {  	s23 =	simm.s32 $0x1B8B  }
0xa2: {  	_ =	swait.ge [sflag:s23], $0x1  }
0xa3: {  	[sflag:s23] =	ssyncset.done $0x0  }
0xa4: {  	s25 =	simm.s32 $0x1B8E;
	s24 =	sld [smem:$0x3FFE];
	[sflag:s23] =	ssyncadd.s32 $0xFFFFFFFF  }
0xa5: {  	s26 =	simm.s32 $execute0_lowered;
	[smem:$0x3FD2] =	sst s25  }
0xa6: {  	s4 =	sshll.u32 s26, $0x1;
	_ =	strace $0x8000004C;
	[dreg:$0x1] =	wrdreg $0xFFFFFFFF  }
0xa7: {  	s28 =	simm.s32 $_size_execute0_lowered;
	s2 =	sadd.s32 s2, s4;
	[dreg:$0x0] =	wrdreg $0x0  }
0xa8: {  	s4 =	sshll.u32 s28, $0x1;
	[dreg:$0x2] =	wrdreg s2  }
0xa9: {  	[dreg:$0x3] =	wrdreg s4  }
0xaa: {  	[dreg:$0x4] =	wrdreg $0xC0  }
0xab: {  	_ =	task [dreg:s6], $0x5FFFF  }
0xac: {  	[dreg:$0x1] =	wrdreg $0xFFFFFFFF  }
0xad: {  	[dreg:$0x0] =	wrdreg $0x60  }
0xae: {  	[dreg:$0x2] =	wrdreg s24  }
0xaf: {  	[dreg:$0x3] =	wrdreg $0xA0000  }
0xb0: {  	[dreg:$0x4] =	wrdreg $0x9  }
0xb1: {  	_ =	task.clear_ibuf [dreg:s6], $0x5FFFF;
	_ =	strace $0x9000004C  }
0xb2: {  	s29 =	simm.s32 $0x9;
	_ =	strace $0x8000004E  }
0xb3: {  	_ =	swait.ge [sflag:s29], $0x1  }
0xb4: {  	[sflag:s29] =	ssyncadd.s32 $0xFFFFFFFF  }
0xb5: {  	_ =	strace $0x9000004E  }
0xb6: {  	_ =	sfence  }
0xb7: {  	s30 =	sld [smem:$0x0];
	_ =	sdelay $0x2  }
0xb8: {  	s31 =	sshll.u32 s1, $0xD;
	s1 =	sshrl.u32 s1, $0x2  }
0xb9: {  	s3 =	sand.u32 $0x4000, s31;
	s1 =	sadd.s32 s1, s30  }
0xba: {  	s0 =	sor.u32 s3, s0;
	s1 =	sshll.u32 s1, $0x11  }
0xbb: {  	s0 =	sor.u32 s1, s0  }
0xbc: {  	s0 =	sadd.s32 $0x8F2B, s0  }
0xbd: {  	[sflag:s0] =	ssyncadd.remote.s32 $0x1  }
0xbe: {  	_ =	sfence.sel $0xFFFF  }
0xbf: {  	[dreg:$0x0] =	wrdreg $0xFFFFFFFF;
	(pc) =	sbr.abs _section_cstart, $3  }
0xc0: {  	[dreg:$0x1] =	wrdreg $0xFFFFFFFF  }
0xc1: {  	_ =	task.clear_ibuf [dreg:s6], $0x2FFFF;
	_ =	strace $0x9FFFFFFF  }
0xc2: {  	(tm) =	ssettm $0x7FFFFFFF  }
0xc3: {  	_ =	shalt  }
tec
execute0_lowered:
.L_overlay_start_1:
0x0: {  	(tag) =	ssettag $0x1  }
0x1: {  	s5 =	rddreg [dreg:$0x0]  }
0x2: {  	s2 =	rddreg [dreg:$0x1]  }
0x3: {  	s0 =	rddreg [dreg:$0x2];
	s1 =	stileid.u32  }
0x4: {  	s3 =	simm.s32 $0x0;
	s7 =	srdreg.scid;
	s4 =	smul.u32 $0x600, s1  }
0x5: {  	s23 =	simm.s32 $0x80;
	s24 =	simm.s32 $0x1;
	s6 =	smul.u32 $0x480, s1  }
0x6: {  	[smem:$0x7FF] =	sst s3;
	s10 =	sand.u32 $0x1, s7;
	s30 =	smul.u32 $0x50000, s1  }
0x7: {  	s12 =	smul.u32 $0x14000, s1;
	s18 =	sadd.s32 $0x67000, s5;
	_ =	strace $0x8000004D  }
0x8: {  	s29 =	ssub.s32 $0x2, s10;
	s21 =	smul.u32 $0x140000, s10;
	p0 =	seq.s32 s10, $0x1  }
0x9: {  	s11 =	sadd.s32 s4, s5;
	s13 =	sadd.s32 s6, s5;
	s4 =	sadd.s32 $0x2000, s5  }
0xa: {  	s8 =	sshrl.u32 s29, $0x1;
	s31 =	sshrl.u32 s30, $0x2;
	s14 =	sadd.s32 $0x4000, s12  }
0xb: {  	s16 =	sadd.s32 $0x8000, s12;
	s17 =	sadd.s32 $0xC000, s12;
	s20 =	sadd.s32 $0x10000, s12  }
0xc: {  	s19 =	ssub.s32 s29, s8;
	s5 =	sadd.s32 s31, s2;
	s6 =	sadd.s32 s14, s2  }
0xd: {  	s7 =	sadd.s32 s16, s2;
	s8 =	sadd.s32 s17, s2;
	s9 =	sadd.s32 s20, s2  }
0xe: {  	s10 =	sadd.s32 $0x5B000, s11;
	s11 =	sadd.s32 $0x61000, s11;
	s15 =	sadd.s32 s12, s21  }
0xf: {  	s14 =	sadd.s32 s21, s14;
	s12 =	sadd.s32 $0x56800, s13;
	s13 =	sadd.s32 $0x52000, s13  }
0x10: {  	s16 =	sadd.s32 s21, s16;
	s17 =	sadd.s32 s21, s17;
	s20 =	sadd.s32 s21, s20  }
.Ltmp0:
0x11: {  	s21 =	simm.s32 $0x2;
	s15 =	sshrl.u32 s15, $0x3;
	(pc) =	sbr.rel .LBB2_1-.Ltmp0, $4  }
0x12: {  	s22 =	sshrl.u32 s14, $0x3;
	s16 =	sshrl.u32 s16, $0x3;
	s17 =	sshrl.u32 s17, $0x3  }
0x13: {  	s20 =	sshrl.u32 s20, $0x3;
	s19 =	smax.u32 s19, $0x1;
	s14 =	sadd.s32 s18, s15  }
0x14: {  	s15 =	sadd.s32 s18, s22;
	s16 =	sadd.s32 s18, s16;
	s17 =	sadd.s32 s18, s17  }
0x15: {  	v0 =	vimm.f32 $0.0e+00;
	s18 =	sadd.s32 s18, s20;
	s20 =	simm.s32 $0x6000;
	s22 =	simm.s32 $0x3000  }
.LBB2_6:
0x16: {  	s25 =	sshra.s32 s25, $0x2;
	[sflag:s21] =	ssyncadd.s32 $0xFFFFC000  }
0x17: {  	[tilespmem:s20], [sflag:$0x1] =	stream.indirect.gather [hbm4b:s4+s23], $0x80, s25, s23, $0xb8;
	[tilespmem:$0x1E000] =	vst v63  }
0x18: {  	_ =	swait.ge [sflag:s24], $0x4000  }
0x19: {  	[sflag:s24] =	ssyncset.done $0x0  }
0x1a: {  	s25 =	sadd.s32 $0x3000, s25;
	[sflag:s24] =	ssyncadd.s32 $0xFFFFC000  }
0x1b: {  	[spmem:s2] =	stream.indirect.scatter.add.f32 [tilespmem:s20], [sflag:$0x2], $0x80, s25, s23, $0xb8;
	[tilespmem:$0x1E000] =	vst v63  }
0x1c: {  	_ =	swait.ge [sflag:s21], $0x4000  }
0x1d: {  	[sflag:s21] =	ssyncset.done $0x0  }
0x1e: {  	[sflag:s21] =	ssyncadd.s32 $0xFFFFC000  }
.LBB2_10:
0x1f: {  	s25 =	sshll.u32 s1, $0x6  }
0x20: {  	[bflag:$0x0] =	sbarrier.arrive $0xFFFF;
	s26 =	sshrl.u32 s5, $0x3;
	s25 =	sor.u32 $0x1C02, s25  }
0x21: {  	[hbm:s14], [sflag:s25] =	dma.local [spmem:s26], $0x800  }
0x22: {  	_ =	swait.ge [sflag:s21], $0x800  }
0x23: {  	[sflag:s21] =	ssyncset.done $0x0  }
0x24: {  	s28 =	sshrl.u32 s6, $0x3;
	[sflag:s21] =	ssyncadd.s32 $0xFFFFF800  }
0x25: {  	[hbm:s15], [sflag:s25] =	dma.local [spmem:s28], $0x800  }
0x26: {  	_ =	swait.ge [sflag:s21], $0x800  }
0x27: {  	[sflag:s21] =	ssyncset.done $0x0  }
0x28: {  	s29 =	sshrl.u32 s7, $0x3;
	[sflag:s21] =	ssyncadd.s32 $0xFFFFF800  }
0x29: {  	[hbm:s16], [sflag:s25] =	dma.local [spmem:s29], $0x800  }
0x2a: {  	_ =	swait.ge [sflag:s21], $0x800  }
0x2b: {  	[sflag:s21] =	ssyncset.done $0x0  }
0x2c: {  	s30 =	sshrl.u32 s8, $0x3;
	[sflag:s21] =	ssyncadd.s32 $0xFFFFF800  }
0x2d: {  	[hbm:s17], [sflag:s25] =	dma.local [spmem:s30], $0x800  }
0x2e: {  	s3 =	sadd.s32 $0x1, s3;
	_ =	swait.ge [sflag:s21], $0x800  }
0x2f: {  	p1 =	sne.s32 s3, s19;
	[sflag:s21] =	ssyncset.done $0x0  }
.Ltmp1:
0x30: {  	s31 =	sshrl.u32 s9, $0x3;
	[sflag:s21] =	ssyncadd.s32 $0xFFFFF800;
	(pc) =	sbr.rel @!p1 .LBB2_11-.Ltmp1, $4  }
0x31: {  	[hbm:s18], [sflag:s25] =	dma.local [spmem:s31], $0x800  }
0x32: {  	_ =	swait.ge [sflag:s21], $0x800  }
0x33: {  	[sflag:s21] =	ssyncset.done $0x0  }
0x34: {  	[sflag:s21] =	ssyncadd.s32 $0xFFFFF800  }
.LBB2_1:
0x35: {  	s25 =	simm.s32 $0x0;
	s26 =	simm.s32 $0x200  }
.LBB2_2:
0x36: {  	p1 =	sne.s32 s26, $0xFE00;
	[tilespmem:s25+$0x6070] =	vst v0  }
0x37: {  	[tilespmem:s25+$0x6000] =	vst v0  }
0x38: {  	[tilespmem:s25+$0x6010] =	vst v0  }
.Ltmp2:
0x39: {  	[tilespmem:s25+$0x6020] =	vst v0;
	(pc) =	sbr.rel @p1 .LBB2_2-.Ltmp2, $4  }
0x3a: {  	[tilespmem:s25+$0x6030] =	vst v0  }
0x3b: {  	[tilespmem:s25+$0x6040] =	vst v0  }
0x3c: {  	[tilespmem:s25+$0x6050] =	vst v0  }
0x3d: {  	[tilespmem:s25+$0x6060] =	vst v0;
	s25 =	sshra.s32 s26, $0x2;
	s26 =	sadd.s32 $0x200, s26  }
0x3e: {  	[tilespmem:s25+$0x6070] =	vst v0  }
0x3f: {  	[tilespmem:s25+$0x6000] =	vst v0  }
0x40: {  	[tilespmem:s25+$0x6010] =	vst v0  }
0x41: {  	[tilespmem:s25+$0x6020] =	vst v0  }
0x42: {  	[tilespmem:s25+$0x6030] =	vst v0  }
0x43: {  	[tilespmem:s25+$0x6040] =	vst v0  }
0x44: {  	[tilespmem:s25+$0x6050] =	vst v0  }
0x45: {  	[tilespmem:s25+$0x6060] =	vst v0  }
0x46: {  	[spmem:s5] =	stream.linear.scatter [tilespmem:s20], [sflag:$0x2], $0x4000, $0x38;
	[tilespmem:$0x1E000] =	vst v63  }
0x47: {  	_ =	swait.ge [sflag:s21], $0x4000  }
0x48: {  	[sflag:s21] =	ssyncset.done $0x0  }
0x49: {  	[sflag:s21] =	ssyncadd.s32 $0xFFFFC000  }
0x4a: {  	[spmem:s6] =	stream.linear.scatter [tilespmem:s20], [sflag:$0x2], $0x4000, $0x38;
	[tilespmem:$0x1E000] =	vst v63  }
0x4b: {  	_ =	swait.ge [sflag:s21], $0x4000  }
0x4c: {  	[sflag:s21] =	ssyncset.done $0x0  }
0x4d: {  	[sflag:s21] =	ssyncadd.s32 $0xFFFFC000  }
0x4e: {  	[spmem:s7] =	stream.linear.scatter [tilespmem:s20], [sflag:$0x2], $0x4000, $0x38;
	[tilespmem:$0x1E000] =	vst v63  }
0x4f: {  	_ =	swait.ge [sflag:s21], $0x4000  }
0x50: {  	[sflag:s21] =	ssyncset.done $0x0  }
0x51: {  	[sflag:s21] =	ssyncadd.s32 $0xFFFFC000  }
0x52: {  	[spmem:s8] =	stream.linear.scatter [tilespmem:s20], [sflag:$0x2], $0x4000, $0x38;
	[tilespmem:$0x1E000] =	vst v63  }
0x53: {  	_ =	swait.ge [sflag:s21], $0x4000  }
0x54: {  	[sflag:s21] =	ssyncset.done $0x0  }
0x55: {  	[sflag:s21] =	ssyncadd.s32 $0xFFFFC000  }
0x56: {  	[spmem:s9] =	stream.linear.scatter [tilespmem:s20], [sflag:$0x2], $0x4000, $0x38;
	[tilespmem:$0x1E000] =	vst v63  }
.Ltmp3:
0x57: {  	_ =	swait.ge [sflag:s21], $0x4000;
	(pc) =	sbr.rel @!p0 .LBB2_4-.Ltmp3, $4  }
0x58: {  	[sflag:s21] =	ssyncset.done $0x0  }
0x59: {  	[sflag:s21] =	ssyncadd.s32 $0xFFFFC000  }
0x5a: {  	[bflag:$0x0] =	sbarrier.arrive $0xFFFF  }
0x5b: {  	s25 =	simm.s32 $0x0  }
0x5c: {  	[tilespmem:s25], [sflag:$0x2] =	stream.linear.gather [hbm4b:s12+s25], $0x2100, $0x38;
	[tilespmem:$0x1E000] =	vst v63  }
0x5d: {  	_ =	swait.ge [sflag:s21], $0x2100  }
0x5e: {  	[sflag:s21] =	ssyncset.done $0x0  }
0x5f: {  	[sflag:s21] =	ssyncadd.s32 $0xFFFFDF00  }
0x60: {  	[tilespmem:s22], [sflag:$0x2] =	stream.linear.gather [hbm4b:s13+s25], $0x2100, $0x38;
	[tilespmem:$0x1E000] =	vst v63  }
0x61: {  	_ =	swait.ge [sflag:s21], $0x2100  }
0x62: {  	[sflag:s21] =	ssyncset.done $0x0  }
0x63: {  	s30 =	simm.s32 $0x0;
	[sflag:s21] =	ssyncadd.s32 $0xFFFFDF00  }
0x64: {  	[tilespmem:s20], [sflag:$0x1] =	stream.indirect.gather [hbm4b:s4+s23], $0x80, s30, s23, $0xb8;
	[tilespmem:$0x1E000] =	vst v63  }
0x65: {  	_ =	swait.ge [sflag:s24], $0x4000  }
0x66: {  	[sflag:s24] =	ssyncset.done $0x0  }
0x67: {  	s31 =	simm.s32 $0x3000;
	[sflag:s24] =	ssyncadd.s32 $0xFFFFC000  }
0x68: {  	[spmem:s2] =	stream.indirect.scatter.add.f32 [tilespmem:s20], [sflag:$0x2], $0x80, s31, s23, $0xb8;
	[tilespmem:$0x1E000] =	vst v63  }
0x69: {  	_ =	swait.ge [sflag:s21], $0x4000  }
0x6a: {  	s26 =	simm.s32 $0x400;
	s25 =	simm.s32 $0x200;
	[sflag:s21] =	ssyncset.done $0x0  }
.LBB2_8:
0x6b: {  	s28 =	sshra.s32 s25, $0x2  }
0x6c: {  	[sflag:s21] =	ssyncadd.s32 $0xFFFFC000;
	s25 =	smov.u32 s26;
	s29 =	sadd.s32 $0x200, s26  }
0x6d: {  	[tilespmem:s20], [sflag:$0x1] =	stream.indirect.gather [hbm4b:s4+s23], $0x80, s28, s23, $0xb8;
	[tilespmem:$0x1E000] =	vst v63  }
0x6e: {  	p1 =	sne.s32 s26, $0x8200;
	_ =	swait.ge [sflag:s24], $0x4000  }
.Ltmp4:
0x6f: {  	[sflag:s24] =	ssyncset.done $0x0;
	(pc) =	sbr.rel @p1 .LBB2_8-.Ltmp4, $4  }
0x70: {  	s26 =	sadd.s32 $0x3000, s28;
	[sflag:s24] =	ssyncadd.s32 $0xFFFFC000  }
0x71: {  	[spmem:s2] =	stream.indirect.scatter.add.f32 [tilespmem:s20], [sflag:$0x2], $0x80, s26, s23, $0xb8;
	[tilespmem:$0x1E000] =	vst v63  }
0x72: {  	_ =	swait.ge [sflag:s21], $0x4000  }
0x73: {  	s26 =	smov.u32 s29;
	[sflag:s21] =	ssyncset.done $0x0  }
0x74: {  	s25 =	sshra.s32 s25, $0x2;
	[sflag:s21] =	ssyncadd.s32 $0xFFFFC000  }
0x75: {  	[tilespmem:s20], [sflag:$0x1] =	stream.indirect.gather [hbm4b:s4+s23], $0x80, s25, s23, $0xb8;
	[tilespmem:$0x1E000] =	vst v63  }
0x76: {  	_ =	swait.ge [sflag:s24], $0x4000  }
0x77: {  	[sflag:s24] =	ssyncset.done $0x0  }
.Ltmp5:
0x78: {  	s25 =	sadd.s32 $0x3000, s25;
	[sflag:s24] =	ssyncadd.s32 $0xFFFFC000;
	(pc) =	sbr.rel .LBB2_10-.Ltmp5, $4  }
0x79: {  	[spmem:s2] =	stream.indirect.scatter.add.f32 [tilespmem:s20], [sflag:$0x2], $0x80, s25, s23, $0xb8;
	[tilespmem:$0x1E000] =	vst v63  }
0x7a: {  	_ =	swait.ge [sflag:s21], $0x4000  }
0x7b: {  	[sflag:s21] =	ssyncset.done $0x0  }
0x7c: {  	[sflag:s21] =	ssyncadd.s32 $0xFFFFC000  }
.LBB2_4:
0x7d: {  	[tilespmem:s25], [sflag:$0x2] =	stream.linear.gather [hbm4b:s10+s25], $0x2D80, $0x38;
	[tilespmem:$0x1E000] =	vst v63  }
0x7e: {  	_ =	swait.ge [sflag:s21], $0x2D80  }
0x7f: {  	[sflag:s21] =	ssyncset.done $0x0  }
0x80: {  	[sflag:s21] =	ssyncadd.s32 $0xFFFFD280  }
0x81: {  	[tilespmem:s22], [sflag:$0x2] =	stream.linear.gather [hbm4b:s11+s25], $0x2D80, $0x38;
	[tilespmem:$0x1E000] =	vst v63  }
0x82: {  	_ =	swait.ge [sflag:s21], $0x2D80  }
0x83: {  	[sflag:s21] =	ssyncset.done $0x0  }
0x84: {  	s30 =	simm.s32 $0x0;
	[sflag:s21] =	ssyncadd.s32 $0xFFFFD280  }
0x85: {  	[tilespmem:s20], [sflag:$0x1] =	stream.indirect.gather [hbm4b:s4+s23], $0x80, s30, s23, $0xb8;
	[tilespmem:$0x1E000] =	vst v63  }
0x86: {  	_ =	swait.ge [sflag:s24], $0x4000  }
0x87: {  	[sflag:s24] =	ssyncset.done $0x0  }
0x88: {  	s31 =	simm.s32 $0x3000;
	[sflag:s24] =	ssyncadd.s32 $0xFFFFC000  }
0x89: {  	[spmem:s2] =	stream.indirect.scatter.add.f32 [tilespmem:s20], [sflag:$0x2], $0x80, s31, s23, $0xb8;
	[tilespmem:$0x1E000] =	vst v63  }
0x8a: {  	_ =	swait.ge [sflag:s21], $0x4000  }
0x8b: {  	s26 =	simm.s32 $0x400;
	s25 =	simm.s32 $0x200;
	[sflag:s21] =	ssyncset.done $0x0  }
.LBB2_5:
0x8c: {  	s28 =	sshra.s32 s25, $0x2  }
0x8d: {  	[sflag:s21] =	ssyncadd.s32 $0xFFFFC000;
	s25 =	smov.u32 s26;
	s29 =	sadd.s32 $0x200, s26  }
0x8e: {  	[tilespmem:s20], [sflag:$0x1] =	stream.indirect.gather [hbm4b:s4+s23], $0x80, s28, s23, $0xb8;
	[tilespmem:$0x1E000] =	vst v63  }
0x8f: {  	p1 =	seq.s32 s26, $0xB400;
	_ =	swait.ge [sflag:s24], $0x4000  }
.Ltmp6:
0x90: {  	[sflag:s24] =	ssyncset.done $0x0;
	(pc) =	sbr.rel @!p1 .LBB2_5-.Ltmp6, $4  }
0x91: {  	s26 =	sadd.s32 $0x3000, s28;
	[sflag:s24] =	ssyncadd.s32 $0xFFFFC000  }
0x92: {  	[spmem:s2] =	stream.indirect.scatter.add.f32 [tilespmem:s20], [sflag:$0x2], $0x80, s26, s23, $0xb8;
	[tilespmem:$0x1E000] =	vst v63  }
0x93: {  	_ =	swait.ge [sflag:s21], $0x4000  }
0x94: {  	s26 =	smov.u32 s29;
	[sflag:s21] =	ssyncset.done $0x0  }
.Ltmp7:
0x95: {  	_ = 	snop;
	(pc) =	sbr.rel .LBB2_6-.Ltmp7, $1  }
0x96: {  	_ =	sdelay $0x3  }
.LBB2_11:
0x97: {  	_ =	sfence.sel $0x180000  }
0x98: {  	[bflag:$0x0] =	sbarrier.arrive $0xFFFF  }
0x99: {  	p0 =	sne.s32 s1, $0x0;
	_ =	strace $0x9000004D  }
0x9a: {  	s0 =	sadd.s32 @!p0 $0x100000, s0;
	[bflag:$0x2] =	sbarrier.arrive $0xFFFF  }
0x9b: {  	[sflag:s0] =	ssyncadd.tile.s32 @!p0 $0x1;
	_ =	shalt  }
.Lfunc_end2:
_tile_overlayer_lowered:
.L_overlay_start_2:
0x9c: {  	(tag) =	ssettag $0x2  }
0x9d: {  	s0 =	rddreg [dreg:$0x0];
	s2 =	stileid.u32  }
0x9e: {  	s1 =	rddreg [dreg:$0x1];
	p0 =	sne.s32 s2, $0x0  }
0x9f: {  	s3 =	rddreg [dreg:$0x2];
	[bflag:$0x3] =	sbarrier.arrive $0xFFFF;
	s2 =	simm.s32 @!p0 $0x1C02  }
0xa0: {  	[timem:s3], [sflag:s2] =	dma.local @!p0 [hbm:s0], s1  }
0xa1: {  	s0 =	simm.s32 @!p0 $0x2  }
0xa2: {  	_ =	swait.ge @!p0 [sflag:s0], s1  }
0xa3: {  	s1 =	ssub.s32 @!p0 $0x0, s1;
	[sflag:s0] =	ssyncset.done @!p0 $0x0  }
0xa4: {  	[sflag:s0] =	ssyncadd.s32 @!p0 s1  }
0xa5: {  	[bflag:$0x3] =	sbarrier.arrive $0xFFFF  }
0xa6: {  	_ =	shalt  }

// kernel: kernel.20.cloned.1.call-start
scs
__scs_entry_jumppad:
0x0: {  	(pc) =	sbr.rel $0x88, $3  }
0x1: {  	(tag) =	ssettag $0x0;
	lr =	simm.s32 $0x1  }
0x2: {  	[smem:$0x3F97] =	sst lr;
	_ =	strace $0xD0000000  }
0x3: {  	_ = 	snop  }
0x4: {  	_ = 	snop  }
0x5: {  	_ = 	snop  }
0x6: {  	_ = 	snop  }
0x7: {  	_ = 	snop  }
__scs_overlays_trampoline_lowered:
0x8: {  	[smem:$0x3FA6] =	sst s0  }
0x9: {  	[smem:$0x3FA7] =	sst s1  }
0xa: {  	[smem:$0x3FA8] =	sst s2  }
0xb: {  	[smem:$0x3FA9] =	sst s3  }
0xc: {  	[smem:$0x3FAA] =	sst s4  }
0xd: {  	[smem:$0x3FAB] =	sst s5  }
0xe: {  	[smem:$0x3FAC] =	sst s6  }
0xf: {  	[smem:$0x3FAD] =	sst s7  }
0x10: {  	[smem:$0x3FAE] =	sst s8  }
0x11: {  	[smem:$0x3FAF] =	sst s9;
	s0 =	simm.s32 @!p0 $0x0  }
0x12: {  	s1 =	sld [smem:$0x3F95];
	s0 =	simm.s32 @p0 $0x1  }
0x13: {  	[smem:$0x3FB0] =	sst s0;
	s0 =	simm.s32 @!p1 $0x0  }
0x14: {  	s2 =	sld [smem:$0x3F94];
	s0 =	simm.s32 @p1 $0x1  }
0x15: {  	[smem:$0x3FB1] =	sst s0;
	s0 =	simm.s32 @!p2 $0x0  }
0x16: {  	s3 =	sld [smem:$0x3FDB];
	s0 =	simm.s32 @p2 $0x1  }
0x17: {  	s4 =	simm.s32 $0x1BF5;
	[smem:$0x3FB3] =	sst s0  }
0x18: {  	s0 =	sld [smem:$0x3F96];
	_ =	swait.ge [sflag:s4], $0x0  }
0x19: {  	s7 =	sld [smem:$0x3F97]  }
0x1a: {  	s8 =	sadd.s32 $0xFFFFE003, lr  }
0x1b: {  	s9 =	sadd.s32 $0xFFFFFEF7, lr;
	s5 =	simm.s32 $0xFFFFFFFF;
	p2 =	slt.u32 s8, $0xFFFFF086  }
0x1c: {  	p1 =	slt.u32 s9, $0xF7A;
	s5 =	simm.s32 @!p2 $0x0  }
0x1d: {  	s5 =	simm.s32 @p1 $0x1;
	p0 =	seq.s32 s7, s2  }
0x1e: {  	s7 =	smul.u32 @!p0 $0xF7A, s2;
	p2 =	seq.s32 @!p0 s5, $0x0  }
0x1f: {  	s9 =	smul.u32 $0xF7A, s1;
	s8 =	simm.s32 @!p0 $0x1BF5;
	p2 =	por !p2, p0  }
0x20: {  	[sflag:s8] =	ssyncset.s32 @!p0 $0xFFFFF086;
	s6 =	sadd.s32 @!p0 s3, s7;
	s7 =	simm.s32 @!p0 $0x108  }
0x21: {  	s3 =	sadd.s32 s3, s9;
	s6 =	sadd.s32 @!p0 $0x88, s6;
	s7 =	simm.s32 @p2 $0x1082  }
0x22: {  	[simem:s7], [sflag:s8] =	dma.local @!p0 [hbm:s6], $0xF7A  }
0x23: {  	s9 =	sor.u32 $0xD0000000, s2;
	s6 =	simm.s32 $0x108;
	_ =	swait.ge @!p0 [sflag:s8], $0x0  }
0x24: {  	s3 =	sadd.s32 $0x88, s3;
	s6 =	simm.s32 @!p1 $0x1082;
	[sflag:s4] =	ssyncset.s32 $0xFFFFF086  }
0x25: {  	[simem:s6], [sflag:s4] =	dma.local [hbm:s3], $0xF7A  }
0x26: {  	[smem:$0x3F97] =	sst s1;
	(tag) =	ssettag s2;
	_ =	strace s9  }
0x27: {  	s1 =	sld [smem:$0x3FA7]  }
0x28: {  	s2 =	sld [smem:$0x3FA8]  }
0x29: {  	s4 =	sld [smem:$0x3FAA]  }
0x2a: {  	p0 =	seq.s32 s5, $0x0;
	s5 =	sld [smem:$0x3FAB]  }
0x2b: {  	s6 =	sld [smem:$0x3FAC]  }
0x2c: {  	s7 =	sld [smem:$0x3FAD]  }
0x2d: {  	s3 =	simm.s32 $0x108;
	s8 =	sld [smem:$0x3FAE]  }
0x2e: {  	s3 =	simm.s32 @!p0 $0x1082;
	s9 =	sld [smem:$0x3FAF]  }
0x2f: {  	lr =	sadd.s32 s0, s3;
	s0 =	sld [smem:$0x3FA6]  }
0x30: {  	s3 =	sld [smem:$0x3FA9]  }
0x31: {  	[smem:$0x3FB2] =	sst s10  }
0x32: {  	s10 =	sld [smem:$0x3FB0];
	_ =	sdelay $0x3  }
0x33: {  	p0 =	seq.s32 s10, $0x1;
	s10 =	sld [smem:$0x3FB2];
	_ =	sdelay $0x3  }
0x34: {  	[smem:$0x3FB2] =	sst s10  }
0x35: {  	s10 =	sld [smem:$0x3FB1];
	_ =	sdelay $0x3  }
0x36: {  	p1 =	seq.s32 s10, $0x1;
	s10 =	sld [smem:$0x3FB2];
	_ =	sdelay $0x3  }
0x37: {  	[smem:$0x3FB2] =	sst s10  }
0x38: {  	s10 =	sld [smem:$0x3FB3]  }
0x39: {  	_ = 	snop;
	(pc) =	sbr.ind lr, $3  }
0x3a: {  	_ = 	snop  }
0x3b: {  	_ = 	snop  }
0x3c: {  	p2 =	seq.s32 s10, $0x1;
	s10 =	sld [smem:$0x3FB2]  }
0x3d: {  	_ =	shalt  }
0x3e: {  	_ =	shalt  }
0x3f: {  	_ =	shalt  }
0x40: {  	_ =	shalt  }
0x41: {  	_ =	shalt  }
0x42: {  	_ =	shalt  }
0x43: {  	_ =	shalt  }
0x44: {  	_ =	shalt  }
0x45: {  	_ =	shalt  }
0x46: {  	_ =	shalt  }
0x47: {  	_ =	shalt  }
0x48: {  	_ =	shalt  }
0x49: {  	_ =	shalt  }
0x4a: {  	_ =	shalt  }
0x4b: {  	_ =	shalt  }
0x4c: {  	_ =	shalt  }
0x4d: {  	_ =	shalt  }
0x4e: {  	_ =	shalt  }
0x4f: {  	_ =	shalt  }
0x50: {  	_ =	shalt  }
0x51: {  	_ =	shalt  }
0x52: {  	_ =	shalt  }
0x53: {  	_ =	shalt  }
0x54: {  	_ =	shalt  }
0x55: {  	_ =	shalt  }
0x56: {  	_ =	shalt  }
0x57: {  	_ =	shalt  }
0x58: {  	_ =	shalt  }
0x59: {  	_ =	shalt  }
0x5a: {  	_ =	shalt  }
0x5b: {  	_ =	shalt  }
0x5c: {  	_ =	shalt  }
0x5d: {  	_ =	shalt  }
0x5e: {  	_ =	shalt  }
0x5f: {  	_ =	shalt  }
0x60: {  	_ =	shalt  }
0x61: {  	_ =	shalt  }
0x62: {  	_ =	shalt  }
0x63: {  	_ =	shalt  }
0x64: {  	_ =	shalt  }
0x65: {  	_ =	shalt  }
0x66: {  	_ =	shalt  }
0x67: {  	_ =	shalt  }
0x68: {  	_ =	shalt  }
0x69: {  	_ =	shalt  }
0x6a: {  	_ =	shalt  }
0x6b: {  	_ =	shalt  }
0x6c: {  	_ =	shalt  }
0x6d: {  	_ =	shalt  }
0x6e: {  	_ =	shalt  }
0x6f: {  	_ =	shalt  }
0x70: {  	_ =	shalt  }
0x71: {  	_ =	shalt  }
0x72: {  	_ =	shalt  }
0x73: {  	_ =	shalt  }
0x74: {  	_ =	shalt  }
0x75: {  	_ =	shalt  }
0x76: {  	_ =	shalt  }
0x77: {  	_ =	shalt  }
0x78: {  	_ =	shalt  }
0x79: {  	_ =	shalt  }
0x7a: {  	_ =	shalt  }
0x7b: {  	_ =	shalt  }
0x7c: {  	_ =	shalt  }
0x7d: {  	_ =	shalt  }
0x7e: {  	_ =	shalt  }
0x7f: {  	_ =	shalt  }
0x80: {  	_ =	shalt  }
0x81: {  	_ =	shalt  }
0x82: {  	_ =	shalt  }
0x83: {  	_ =	shalt  }
0x84: {  	_ =	shalt  }
0x85: {  	_ =	shalt  }
0x86: {  	_ =	shalt  }
0x87: {  	_ =	shalt  }
.Lfunc_end0:
.L_simem_size_0:
called_computation.3_lowered:
.L_overlay_start_0:
0x88: {  	s2 =	sld [smem:$0x3FD9]  }
0x89: {  	s3 =	sld [smem:$0x3FFE];
	_ =	sdelay $0x1  }
0x8a: {  	s1 =	srdreg.scid  }
0x8b: {  	s0 =	sand.u32 $0x1, s1  }
0x8c: {  	s16 =	sshll.u32 s0, $0xA;
	s2 =	sadd.s32 s3, s2  }
0x8d: {  	s2 =	sadd.s32 s2, s16  }
0x8e: {  	[smem:$0x3FBE] =	sst s2  }
0x8f: {  	_ = 	snop  }
0x90: {  	(tm) =	ssettm $0x1  }
0x91: {  	s17 =	sld [smem:$0x3FFB];
	_ =	sdelay $0x3  }
0x92: {  	_ =	strace s17  }
0x93: {  	s2 =	sld [smem:$0x3FFC];
	_ =	sdelay $0x3  }
0x94: {  	_ =	strace s2  }
0x95: {  	s2 =	sld [smem:$0x3FFD];
	_ =	sdelay $0x3  }
0x96: {  	_ =	strace s2  }
0x97: {  	_ =	strace $0x8FFFFFFF  }
0x98: {  	s18 =	sld [smem:$0x3FDB];
	_ =	sdelay $0x1  }
0x99: {  	s19 =	simm.s32 $_scs_section_size  }
0x9a: {  	s4 =	simm.s32 $_size__tile_overlayer_lowered;
	s5 =	simm.s32 $_tile_overlayer_lowered  }
0x9b: {  	s22 =	simm.s32 $0x1BFF;
	s21 =	sshll.u32 s5, $0x1;
	s2 =	sadd.s32 s19, s18  }
0x9c: {  	s6 =	simm.s32 $0x0;
	s20 =	sshll.u32 s4, $0x1;
	s4 =	sadd.s32 s21, s2  }
0x9d: {  	[timem:s6], [sflag:s22] =	dma.local [hbm:s4], s20  }
0x9e: {  	_ =	swait.ge [sflag:s22], s20  }
0x9f: {  	s3 =	ssub.s32 $0x0, s20;
	[sflag:s22] =	ssyncset.done $0x0  }
0xa0: {  	[sflag:s22] =	ssyncadd.s32 s3;
	_ =	sdelay $0x1  }
0xa1: {  	s23 =	simm.s32 $0x1B8B  }
0xa2: {  	_ =	swait.ge [sflag:s23], $0x1  }
0xa3: {  	[sflag:s23] =	ssyncset.done $0x0  }
0xa4: {  	s25 =	simm.s32 $0x1B8E;
	s24 =	sld [smem:$0x3FFE];
	[sflag:s23] =	ssyncadd.s32 $0xFFFFFFFF  }
0xa5: {  	s26 =	simm.s32 $execute0_lowered;
	[smem:$0x3FD2] =	sst s25  }
0xa6: {  	s4 =	sshll.u32 s26, $0x1;
	_ =	strace $0x8000004F;
	[dreg:$0x1] =	wrdreg $0xFFFFFFFF  }
0xa7: {  	s28 =	simm.s32 $_size_execute0_lowered;
	s2 =	sadd.s32 s2, s4;
	[dreg:$0x0] =	wrdreg $0x0  }
0xa8: {  	s4 =	sshll.u32 s28, $0x1;
	[dreg:$0x2] =	wrdreg s2  }
0xa9: {  	[dreg:$0x3] =	wrdreg s4  }
0xaa: {  	[dreg:$0x4] =	wrdreg $0xC0  }
0xab: {  	_ =	task [dreg:s6], $0x5FFFF  }
0xac: {  	[dreg:$0x1] =	wrdreg $0xFFFFFFFF  }
0xad: {  	[dreg:$0x0] =	wrdreg $0x60  }
0xae: {  	[dreg:$0x2] =	wrdreg s24  }
0xaf: {  	[dreg:$0x3] =	wrdreg $0xA0000  }
0xb0: {  	[dreg:$0x4] =	wrdreg $0x9  }
0xb1: {  	_ =	task.clear_ibuf [dreg:s6], $0x5FFFF;
	_ =	strace $0x9000004F  }
0xb2: {  	s29 =	simm.s32 $0x9;
	_ =	strace $0x80000051  }
0xb3: {  	_ =	swait.ge [sflag:s29], $0x1  }
0xb4: {  	[sflag:s29] =	ssyncadd.s32 $0xFFFFFFFF  }
0xb5: {  	_ =	strace $0x90000051  }
0xb6: {  	_ =	sfence  }
0xb7: {  	s30 =	sld [smem:$0x0];
	_ =	sdelay $0x2  }
0xb8: {  	s31 =	sshll.u32 s1, $0xD;
	s1 =	sshrl.u32 s1, $0x2  }
0xb9: {  	s3 =	sand.u32 $0x4000, s31;
	s1 =	sadd.s32 s1, s30  }
0xba: {  	s0 =	sor.u32 s3, s0;
	s1 =	sshll.u32 s1, $0x11  }
0xbb: {  	s0 =	sor.u32 s1, s0  }
0xbc: {  	s0 =	sadd.s32 $0x8F2B, s0  }
0xbd: {  	[sflag:s0] =	ssyncadd.remote.s32 $0x1  }
0xbe: {  	_ =	sfence.sel $0xFFFF  }
0xbf: {  	[dreg:$0x0] =	wrdreg $0xFFFFFFFF;
	(pc) =	sbr.abs _section_cstart, $3  }
0xc0: {  	[dreg:$0x1] =	wrdreg $0xFFFFFFFF  }
0xc1: {  	_ =	task.clear_ibuf [dreg:s6], $0x2FFFF;
	_ =	strace $0x9FFFFFFF  }
0xc2: {  	(tm) =	ssettm $0x7FFFFFFF  }
0xc3: {  	_ =	shalt  }
tec
execute0_lowered:
.L_overlay_start_1:
0x0: {  	(tag) =	ssettag $0x1  }
0x1: {  	s5 =	rddreg [dreg:$0x0]  }
0x2: {  	s2 =	rddreg [dreg:$0x1]  }
0x3: {  	s0 =	rddreg [dreg:$0x2];
	s1 =	stileid.u32  }
0x4: {  	s3 =	simm.s32 $0x0;
	s7 =	srdreg.scid;
	s4 =	smul.u32 $0x600, s1  }
0x5: {  	s23 =	simm.s32 $0x80;
	s24 =	simm.s32 $0x1;
	s6 =	smul.u32 $0x480, s1  }
0x6: {  	[smem:$0x7FF] =	sst s3;
	s10 =	sand.u32 $0x1, s7;
	s30 =	smul.u32 $0x50000, s1  }
0x7: {  	s12 =	smul.u32 $0x14000, s1;
	s18 =	sadd.s32 $0x67000, s5;
	_ =	strace $0x80000050  }
0x8: {  	s29 =	ssub.s32 $0x2, s10;
	s21 =	smul.u32 $0x140000, s10;
	p0 =	seq.s32 s10, $0x1  }
0x9: {  	s11 =	sadd.s32 s4, s5;
	s13 =	sadd.s32 s6, s5;
	s4 =	sadd.s32 $0x2000, s5  }
0xa: {  	s8 =	sshrl.u32 s29, $0x1;
	s31 =	sshrl.u32 s30, $0x2;
	s14 =	sadd.s32 $0x4000, s12  }
0xb: {  	s16 =	sadd.s32 $0x8000, s12;
	s17 =	sadd.s32 $0xC000, s12;
	s20 =	sadd.s32 $0x10000, s12  }
0xc: {  	s19 =	ssub.s32 s29, s8;
	s5 =	sadd.s32 s31, s2;
	s6 =	sadd.s32 s14, s2  }
0xd: {  	s7 =	sadd.s32 s16, s2;
	s8 =	sadd.s32 s17, s2;
	s9 =	sadd.s32 s20, s2  }
0xe: {  	s10 =	sadd.s32 $0x5B000, s11;
	s11 =	sadd.s32 $0x61000, s11;
	s15 =	sadd.s32 s12, s21  }
0xf: {  	s14 =	sadd.s32 s21, s14;
	s12 =	sadd.s32 $0x56800, s13;
	s13 =	sadd.s32 $0x52000, s13  }
0x10: {  	s16 =	sadd.s32 s21, s16;
	s17 =	sadd.s32 s21, s17;
	s20 =	sadd.s32 s21, s20  }
.Ltmp0:
0x11: {  	s21 =	simm.s32 $0x2;
	s15 =	sshrl.u32 s15, $0x3;
	(pc) =	sbr.rel .LBB2_1-.Ltmp0, $4  }
0x12: {  	s22 =	sshrl.u32 s14, $0x3;
	s16 =	sshrl.u32 s16, $0x3;
	s17 =	sshrl.u32 s17, $0x3  }
0x13: {  	s20 =	sshrl.u32 s20, $0x3;
	s19 =	smax.u32 s19, $0x1;
	s14 =	sadd.s32 s18, s15  }
0x14: {  	s15 =	sadd.s32 s18, s22;
	s16 =	sadd.s32 s18, s16;
	s17 =	sadd.s32 s18, s17  }
0x15: {  	v0 =	vimm.f32 $0.0e+00;
	s18 =	sadd.s32 s18, s20;
	s20 =	simm.s32 $0x6000;
	s22 =	simm.s32 $0x3000  }
.LBB2_6:
0x16: {  	s25 =	sshra.s32 s25, $0x2;
	[sflag:s21] =	ssyncadd.s32 $0xFFFFC000  }
0x17: {  	[tilespmem:s20], [sflag:$0x1] =	stream.indirect.gather [hbm4b:s4+s23], $0x80, s25, s23, $0xb8;
	[tilespmem:$0x1E000] =	vst v63  }
0x18: {  	_ =	swait.ge [sflag:s24], $0x4000  }
0x19: {  	[sflag:s24] =	ssyncset.done $0x0  }
0x1a: {  	s25 =	sadd.s32 $0x3000, s25;
	[sflag:s24] =	ssyncadd.s32 $0xFFFFC000  }
0x1b: {  	[spmem:s2] =	stream.indirect.scatter.add.f32 [tilespmem:s20], [sflag:$0x2], $0x80, s25, s23, $0xb8;
	[tilespmem:$0x1E000] =	vst v63  }
0x1c: {  	_ =	swait.ge [sflag:s21], $0x4000  }
0x1d: {  	[sflag:s21] =	ssyncset.done $0x0  }
0x1e: {  	[sflag:s21] =	ssyncadd.s32 $0xFFFFC000  }
.LBB2_10:
0x1f: {  	s25 =	sshll.u32 s1, $0x6  }
0x20: {  	[bflag:$0x0] =	sbarrier.arrive $0xFFFF;
	s26 =	sshrl.u32 s5, $0x3;
	s25 =	sor.u32 $0x1C02, s25  }
0x21: {  	[hbm:s14], [sflag:s25] =	dma.local [spmem:s26], $0x800  }
0x22: {  	_ =	swait.ge [sflag:s21], $0x800  }
0x23: {  	[sflag:s21] =	ssyncset.done $0x0  }
0x24: {  	s28 =	sshrl.u32 s6, $0x3;
	[sflag:s21] =	ssyncadd.s32 $0xFFFFF800  }
0x25: {  	[hbm:s15], [sflag:s25] =	dma.local [spmem:s28], $0x800  }
0x26: {  	_ =	swait.ge [sflag:s21], $0x800  }
0x27: {  	[sflag:s21] =	ssyncset.done $0x0  }
0x28: {  	s29 =	sshrl.u32 s7, $0x3;
	[sflag:s21] =	ssyncadd.s32 $0xFFFFF800  }
0x29: {  	[hbm:s16], [sflag:s25] =	dma.local [spmem:s29], $0x800  }
0x2a: {  	_ =	swait.ge [sflag:s21], $0x800  }
0x2b: {  	[sflag:s21] =	ssyncset.done $0x0  }
0x2c: {  	s30 =	sshrl.u32 s8, $0x3;
	[sflag:s21] =	ssyncadd.s32 $0xFFFFF800  }
0x2d: {  	[hbm:s17], [sflag:s25] =	dma.local [spmem:s30], $0x800  }
0x2e: {  	s3 =	sadd.s32 $0x1, s3;
	_ =	swait.ge [sflag:s21], $0x800  }
0x2f: {  	p1 =	sne.s32 s3, s19;
	[sflag:s21] =	ssyncset.done $0x0  }
.Ltmp1:
0x30: {  	s31 =	sshrl.u32 s9, $0x3;
	[sflag:s21] =	ssyncadd.s32 $0xFFFFF800;
	(pc) =	sbr.rel @!p1 .LBB2_11-.Ltmp1, $4  }
0x31: {  	[hbm:s18], [sflag:s25] =	dma.local [spmem:s31], $0x800  }
0x32: {  	_ =	swait.ge [sflag:s21], $0x800  }
0x33: {  	[sflag:s21] =	ssyncset.done $0x0  }
0x34: {  	[sflag:s21] =	ssyncadd.s32 $0xFFFFF800  }
.LBB2_1:
0x35: {  	s25 =	simm.s32 $0x0;
	s26 =	simm.s32 $0x200  }
.LBB2_2:
0x36: {  	p1 =	sne.s32 s26, $0xFE00;
	[tilespmem:s25+$0x6070] =	vst v0  }
0x37: {  	[tilespmem:s25+$0x6000] =	vst v0  }
0x38: {  	[tilespmem:s25+$0x6010] =	vst v0  }
.Ltmp2:
0x39: {  	[tilespmem:s25+$0x6020] =	vst v0;
	(pc) =	sbr.rel @p1 .LBB2_2-.Ltmp2, $4  }
0x3a: {  	[tilespmem:s25+$0x6030] =	vst v0  }
0x3b: {  	[tilespmem:s25+$0x6040] =	vst v0  }
0x3c: {  	[tilespmem:s25+$0x6050] =	vst v0  }
0x3d: {  	[tilespmem:s25+$0x6060] =	vst v0;
	s25 =	sshra.s32 s26, $0x2;
	s26 =	sadd.s32 $0x200, s26  }
0x3e: {  	[tilespmem:s25+$0x6070] =	vst v0  }
0x3f: {  	[tilespmem:s25+$0x6000] =	vst v0  }
0x40: {  	[tilespmem:s25+$0x6010] =	vst v0  }
0x41: {  	[tilespmem:s25+$0x6020] =	vst v0  }
0x42: {  	[tilespmem:s25+$0x6030] =	vst v0  }
0x43: {  	[tilespmem:s25+$0x6040] =	vst v0  }
0x44: {  	[tilespmem:s25+$0x6050] =	vst v0  }
0x45: {  	[tilespmem:s25+$0x6060] =	vst v0  }
0x46: {  	[spmem:s5] =	stream.linear.scatter [tilespmem:s20], [sflag:$0x2], $0x4000, $0x38;
	[tilespmem:$0x1E000] =	vst v63  }
0x47: {  	_ =	swait.ge [sflag:s21], $0x4000  }
0x48: {  	[sflag:s21] =	ssyncset.done $0x0  }
0x49: {  	[sflag:s21] =	ssyncadd.s32 $0xFFFFC000  }
0x4a: {  	[spmem:s6] =	stream.linear.scatter [tilespmem:s20], [sflag:$0x2], $0x4000, $0x38;
	[tilespmem:$0x1E000] =	vst v63  }
0x4b: {  	_ =	swait.ge [sflag:s21], $0x4000  }
0x4c: {  	[sflag:s21] =	ssyncset.done $0x0  }
0x4d: {  	[sflag:s21] =	ssyncadd.s32 $0xFFFFC000  }
0x4e: {  	[spmem:s7] =	stream.linear.scatter [tilespmem:s20], [sflag:$0x2], $0x4000, $0x38;
	[tilespmem:$0x1E000] =	vst v63  }
0x4f: {  	_ =	swait.ge [sflag:s21], $0x4000  }
0x50: {  	[sflag:s21] =	ssyncset.done $0x0  }
0x51: {  	[sflag:s21] =	ssyncadd.s32 $0xFFFFC000  }
0x52: {  	[spmem:s8] =	stream.linear.scatter [tilespmem:s20], [sflag:$0x2], $0x4000, $0x38;
	[tilespmem:$0x1E000] =	vst v63  }
0x53: {  	_ =	swait.ge [sflag:s21], $0x4000  }
0x54: {  	[sflag:s21] =	ssyncset.done $0x0  }
0x55: {  	[sflag:s21] =	ssyncadd.s32 $0xFFFFC000  }
0x56: {  	[spmem:s9] =	stream.linear.scatter [tilespmem:s20], [sflag:$0x2], $0x4000, $0x38;
	[tilespmem:$0x1E000] =	vst v63  }
.Ltmp3:
0x57: {  	_ =	swait.ge [sflag:s21], $0x4000;
	(pc) =	sbr.rel @!p0 .LBB2_4-.Ltmp3, $4  }
0x58: {  	[sflag:s21] =	ssyncset.done $0x0  }
0x59: {  	[sflag:s21] =	ssyncadd.s32 $0xFFFFC000  }
0x5a: {  	[bflag:$0x0] =	sbarrier.arrive $0xFFFF  }
0x5b: {  	s25 =	simm.s32 $0x0  }
0x5c: {  	[tilespmem:s25], [sflag:$0x2] =	stream.linear.gather [hbm4b:s12+s25], $0x2100, $0x38;
	[tilespmem:$0x1E000] =	vst v63  }
0x5d: {  	_ =	swait.ge [sflag:s21], $0x2100  }
0x5e: {  	[sflag:s21] =	ssyncset.done $0x0  }
0x5f: {  	[sflag:s21] =	ssyncadd.s32 $0xFFFFDF00  }
0x60: {  	[tilespmem:s22], [sflag:$0x2] =	stream.linear.gather [hbm4b:s13+s25], $0x2100, $0x38;
	[tilespmem:$0x1E000] =	vst v63  }
0x61: {  	_ =	swait.ge [sflag:s21], $0x2100  }
0x62: {  	[sflag:s21] =	ssyncset.done $0x0  }
0x63: {  	s30 =	simm.s32 $0x0;
	[sflag:s21] =	ssyncadd.s32 $0xFFFFDF00  }
0x64: {  	[tilespmem:s20], [sflag:$0x1] =	stream.indirect.gather [hbm4b:s4+s23], $0x80, s30, s23, $0xb8;
	[tilespmem:$0x1E000] =	vst v63  }
0x65: {  	_ =	swait.ge [sflag:s24], $0x4000  }
0x66: {  	[sflag:s24] =	ssyncset.done $0x0  }
0x67: {  	s31 =	simm.s32 $0x3000;
	[sflag:s24] =	ssyncadd.s32 $0xFFFFC000  }
0x68: {  	[spmem:s2] =	stream.indirect.scatter.add.f32 [tilespmem:s20], [sflag:$0x2], $0x80, s31, s23, $0xb8;
	[tilespmem:$0x1E000] =	vst v63  }
0x69: {  	_ =	swait.ge [sflag:s21], $0x4000  }
0x6a: {  	s26 =	simm.s32 $0x400;
	s25 =	simm.s32 $0x200;
	[sflag:s21] =	ssyncset.done $0x0  }
.LBB2_8:
0x6b: {  	s28 =	sshra.s32 s25, $0x2  }
0x6c: {  	[sflag:s21] =	ssyncadd.s32 $0xFFFFC000;
	s25 =	smov.u32 s26;
	s29 =	sadd.s32 $0x200, s26  }
0x6d: {  	[tilespmem:s20], [sflag:$0x1] =	stream.indirect.gather [hbm4b:s4+s23], $0x80, s28, s23, $0xb8;
	[tilespmem:$0x1E000] =	vst v63  }
0x6e: {  	p1 =	sne.s32 s26, $0x8200;
	_ =	swait.ge [sflag:s24], $0x4000  }
.Ltmp4:
0x6f: {  	[sflag:s24] =	ssyncset.done $0x0;
	(pc) =	sbr.rel @p1 .LBB2_8-.Ltmp4, $4  }
0x70: {  	s26 =	sadd.s32 $0x3000, s28;
	[sflag:s24] =	ssyncadd.s32 $0xFFFFC000  }
0x71: {  	[spmem:s2] =	stream.indirect.scatter.add.f32 [tilespmem:s20], [sflag:$0x2], $0x80, s26, s23, $0xb8;
	[tilespmem:$0x1E000] =	vst v63  }
0x72: {  	_ =	swait.ge [sflag:s21], $0x4000  }
0x73: {  	s26 =	smov.u32 s29;
	[sflag:s21] =	ssyncset.done $0x0  }
0x74: {  	s25 =	sshra.s32 s25, $0x2;
	[sflag:s21] =	ssyncadd.s32 $0xFFFFC000  }
0x75: {  	[tilespmem:s20], [sflag:$0x1] =	stream.indirect.gather [hbm4b:s4+s23], $0x80, s25, s23, $0xb8;
	[tilespmem:$0x1E000] =	vst v63  }
0x76: {  	_ =	swait.ge [sflag:s24], $0x4000  }
0x77: {  	[sflag:s24] =	ssyncset.done $0x0  }
.Ltmp5:
0x78: {  	s25 =	sadd.s32 $0x3000, s25;
	[sflag:s24] =	ssyncadd.s32 $0xFFFFC000;
	(pc) =	sbr.rel .LBB2_10-.Ltmp5, $4  }
0x79: {  	[spmem:s2] =	stream.indirect.scatter.add.f32 [tilespmem:s20], [sflag:$0x2], $0x80, s25, s23, $0xb8;
	[tilespmem:$0x1E000] =	vst v63  }
0x7a: {  	_ =	swait.ge [sflag:s21], $0x4000  }
0x7b: {  	[sflag:s21] =	ssyncset.done $0x0  }
0x7c: {  	[sflag:s21] =	ssyncadd.s32 $0xFFFFC000  }
.LBB2_4:
0x7d: {  	[tilespmem:s25], [sflag:$0x2] =	stream.linear.gather [hbm4b:s10+s25], $0x2D80, $0x38;
	[tilespmem:$0x1E000] =	vst v63  }
0x7e: {  	_ =	swait.ge [sflag:s21], $0x2D80  }
0x7f: {  	[sflag:s21] =	ssyncset.done $0x0  }
0x80: {  	[sflag:s21] =	ssyncadd.s32 $0xFFFFD280  }
0x81: {  	[tilespmem:s22], [sflag:$0x2] =	stream.linear.gather [hbm4b:s11+s25], $0x2D80, $0x38;
	[tilespmem:$0x1E000] =	vst v63  }
0x82: {  	_ =	swait.ge [sflag:s21], $0x2D80  }
0x83: {  	[sflag:s21] =	ssyncset.done $0x0  }
0x84: {  	s30 =	simm.s32 $0x0;
	[sflag:s21] =	ssyncadd.s32 $0xFFFFD280  }
0x85: {  	[tilespmem:s20], [sflag:$0x1] =	stream.indirect.gather [hbm4b:s4+s23], $0x80, s30, s23, $0xb8;
	[tilespmem:$0x1E000] =	vst v63  }
0x86: {  	_ =	swait.ge [sflag:s24], $0x4000  }
0x87: {  	[sflag:s24] =	ssyncset.done $0x0  }
0x88: {  	s31 =	simm.s32 $0x3000;
	[sflag:s24] =	ssyncadd.s32 $0xFFFFC000  }
0x89: {  	[spmem:s2] =	stream.indirect.scatter.add.f32 [tilespmem:s20], [sflag:$0x2], $0x80, s31, s23, $0xb8;
	[tilespmem:$0x1E000] =	vst v63  }
0x8a: {  	_ =	swait.ge [sflag:s21], $0x4000  }
0x8b: {  	s26 =	simm.s32 $0x400;
	s25 =	simm.s32 $0x200;
	[sflag:s21] =	ssyncset.done $0x0  }
.LBB2_5:
0x8c: {  	s28 =	sshra.s32 s25, $0x2  }
0x8d: {  	[sflag:s21] =	ssyncadd.s32 $0xFFFFC000;
	s25 =	smov.u32 s26;
	s29 =	sadd.s32 $0x200, s26  }
0x8e: {  	[tilespmem:s20], [sflag:$0x1] =	stream.indirect.gather [hbm4b:s4+s23], $0x80, s28, s23, $0xb8;
	[tilespmem:$0x1E000] =	vst v63  }
0x8f: {  	p1 =	seq.s32 s26, $0xB400;
	_ =	swait.ge [sflag:s24], $0x4000  }
.Ltmp6:
0x90: {  	[sflag:s24] =	ssyncset.done $0x0;
	(pc) =	sbr.rel @!p1 .LBB2_5-.Ltmp6, $4  }
0x91: {  	s26 =	sadd.s32 $0x3000, s28;
	[sflag:s24] =	ssyncadd.s32 $0xFFFFC000  }
0x92: {  	[spmem:s2] =	stream.indirect.scatter.add.f32 [tilespmem:s20], [sflag:$0x2], $0x80, s26, s23, $0xb8;
	[tilespmem:$0x1E000] =	vst v63  }
0x93: {  	_ =	swait.ge [sflag:s21], $0x4000  }
0x94: {  	s26 =	smov.u32 s29;
	[sflag:s21] =	ssyncset.done $0x0  }
.Ltmp7:
0x95: {  	_ = 	snop;
	(pc) =	sbr.rel .LBB2_6-.Ltmp7, $1  }
0x96: {  	_ =	sdelay $0x3  }
.LBB2_11:
0x97: {  	_ =	sfence.sel $0x180000  }
0x98: {  	[bflag:$0x0] =	sbarrier.arrive $0xFFFF  }
0x99: {  	p0 =	sne.s32 s1, $0x0;
	_ =	strace $0x90000050  }
0x9a: {  	s0 =	sadd.s32 @!p0 $0x100000, s0;
	[bflag:$0x2] =	sbarrier.arrive $0xFFFF  }
0x9b: {  	[sflag:s0] =	ssyncadd.tile.s32 @!p0 $0x1;
	_ =	shalt  }
.Lfunc_end2:
_tile_overlayer_lowered:
.L_overlay_start_2:
0x9c: {  	(tag) =	ssettag $0x2  }
0x9d: {  	s0 =	rddreg [dreg:$0x0];
	s2 =	stileid.u32  }
0x9e: {  	s1 =	rddreg [dreg:$0x1];
	p0 =	sne.s32 s2, $0x0  }
0x9f: {  	s3 =	rddreg [dreg:$0x2];
	[bflag:$0x3] =	sbarrier.arrive $0xFFFF;
	s2 =	simm.s32 @!p0 $0x1C02  }
0xa0: {  	[timem:s3], [sflag:s2] =	dma.local @!p0 [hbm:s0], s1  }
0xa1: {  	s0 =	simm.s32 @!p0 $0x2  }
0xa2: {  	_ =	swait.ge @!p0 [sflag:s0], s1  }
0xa3: {  	s1 =	ssub.s32 @!p0 $0x0, s1;
	[sflag:s0] =	ssyncset.done @!p0 $0x0  }
0xa4: {  	[sflag:s0] =	ssyncadd.s32 @!p0 s1  }
0xa5: {  	[bflag:$0x3] =	sbarrier.arrive $0xFFFF  }
0xa6: {  	_ =	shalt  }

</sc_bundles>
